<compile_context>
chip_gen: v7x
topology: tpu7x:2x2x1
jax: 0.10.2.dev20260603
libtpu: 0.0.44.dev20260713+nightly
codegen_flags: <defaults>
</compile_context>

<pallas_src>
import functools

import jax
import jax.numpy as jnp
from jax import lax
from jax.experimental import pallas as pl
from jax.experimental.pallas import tpu as pltpu
from jax.experimental.pallas import tpu_sc as plsc

_B = 16384
_F = 36
_E = 64
_H = 200
_C = 3
_N = _B * _F
_V = 1000000
_QP = 16384
_SH = _QP.bit_length() - 1
_NBLK = -(-_V // (2 * _QP))
_VT = _NBLK * _QP

_NC, _NS = 2, 16
_NW = _NC * _NS
_NCHUNK = 4
_BCH = _B // _NCHUNK
_SAMP_W = _BCH // _NW
_ROWS_W = _SAMP_W * _F
_SAMP_CH = 8
_ROWS_CH = _SAMP_CH * _F
_STEPS = _SAMP_W // _SAMP_CH


def _prep_kernel(et_ref, o_ref):
    et = et_ref[...]
    o_ref[...] = jnp.concatenate([et[:, :_QP], et[:, _QP:]], axis=0).T


def _tc_prep(embT):
    return pl.pallas_call(
        _prep_kernel,
        grid=(_NBLK,),
        in_specs=[pl.BlockSpec((_E, 2 * _QP), lambda i: (0, i))],
        out_specs=pl.BlockSpec((_QP, 2 * _E), lambda i: (i, 0)),
        out_shape=jax.ShapeDtypeStruct((_VT, 2 * _E), jnp.float32),
    )(embT)


def _sc_gather_pairs(embq, idxp):
    mesh = plsc.VectorSubcoreMesh(core_axis_name="c", subcore_axis_name="s")

    @functools.partial(
        pl.kernel,
        out_type=jax.ShapeDtypeStruct((_BCH, _F * 2 * _E), jnp.float32),
        mesh=mesh,
        scratch_types=[
            pltpu.VMEM((_ROWS_W,), jnp.int32),
            pltpu.VMEM((_ROWS_CH, 2 * _E), jnp.float32),
            pltpu.VMEM((_ROWS_CH, 2 * _E), jnp.float32),
            pltpu.SemaphoreType.DMA,
            pltpu.SemaphoreType.DMA,
            pltpu.SemaphoreType.DMA,
            pltpu.SemaphoreType.DMA,
        ],
    )
    def gather_kernel(table_hbm, idx_hbm, out_hbm, idx_v, rows_a, rows_b,
                      gsem_a, gsem_b, wsem_a, wsem_b):
        wid = lax.axis_index("s") * _NC + lax.axis_index("c")
        row0 = wid * _ROWS_W
        samp0 = wid * _SAMP_W
        pltpu.sync_copy(idx_hbm.at[pl.ds(row0, _ROWS_W)], idx_v)

        @pl.loop(0, _ROWS_W, step=16)
        def _(o):
            v = idx_v[pl.ds(o, 16)]
            idx_v[pl.ds(o, 16)] = ((v >> (_SH + 1)) << _SH) | (v & (_QP - 1))

        def g_start(i, rows, gsem):
            idx_c = idx_v.at[pl.ds(i * _ROWS_CH, _ROWS_CH)]
            pltpu.make_async_copy(table_hbm.at[idx_c], rows, gsem).start()

        def g_wait(rows, gsem):
            pltpu.make_async_copy(table_hbm.at[idx_v.at[pl.ds(0, _ROWS_CH)]],
                                  rows, gsem).wait()

        def w_start(i, rows, wsem):
            dst = out_hbm.at[pl.ds(samp0 + i * _SAMP_CH, _SAMP_CH)]
            pltpu.make_async_copy(
                rows.reshape(_SAMP_CH, _F * 2 * _E), dst, wsem).start()

        def w_wait(rows, wsem):
            dst = out_hbm.at[pl.ds(samp0, _SAMP_CH)]
            pltpu.make_async_copy(
                rows.reshape(_SAMP_CH, _F * 2 * _E), dst, wsem).wait()

        g_start(0, rows_a, gsem_a)

        @pl.loop(0, _STEPS // 2)
        def _(k):
            i0 = 2 * k

            @pl.when(k > 0)
            def _():
                w_wait(rows_b, wsem_b)

            g_wait(rows_a, gsem_a)
            g_start(i0 + 1, rows_b, gsem_b)
            w_start(i0, rows_a, wsem_a)
            g_wait(rows_b, gsem_b)
            w_wait(rows_a, wsem_a)

            @pl.when(k < _STEPS // 2 - 1)
            def _():
                g_start(i0 + 2, rows_a, gsem_a)

            w_start(i0 + 1, rows_b, wsem_b)

        w_wait(rows_b, wsem_b)

    return gather_kernel(embq, idxp)


_BM = 512


def _mlp_kernel(x2_ref, t_ref, w1_ref, b1_ref, w2_ref, b2_ref, o_ref):
    x2 = x2_ref[...]
    r = (t_ref[...] >> _SH) & 1
    hm = lax.broadcasted_iota(jnp.int32, (1, 2 * _E), 1) >= _E
    parts = []
    for f in range(_F):
        blk = x2[:, 2 * _E * f: 2 * _E * (f + 1)]
        rf = r[:, f: f + 1] != 0
        parts.append(jnp.where(rf == hm, blk, 0.0))
    xs = jnp.concatenate(parts, axis=1).astype(jnp.bfloat16)
    h = jnp.dot(xs, w1_ref[...], preferred_element_type=jnp.float32)
    h = jnp.maximum(h + b1_ref[...], 0.0)
    o_ref[...] = (
        jnp.dot(h, w2_ref[...], preferred_element_type=jnp.float32)
        + b2_ref[...]
    )


def _tc_mlp(x2, r, w1d, b1, w2, b2):
    k2 = _F * 2 * _E
    return pl.pallas_call(
        _mlp_kernel,
        grid=(_BCH // _BM,),
        in_specs=[
            pl.BlockSpec((_BM, k2), lambda i: (i, 0)),
            pl.BlockSpec((_BM, _F), lambda i: (i, 0)),
            pl.BlockSpec((k2, _H), lambda i: (0, 0)),
            pl.BlockSpec((1, _H), lambda i: (0, 0)),
            pl.BlockSpec((_H, _C), lambda i: (0, 0)),
            pl.BlockSpec((1, _C), lambda i: (0, 0)),
        ],
        out_specs=pl.BlockSpec((_BM, _C), lambda i: (i, 0)),
        out_shape=jax.ShapeDtypeStruct((_BCH, _C), jnp.float32),
    )(x2, r, w1d, b1, w2, b2)


def kernel(t, emb, W1, b1, W2, b2):
    embq = _tc_prep(emb.T)
    idx = t.reshape(_N)
    w1d = jnp.repeat(
        W1.reshape(_F, 1, _E, _H), 2, axis=1
    ).reshape(_F * 2 * _E, _H).astype(jnp.bfloat16)
    b1r = b1.reshape(1, _H)
    b2r = b2.reshape(1, _C)
    outs = []
    for c in range(_NCHUNK):
        idx_c = lax.slice(idx, (c * _BCH * _F,), ((c + 1) * _BCH * _F,))
        t_c = lax.slice(t, (c * _BCH, 0), ((c + 1) * _BCH, _F))
        x2c = _sc_gather_pairs(embq, idx_c)
        outs.append(_tc_mlp(x2c, t_c, w1d, b1r, W2, b2r))
    return jnp.concatenate(outs, axis=0)

# --- scband reference (transcript-rebuilt; emitter-appended) ---
"""Pipeline reference for scband-parser-model-31086973288710 (READ-ONLY COPY).

The authoritative reference and input builder live on the scoring server;
editing this copy changes nothing except your own understanding.
"""

import jax, jax.numpy as jnp
import numpy as np

N_TOKENS = 1000000
EMBED = 64
N_FEAT = 36
HIDDEN = 200
N_CLASSES = 3
BATCH = 16384


def setup_inputs(seed: int = 0) -> dict:
    key = jax.random.key(seed)
    k_t, k_emb, k_w1, k_b1, k_w2, k_b2 = jax.random.split(key, 6)
    t = jax.random.randint(k_t, (BATCH, N_FEAT), 0, N_TOKENS, dtype=jnp.int64 if jax.config.jax_enable_x64 else jnp.int32).astype(jnp.int32)
    emb = jax.random.normal(k_emb, (N_TOKENS, EMBED), dtype=jnp.float32) * 0.02
    W1 = jax.random.normal(k_w1, (EMBED * N_FEAT, HIDDEN), dtype=jnp.float32) * (1.0 / np.sqrt(EMBED * N_FEAT))
    b1 = jnp.zeros((HIDDEN,), dtype=jnp.float32)
    W2 = jax.random.normal(k_w2, (HIDDEN, N_CLASSES), dtype=jnp.float32) * (1.0 / np.sqrt(HIDDEN))
    b2 = jnp.zeros((N_CLASSES,), dtype=jnp.float32)
    return {"t": t, "emb": emb, "W1": W1, "b1": b1, "W2": W2, "b2": b2}


def reference(t, emb, W1, b1, W2, b2):
    # embedding lookup: (B, n_features) -> (B, n_features, embed)
    x = jnp.take(emb, t, axis=0)
    x = x.reshape(x.shape[0], -1)
    h = jax.nn.relu(x @ W1 + b1)
    # dropout_prob=0.0 -> identity (eval/no-op)
    logits = h @ W2 + b2
    return logits

if __name__ == "__main__":
    import jax
    _d = setup_inputs()
    print(jax.jit(kernel)(*tuple(_d.values())))

</pallas_src>

<mosaic_0001>
#map = affine_map<(d0, d1) -> (0, 0)>
#map1 = affine_map<(d0, d1) -> (0)>
module attributes {stable_mosaic.version = 14 : i64} {
  func.func @gather_kernel(%arg0: i32, %arg1: i32, %arg2: memref<507904x128xf32, #tpu.memory_space<hbm>>, %arg3: memref<147456xi32, #tpu.memory_space<hbm>>, %arg4: memref<4096x4608xf32, #tpu.memory_space<hbm>>, %arg5: memref<4608xi32, #tpu.memory_space<vmem>>, %arg6: memref<288x128xf32, #tpu.memory_space<vmem>>, %arg7: memref<288x128xf32, #tpu.memory_space<vmem>>, %arg8: memref<!tpu.dma_semaphore, #tpu.memory_space<semaphore_mem>>, %arg9: memref<!tpu.dma_semaphore, #tpu.memory_space<semaphore_mem>>, %arg10: memref<!tpu.dma_semaphore, #tpu.memory_space<semaphore_mem>>, %arg11: memref<!tpu.dma_semaphore, #tpu.memory_space<semaphore_mem>>) attributes {dimension_semantics = [#tpu.dimension_semantics<core_parallel>, #tpu.dimension_semantics<subcore_parallel>], iteration_bounds = array<i64: 2, 16>, scalar_prefetch = 0 : i64, scratch_operands = 7 : i64, tpu.core_type = #tpu.core_type<sc_vector_subcore>, window_params = [{transform_indices = #map}, {transform_indices = #map1}, {transform_indices = #map}]} {
    %mul3A = arith.constant 2 : i32
    %mul3A_0 = arith.muli %arg1, %mul3A : i32
    %add3A = arith.addi %mul3A_0, %arg0 : i32
    %mul3A_1 = arith.constant 4608 : i32
    %mul3A_2 = arith.muli %add3A, %mul3A_1 : i32
    %mul3A_3 = arith.constant 128 : i32
    %mul3A_4 = arith.muli %add3A, %mul3A_3 : i32
    "tpu.region"() ({
      %run_scoped3A = tpu.sem_alloc : memref<!tpu.dma_semaphore, #tpu.memory_space<semaphore_mem>>
      %dma_start3A_23 = tpu.memref_slice %arg3[%mul3A_2] : memref<147456xi32, #tpu.memory_space<hbm>> -> memref<4608xi32, #tpu.memory_space<hbm>>
      %dma_start3A_24 = tpu.memref_slice %arg3[%mul3A_2] : memref<147456xi32, #tpu.memory_space<hbm>> -> memref<4608xi32, #tpu.memory_space<hbm>>
      tpu.enqueue_dma source(%dma_start3A_24 : memref<4608xi32, #tpu.memory_space<hbm>>) target(%arg5 : memref<4608xi32, #tpu.memory_space<vmem>>) target_semaphore(%run_scoped3A : memref<!tpu.dma_semaphore, #tpu.memory_space<semaphore_mem>>)
      %dma_wait3A_25 = tpu.memref_slice %arg3[%mul3A_2] : memref<147456xi32, #tpu.memory_space<hbm>> -> memref<4608xi32, #tpu.memory_space<hbm>>
      %dma_wait3A_26 = tpu.memref_slice %arg3[%mul3A_2] : memref<147456xi32, #tpu.memory_space<hbm>> -> memref<4608xi32, #tpu.memory_space<hbm>>
      tpu.wait_dma2 semaphore(%run_scoped3A : memref<!tpu.dma_semaphore, #tpu.memory_space<semaphore_mem>>) src(%dma_wait3A_26 : memref<4608xi32, #tpu.memory_space<hbm>>) dst(%arg5 : memref<4608xi32, #tpu.memory_space<vmem>>)
      tpu.yield
    }) : () -> ()
    %scan3A = arith.constant 0 : i32
    %scan3A_5 = arith.constant 288 : i32
    %scan3A_6 = arith.addi %scan3A, %scan3A_5 : i32
    %scan3A_7 = arith.constant 1 : i32
    scf.for %scan3A_23 = %scan3A to %scan3A_6 step %scan3A_7  : i32 {
      %mul3A_24 = arith.constant 16 : i32
      %mul3A_25 = arith.muli %scan3A_23, %mul3A_24 : i32
      %add3A_26 = arith.constant 0 : i32
      %add3A_27 = arith.addi %add3A_26, %mul3A_25 : i32
      %get3A = arith.index_cast %add3A_27 : i32 to index
      %get3A_28 = tpu.vector_load %arg5[%get3A] {strides = array<i32>} : memref<4608xi32, #tpu.memory_space<vmem>>, vector<16xi32>,
      %get3A_29 = vector.shape_cast %get3A_28 : vector<16xi32> to vector<16xi32>
      %shift_right_arithmetic3A = arith.constant 15 : i32
      %shift_right_arithmetic3A_30 = vector.broadcast %shift_right_arithmetic3A : i32 to vector<16xi32>
      %shift_right_arithmetic3A_31 = arith.shrsi %get3A_29, %shift_right_arithmetic3A_30 : vector<16xi32>
      %shift_left3A = arith.constant 14 : i32
      %shift_left3A_32 = vector.broadcast %shift_left3A : i32 to vector<16xi32>
      %shift_left3A_33 = arith.shli %shift_right_arithmetic3A_31, %shift_left3A_32 : vector<16xi32>
      %and3A = arith.constant 16383 : i32
      %and3A_34 = vector.broadcast %and3A : i32 to vector<16xi32>
      %and3A_35 = arith.andi %get3A_29, %and3A_34 : vector<16xi32>
      %or3A = arith.ori %shift_left3A_33, %and3A_35 : vector<16xi32>
      %swap3A = arith.index_cast %add3A_27 : i32 to index
      %swap3A_36 = tpu.vector_load %arg5[%swap3A] {strides = array<i32>} : memref<4608xi32, #tpu.memory_space<vmem>>, vector<16xi32>,
      %swap3A_37 = vector.shape_cast %swap3A_36 : vector<16xi32> to vector<16xi32>
      %swap3A_38 = vector.shape_cast %or3A : vector<16xi32> to vector<16xi32>
      tpu.vector_store %arg5[%swap3A], %swap3A_38 {strides = array<i32>} : memref<4608xi32, #tpu.memory_space<vmem>>, vector<16xi32>,
    }
    %scan3A_8 = arith.constant 288 : i32
    %dma_start3A = arith.constant 0 : i32
    %dma_start3A_9 = tpu.memref_slice %arg5[%dma_start3A] : memref<4608xi32, #tpu.memory_space<vmem>> -> memref<288xi32, #tpu.memory_space<vmem>>
    %dma_start3A_10 = arith.constant 0 : i32
    %dma_start3A_11 = arith.constant 0 : i32
    %dma_start3A_12 = tpu.memref_slice %arg2[%dma_start3A_10, %dma_start3A_11] : memref<507904x128xf32, #tpu.memory_space<hbm>> -> memref<507904x128xf32, #tpu.memory_space<hbm>>
    tpu.enqueue_indirect_dma source(%dma_start3A_12 : memref<507904x128xf32, #tpu.memory_space<hbm>>) target(%arg6 : memref<288x128xf32, #tpu.memory_space<vmem>>) offsets(%dma_start3A_9 : memref<288xi32, #tpu.memory_space<vmem>>) semaphore(%arg8 : memref<!tpu.dma_semaphore, #tpu.memory_space<semaphore_mem>>)
    %scan3A_13 = arith.constant 0 : i32
    %scan3A_14 = arith.constant 8 : i32
    %scan3A_15 = arith.addi %scan3A_13, %scan3A_14 : i32
    %scan3A_16 = arith.constant 1 : i32
    scf.for %scan3A_23 = %scan3A_13 to %scan3A_15 step %scan3A_16  : i32 {
      %mul3A_24 = arith.constant 1 : i32
      %mul3A_25 = arith.muli %scan3A_23, %mul3A_24 : i32
      %add3A_26 = arith.constant 0 : i32
      %add3A_27 = arith.addi %add3A_26, %mul3A_25 : i32
      %mul3A_28 = arith.constant 2 : i32
      %mul3A_29 = arith.muli %mul3A_28, %add3A_27 : i32
      %gt3A = arith.constant 0 : i32
      %gt3A_30 = arith.cmpi sgt, %add3A_27, %gt3A : i32
      %convert_element_type3A = arith.extui %gt3A_30 : i1 to i32
      %cond3A = arith.constant 0 : i32
      %cond3A_31 = arith.cmpi ne, %convert_element_type3A, %cond3A : i32
      scf.if %cond3A_31 {
        %dma_wait3A_80 = tpu.memref_reshape %arg7 : memref<288x128xf32, #tpu.memory_space<vmem>> -> memref<8x4608xf32, #tpu.memory_space<vmem>>
        %dma_wait3A_81 = arith.constant 0 : i32
        %dma_wait3A_82 = tpu.memref_slice %arg4[%mul3A_4, %dma_wait3A_81] : memref<4096x4608xf32, #tpu.memory_space<hbm>> -> memref<8x4608xf32, #tpu.memory_space<hbm>>
        %dma_wait3A_83 = arith.constant 0 : i32
        %dma_wait3A_84 = tpu.memref_slice %arg4[%mul3A_4, %dma_wait3A_83] : memref<4096x4608xf32, #tpu.memory_space<hbm>> -> memref<8x4608xf32, #tpu.memory_space<hbm>>
        %dma_wait3A_85 = tpu.memref_reshape %arg7 : memref<288x128xf32, #tpu.memory_space<vmem>> -> memref<8x4608xf32, #tpu.memory_space<vmem>>
        tpu.wait_dma2 semaphore(%arg11 : memref<!tpu.dma_semaphore, #tpu.memory_space<semaphore_mem>>) src(%dma_wait3A_85 : memref<8x4608xf32, #tpu.memory_space<vmem>>) dst(%dma_wait3A_84 : memref<8x4608xf32, #tpu.memory_space<hbm>>)
      } else {
      }
      %dma_wait3A_32 = arith.constant 0 : i32
      %dma_wait3A_33 = tpu.memref_slice %arg5[%dma_wait3A_32] : memref<4608xi32, #tpu.memory_space<vmem>> -> memref<288xi32, #tpu.memory_space<vmem>>
      %dma_wait3A_34 = arith.constant 0 : i32
      %dma_wait3A_35 = arith.constant 0 : i32
      %dma_wait3A_36 = tpu.memref_slice %arg2[%dma_wait3A_34, %dma_wait3A_35] : memref<507904x128xf32, #tpu.memory_space<hbm>> -> memref<507904x128xf32, #tpu.memory_space<hbm>>
      tpu.wait_indirect_dma semaphore(%arg8 : memref<!tpu.dma_semaphore, #tpu.memory_space<semaphore_mem>>) src(%dma_wait3A_36 : memref<507904x128xf32, #tpu.memory_space<hbm>>) dst(%arg6 : memref<288x128xf32, #tpu.memory_space<vmem>>)
      %add3A_37 = arith.constant 1 : i32
      %add3A_38 = arith.addi %mul3A_29, %add3A_37 : i32
      %mul3A_39 = arith.constant 288 : i32
      %mul3A_40 = arith.muli %add3A_38, %mul3A_39 : i32
      %dma_start3A_41 = tpu.memref_slice %arg5[%mul3A_40] : memref<4608xi32, #tpu.memory_space<vmem>> -> memref<288xi32, #tpu.memory_space<vmem>>
      %dma_start3A_42 = arith.constant 0 : i32
      %dma_start3A_43 = arith.constant 0 : i32
      %dma_start3A_44 = tpu.memref_slice %arg2[%dma_start3A_42, %dma_start3A_43] : memref<507904x128xf32, #tpu.memory_space<hbm>> -> memref<507904x128xf32, #tpu.memory_space<hbm>>
      tpu.enqueue_indirect_dma source(%dma_start3A_44 : memref<507904x128xf32, #tpu.memory_space<hbm>>) target(%arg7 : memref<288x128xf32, #tpu.memory_space<vmem>>) offsets(%dma_start3A_41 : memref<288xi32, #tpu.memory_space<vmem>>) semaphore(%arg9 : memref<!tpu.dma_semaphore, #tpu.memory_space<semaphore_mem>>)
      %mul3A_45 = arith.constant 8 : i32
      %mul3A_46 = arith.muli %mul3A_29, %mul3A_45 : i32
      %add3A_47 = arith.addi %mul3A_4, %mul3A_46 : i32
      %dma_start3A_48 = tpu.memref_reshape %arg6 : memref<288x128xf32, #tpu.memory_space<vmem>> -> memref<8x4608xf32, #tpu.memory_space<vmem>>
      %dma_start3A_49 = arith.constant 0 : i32
      %dma_start3A_50 = tpu.memref_slice %arg4[%add3A_47, %dma_start3A_49] : memref<4096x4608xf32, #tpu.memory_space<hbm>> -> memref<8x4608xf32, #tpu.memory_space<hbm>>
      %dma_start3A_51 = arith.constant 0 : i32
      %dma_start3A_52 = tpu.memref_slice %arg4[%add3A_47, %dma_start3A_51] : memref<4096x4608xf32, #tpu.memory_space<hbm>> -> memref<8x4608xf32, #tpu.memory_space<hbm>>
      %dma_start3A_53 = tpu.memref_reshape %arg6 : memref<288x128xf32, #tpu.memory_space<vmem>> -> memref<8x4608xf32, #tpu.memory_space<vmem>>
      tpu.enqueue_dma source(%dma_start3A_53 : memref<8x4608xf32, #tpu.memory_space<vmem>>) target(%dma_start3A_52 : memref<8x4608xf32, #tpu.memory_space<hbm>>) target_semaphore(%arg10 : memref<!tpu.dma_semaphore, #tpu.memory_space<semaphore_mem>>)
      %dma_wait3A_54 = arith.constant 0 : i32
      %dma_wait3A_55 = tpu.memref_slice %arg5[%dma_wait3A_54] : memref<4608xi32, #tpu.memory_space<vmem>> -> memref<288xi32, #tpu.memory_space<vmem>>
      %dma_wait3A_56 = arith.constant 0 : i32
      %dma_wait3A_57 = arith.constant 0 : i32
      %dma_wait3A_58 = tpu.memref_slice %arg2[%dma_wait3A_56, %dma_wait3A_57] : memref<507904x128xf32, #tpu.memory_space<hbm>> -> memref<507904x128xf32, #tpu.memory_space<hbm>>
      tpu.wait_indirect_dma semaphore(%arg9 : memref<!tpu.dma_semaphore, #tpu.memory_space<semaphore_mem>>) src(%dma_wait3A_58 : memref<507904x128xf32, #tpu.memory_space<hbm>>) dst(%arg7 : memref<288x128xf32, #tpu.memory_space<vmem>>)
      %dma_wait3A_59 = tpu.memref_reshape %arg6 : memref<288x128xf32, #tpu.memory_space<vmem>> -> memref<8x4608xf32, #tpu.memory_space<vmem>>
      %dma_wait3A_60 = arith.constant 0 : i32
      %dma_wait3A_61 = tpu.memref_slice %arg4[%mul3A_4, %dma_wait3A_60] : memref<4096x4608xf32, #tpu.memory_space<hbm>> -> memref<8x4608xf32, #tpu.memory_space<hbm>>
      %dma_wait3A_62 = arith.constant 0 : i32
      %dma_wait3A_63 = tpu.memref_slice %arg4[%mul3A_4, %dma_wait3A_62] : memref<4096x4608xf32, #tpu.memory_space<hbm>> -> memref<8x4608xf32, #tpu.memory_space<hbm>>
      %dma_wait3A_64 = tpu.memref_reshape %arg6 : memref<288x128xf32, #tpu.memory_space<vmem>> -> memref<8x4608xf32, #tpu.memory_space<vmem>>
      tpu.wait_dma2 semaphore(%arg10 : memref<!tpu.dma_semaphore, #tpu.memory_space<semaphore_mem>>) src(%dma_wait3A_64 : memref<8x4608xf32, #tpu.memory_space<vmem>>) dst(%dma_wait3A_63 : memref<8x4608xf32, #tpu.memory_space<hbm>>)
      %lt3A = arith.constant 7 : i32
      %lt3A_65 = arith.cmpi slt, %add3A_27, %lt3A : i32
      %convert_element_type3A_66 = arith.extui %lt3A_65 : i1 to i32
      %cond3A_67 = arith.constant 0 : i32
      %cond3A_68 = arith.cmpi ne, %convert_element_type3A_66, %cond3A_67 : i32
      scf.if %cond3A_68 {
        %add3A_80 = arith.constant 2 : i32
        %add3A_81 = arith.addi %mul3A_29, %add3A_80 : i32
        %mul3A_82 = arith.constant 288 : i32
        %mul3A_83 = arith.muli %add3A_81, %mul3A_82 : i32
        %dma_start3A_84 = tpu.memref_slice %arg5[%mul3A_83] : memref<4608xi32, #tpu.memory_space<vmem>> -> memref<288xi32, #tpu.memory_space<vmem>>
        %dma_start3A_85 = arith.constant 0 : i32
        %dma_start3A_86 = arith.constant 0 : i32
        %dma_start3A_87 = tpu.memref_slice %arg2[%dma_start3A_85, %dma_start3A_86] : memref<507904x128xf32, #tpu.memory_space<hbm>> -> memref<507904x128xf32, #tpu.memory_space<hbm>>
        tpu.enqueue_indirect_dma source(%dma_start3A_87 : memref<507904x128xf32, #tpu.memory_space<hbm>>) target(%arg6 : memref<288x128xf32, #tpu.memory_space<vmem>>) offsets(%dma_start3A_84 : memref<288xi32, #tpu.memory_space<vmem>>) semaphore(%arg8 : memref<!tpu.dma_semaphore, #tpu.memory_space<semaphore_mem>>)
      } else {
      }
      %add3A_69 = arith.constant 1 : i32
      %add3A_70 = arith.addi %mul3A_29, %add3A_69 : i32
      %mul3A_71 = arith.constant 8 : i32
      %mul3A_72 = arith.muli %add3A_70, %mul3A_71 : i32
      %add3A_73 = arith.addi %mul3A_4, %mul3A_72 : i32
      %dma_start3A_74 = tpu.memref_reshape %arg7 : memref<288x128xf32, #tpu.memory_space<vmem>> -> memref<8x4608xf32, #tpu.memory_space<vmem>>
      %dma_start3A_75 = arith.constant 0 : i32
      %dma_start3A_76 = tpu.memref_slice %arg4[%add3A_73, %dma_start3A_75] : memref<4096x4608xf32, #tpu.memory_space<hbm>> -> memref<8x4608xf32, #tpu.memory_space<hbm>>
      %dma_start3A_77 = arith.constant 0 : i32
      %dma_start3A_78 = tpu.memref_slice %arg4[%add3A_73, %dma_start3A_77] : memref<4096x4608xf32, #tpu.memory_space<hbm>> -> memref<8x4608xf32, #tpu.memory_space<hbm>>
      %dma_start3A_79 = tpu.memref_reshape %arg7 : memref<288x128xf32, #tpu.memory_space<vmem>> -> memref<8x4608xf32, #tpu.memory_space<vmem>>
      tpu.enqueue_dma source(%dma_start3A_79 : memref<8x4608xf32, #tpu.memory_space<vmem>>) target(%dma_start3A_78 : memref<8x4608xf32, #tpu.memory_space<hbm>>) target_semaphore(%arg11 : memref<!tpu.dma_semaphore, #tpu.memory_space<semaphore_mem>>)
    }
    %scan3A_17 = arith.constant 8 : i32
    %dma_wait3A = tpu.memref_reshape %arg7 : memref<288x128xf32, #tpu.memory_space<vmem>> -> memref<8x4608xf32, #tpu.memory_space<vmem>>
    %dma_wait3A_18 = arith.constant 0 : i32
    %dma_wait3A_19 = tpu.memref_slice %arg4[%mul3A_4, %dma_wait3A_18] : memref<4096x4608xf32, #tpu.memory_space<hbm>> -> memref<8x4608xf32, #tpu.memory_space<hbm>>
    %dma_wait3A_20 = arith.constant 0 : i32
    %dma_wait3A_21 = tpu.memref_slice %arg4[%mul3A_4, %dma_wait3A_20] : memref<4096x4608xf32, #tpu.memory_space<hbm>> -> memref<8x4608xf32, #tpu.memory_space<hbm>>
    %dma_wait3A_22 = tpu.memref_reshape %arg7 : memref<288x128xf32, #tpu.memory_space<vmem>> -> memref<8x4608xf32, #tpu.memory_space<vmem>>
    tpu.wait_dma2 semaphore(%arg11 : memref<!tpu.dma_semaphore, #tpu.memory_space<semaphore_mem>>) src(%dma_wait3A_22 : memref<8x4608xf32, #tpu.memory_space<vmem>>) dst(%dma_wait3A_21 : memref<8x4608xf32, #tpu.memory_space<hbm>>)
    return
  }
}

#map = affine_map<(d0, d1) -> (0, 0)>
#map1 = affine_map<(d0, d1) -> (0)>
module attributes {stable_mosaic.version = 14 : i64} {
  func.func @gather_kernel(%arg0: i32, %arg1: i32, %arg2: memref<507904x128xf32, #tpu.memory_space<hbm>>, %arg3: memref<147456xi32, #tpu.memory_space<hbm>>, %arg4: memref<4096x4608xf32, #tpu.memory_space<hbm>>, %arg5: memref<4608xi32, #tpu.memory_space<vmem>>, %arg6: memref<288x128xf32, #tpu.memory_space<vmem>>, %arg7: memref<288x128xf32, #tpu.memory_space<vmem>>, %arg8: memref<!tpu.dma_semaphore, #tpu.memory_space<semaphore_mem>>, %arg9: memref<!tpu.dma_semaphore, #tpu.memory_space<semaphore_mem>>, %arg10: memref<!tpu.dma_semaphore, #tpu.memory_space<semaphore_mem>>, %arg11: memref<!tpu.dma_semaphore, #tpu.memory_space<semaphore_mem>>) attributes {dimension_semantics = [#tpu.dimension_semantics<core_parallel>, #tpu.dimension_semantics<subcore_parallel>], iteration_bounds = array<i64: 2, 16>, scalar_prefetch = 0 : i64, scratch_operands = 7 : i64, tpu.core_type = #tpu.core_type<sc_vector_subcore>, window_params = [{transform_indices = #map}, {transform_indices = #map1}, {transform_indices = #map}]} {
    %mul3A = arith.constant 2 : i32
    %mul3A_0 = arith.muli %arg1, %mul3A : i32
    %add3A = arith.addi %mul3A_0, %arg0 : i32
    %mul3A_1 = arith.constant 4608 : i32
    %mul3A_2 = arith.muli %add3A, %mul3A_1 : i32
    %mul3A_3 = arith.constant 128 : i32
    %mul3A_4 = arith.muli %add3A, %mul3A_3 : i32
    "tpu.region"() ({
      %run_scoped3A = tpu.sem_alloc : memref<!tpu.dma_semaphore, #tpu.memory_space<semaphore_mem>>
      %dma_start3A_23 = tpu.memref_slice %arg3[%mul3A_2] : memref<147456xi32, #tpu.memory_space<hbm>> -> memref<4608xi32, #tpu.memory_space<hbm>>
      %dma_start3A_24 = tpu.memref_slice %arg3[%mul3A_2] : memref<147456xi32, #tpu.memory_space<hbm>> -> memref<4608xi32, #tpu.memory_space<hbm>>
      tpu.enqueue_dma source(%dma_start3A_24 : memref<4608xi32, #tpu.memory_space<hbm>>) target(%arg5 : memref<4608xi32, #tpu.memory_space<vmem>>) target_semaphore(%run_scoped3A : memref<!tpu.dma_semaphore, #tpu.memory_space<semaphore_mem>>)
      %dma_wait3A_25 = tpu.memref_slice %arg3[%mul3A_2] : memref<147456xi32, #tpu.memory_space<hbm>> -> memref<4608xi32, #tpu.memory_space<hbm>>
      %dma_wait3A_26 = tpu.memref_slice %arg3[%mul3A_2] : memref<147456xi32, #tpu.memory_space<hbm>> -> memref<4608xi32, #tpu.memory_space<hbm>>
      tpu.wait_dma2 semaphore(%run_scoped3A : memref<!tpu.dma_semaphore, #tpu.memory_space<semaphore_mem>>) src(%dma_wait3A_26 : memref<4608xi32, #tpu.memory_space<hbm>>) dst(%arg5 : memref<4608xi32, #tpu.memory_space<vmem>>)
      tpu.yield
    }) : () -> ()
    %scan3A = arith.constant 0 : i32
    %scan3A_5 = arith.constant 288 : i32
    %scan3A_6 = arith.addi %scan3A, %scan3A_5 : i32
    %scan3A_7 = arith.constant 1 : i32
    scf.for %scan3A_23 = %scan3A to %scan3A_6 step %scan3A_7  : i32 {
      %mul3A_24 = arith.constant 16 : i32
      %mul3A_25 = arith.muli %scan3A_23, %mul3A_24 : i32
      %add3A_26 = arith.constant 0 : i32
      %add3A_27 = arith.addi %add3A_26, %mul3A_25 : i32
      %get3A = arith.index_cast %add3A_27 : i32 to index
      %get3A_28 = tpu.vector_load %arg5[%get3A] {strides = array<i32>} : memref<4608xi32, #tpu.memory_space<vmem>>, vector<16xi32>,
      %get3A_29 = vector.shape_cast %get3A_28 : vector<16xi32> to vector<16xi32>
      %shift_right_arithmetic3A = arith.constant 15 : i32
      %shift_right_arithmetic3A_30 = vector.broadcast %shift_right_arithmetic3A : i32 to vector<16xi32>
      %shift_right_arithmetic3A_31 = arith.shrsi %get3A_29, %shift_right_arithmetic3A_30 : vector<16xi32>
      %shift_left3A = arith.constant 14 : i32
      %shift_left3A_32 = vector.broadcast %shift_left3A : i32 to vector<16xi32>
      %shift_left3A_33 = arith.shli %shift_right_arithmetic3A_31, %shift_left3A_32 : vector<16xi32>
      %and3A = arith.constant 16383 : i32
      %and3A_34 = vector.broadcast %and3A : i32 to vector<16xi32>
      %and3A_35 = arith.andi %get3A_29, %and3A_34 : vector<16xi32>
      %or3A = arith.ori %shift_left3A_33, %and3A_35 : vector<16xi32>
      %swap3A = arith.index_cast %add3A_27 : i32 to index
      %swap3A_36 = tpu.vector_load %arg5[%swap3A] {strides = array<i32>} : memref<4608xi32, #tpu.memory_space<vmem>>, vector<16xi32>,
      %swap3A_37 = vector.shape_cast %swap3A_36 : vector<16xi32> to vector<16xi32>
      %swap3A_38 = vector.shape_cast %or3A : vector<16xi32> to vector<16xi32>
      tpu.vector_store %arg5[%swap3A], %swap3A_38 {strides = array<i32>} : memref<4608xi32, #tpu.memory_space<vmem>>, vector<16xi32>,
    }
    %scan3A_8 = arith.constant 288 : i32
    %dma_start3A = arith.constant 0 : i32
    %dma_start3A_9 = tpu.memref_slice %arg5[%dma_start3A] : memref<4608xi32, #tpu.memory_space<vmem>> -> memref<288xi32, #tpu.memory_space<vmem>>
    %dma_start3A_10 = arith.constant 0 : i32
    %dma_start3A_11 = arith.constant 0 : i32
    %dma_start3A_12 = tpu.memref_slice %arg2[%dma_start3A_10, %dma_start3A_11] : memref<507904x128xf32, #tpu.memory_space<hbm>> -> memref<507904x128xf32, #tpu.memory_space<hbm>>
    tpu.enqueue_indirect_dma source(%dma_start3A_12 : memref<507904x128xf32, #tpu.memory_space<hbm>>) target(%arg6 : memref<288x128xf32, #tpu.memory_space<vmem>>) offsets(%dma_start3A_9 : memref<288xi32, #tpu.memory_space<vmem>>) semaphore(%arg8 : memref<!tpu.dma_semaphore, #tpu.memory_space<semaphore_mem>>)
    %scan3A_13 = arith.constant 0 : i32
    %scan3A_14 = arith.constant 8 : i32
    %scan3A_15 = arith.addi %scan3A_13, %scan3A_14 : i32
    %scan3A_16 = arith.constant 1 : i32
    scf.for %scan3A_23 = %scan3A_13 to %scan3A_15 step %scan3A_16  : i32 {
      %mul3A_24 = arith.constant 1 : i32
      %mul3A_25 = arith.muli %scan3A_23, %mul3A_24 : i32
      %add3A_26 = arith.constant 0 : i32
      %add3A_27 = arith.addi %add3A_26, %mul3A_25 : i32
      %mul3A_28 = arith.constant 2 : i32
      %mul3A_29 = arith.muli %mul3A_28, %add3A_27 : i32
      %gt3A = arith.constant 0 : i32
      %gt3A_30 = arith.cmpi sgt, %add3A_27, %gt3A : i32
      %convert_element_type3A = arith.extui %gt3A_30 : i1 to i32
      %cond3A = arith.constant 0 : i32
      %cond3A_31 = arith.cmpi ne, %convert_element_type3A, %cond3A : i32
      scf.if %cond3A_31 {
        %dma_wait3A_80 = tpu.memref_reshape %arg7 : memref<288x128xf32, #tpu.memory_space<vmem>> -> memref<8x4608xf32, #tpu.memory_space<vmem>>
        %dma_wait3A_81 = arith.constant 0 : i32
        %dma_wait3A_82 = tpu.memref_slice %arg4[%mul3A_4, %dma_wait3A_81] : memref<4096x4608xf32, #tpu.memory_space<hbm>> -> memref<8x4608xf32, #tpu.memory_space<hbm>>
        %dma_wait3A_83 = arith.constant 0 : i32
        %dma_wait3A_84 = tpu.memref_slice %arg4[%mul3A_4, %dma_wait3A_83] : memref<4096x4608xf32, #tpu.memory_space<hbm>> -> memref<8x4608xf32, #tpu.memory_space<hbm>>
        %dma_wait3A_85 = tpu.memref_reshape %arg7 : memref<288x128xf32, #tpu.memory_space<vmem>> -> memref<8x4608xf32, #tpu.memory_space<vmem>>
        tpu.wait_dma2 semaphore(%arg11 : memref<!tpu.dma_semaphore, #tpu.memory_space<semaphore_mem>>) src(%dma_wait3A_85 : memref<8x4608xf32, #tpu.memory_space<vmem>>) dst(%dma_wait3A_84 : memref<8x4608xf32, #tpu.memory_space<hbm>>)
      } else {
      }
      %dma_wait3A_32 = arith.constant 0 : i32
      %dma_wait3A_33 = tpu.memref_slice %arg5[%dma_wait3A_32] : memref<4608xi32, #tpu.memory_space<vmem>> -> memref<288xi32, #tpu.memory_space<vmem>>
      %dma_wait3A_34 = arith.constant 0 : i32
      %dma_wait3A_35 = arith.constant 0 : i32
      %dma_wait3A_36 = tpu.memref_slice %arg2[%dma_wait3A_34, %dma_wait3A_35] : memref<507904x128xf32, #tpu.memory_space<hbm>> -> memref<507904x128xf32, #tpu.memory_space<hbm>>
      tpu.wait_indirect_dma semaphore(%arg8 : memref<!tpu.dma_semaphore, #tpu.memory_space<semaphore_mem>>) src(%dma_wait3A_36 : memref<507904x128xf32, #tpu.memory_space<hbm>>) dst(%arg6 : memref<288x128xf32, #tpu.memory_space<vmem>>)
      %add3A_37 = arith.constant 1 : i32
      %add3A_38 = arith.addi %mul3A_29, %add3A_37 : i32
      %mul3A_39 = arith.constant 288 : i32
      %mul3A_40 = arith.muli %add3A_38, %mul3A_39 : i32
      %dma_start3A_41 = tpu.memref_slice %arg5[%mul3A_40] : memref<4608xi32, #tpu.memory_space<vmem>> -> memref<288xi32, #tpu.memory_space<vmem>>
      %dma_start3A_42 = arith.constant 0 : i32
      %dma_start3A_43 = arith.constant 0 : i32
      %dma_start3A_44 = tpu.memref_slice %arg2[%dma_start3A_42, %dma_start3A_43] : memref<507904x128xf32, #tpu.memory_space<hbm>> -> memref<507904x128xf32, #tpu.memory_space<hbm>>
      tpu.enqueue_indirect_dma source(%dma_start3A_44 : memref<507904x128xf32, #tpu.memory_space<hbm>>) target(%arg7 : memref<288x128xf32, #tpu.memory_space<vmem>>) offsets(%dma_start3A_41 : memref<288xi32, #tpu.memory_space<vmem>>) semaphore(%arg9 : memref<!tpu.dma_semaphore, #tpu.memory_space<semaphore_mem>>)
      %mul3A_45 = arith.constant 8 : i32
      %mul3A_46 = arith.muli %mul3A_29, %mul3A_45 : i32
      %add3A_47 = arith.addi %mul3A_4, %mul3A_46 : i32
      %dma_start3A_48 = tpu.memref_reshape %arg6 : memref<288x128xf32, #tpu.memory_space<vmem>> -> memref<8x4608xf32, #tpu.memory_space<vmem>>
      %dma_start3A_49 = arith.constant 0 : i32
      %dma_start3A_50 = tpu.memref_slice %arg4[%add3A_47, %dma_start3A_49] : memref<4096x4608xf32, #tpu.memory_space<hbm>> -> memref<8x4608xf32, #tpu.memory_space<hbm>>
      %dma_start3A_51 = arith.constant 0 : i32
      %dma_start3A_52 = tpu.memref_slice %arg4[%add3A_47, %dma_start3A_51] : memref<4096x4608xf32, #tpu.memory_space<hbm>> -> memref<8x4608xf32, #tpu.memory_space<hbm>>
      %dma_start3A_53 = tpu.memref_reshape %arg6 : memref<288x128xf32, #tpu.memory_space<vmem>> -> memref<8x4608xf32, #tpu.memory_space<vmem>>
      tpu.enqueue_dma source(%dma_start3A_53 : memref<8x4608xf32, #tpu.memory_space<vmem>>) target(%dma_start3A_52 : memref<8x4608xf32, #tpu.memory_space<hbm>>) target_semaphore(%arg10 : memref<!tpu.dma_semaphore, #tpu.memory_space<semaphore_mem>>)
      %dma_wait3A_54 = arith.constant 0 : i32
      %dma_wait3A_55 = tpu.memref_slice %arg5[%dma_wait3A_54] : memref<4608xi32, #tpu.memory_space<vmem>> -> memref<288xi32, #tpu.memory_space<vmem>>
      %dma_wait3A_56 = arith.constant 0 : i32
      %dma_wait3A_57 = arith.constant 0 : i32
      %dma_wait3A_58 = tpu.memref_slice %arg2[%dma_wait3A_56, %dma_wait3A_57] : memref<507904x128xf32, #tpu.memory_space<hbm>> -> memref<507904x128xf32, #tpu.memory_space<hbm>>
      tpu.wait_indirect_dma semaphore(%arg9 : memref<!tpu.dma_semaphore, #tpu.memory_space<semaphore_mem>>) src(%dma_wait3A_58 : memref<507904x128xf32, #tpu.memory_space<hbm>>) dst(%arg7 : memref<288x128xf32, #tpu.memory_space<vmem>>)
      %dma_wait3A_59 = tpu.memref_reshape %arg6 : memref<288x128xf32, #tpu.memory_space<vmem>> -> memref<8x4608xf32, #tpu.memory_space<vmem>>
      %dma_wait3A_60 = arith.constant 0 : i32
      %dma_wait3A_61 = tpu.memref_slice %arg4[%mul3A_4, %dma_wait3A_60] : memref<4096x4608xf32, #tpu.memory_space<hbm>> -> memref<8x4608xf32, #tpu.memory_space<hbm>>
      %dma_wait3A_62 = arith.constant 0 : i32
      %dma_wait3A_63 = tpu.memref_slice %arg4[%mul3A_4, %dma_wait3A_62] : memref<4096x4608xf32, #tpu.memory_space<hbm>> -> memref<8x4608xf32, #tpu.memory_space<hbm>>
      %dma_wait3A_64 = tpu.memref_reshape %arg6 : memref<288x128xf32, #tpu.memory_space<vmem>> -> memref<8x4608xf32, #tpu.memory_space<vmem>>
      tpu.wait_dma2 semaphore(%arg10 : memref<!tpu.dma_semaphore, #tpu.memory_space<semaphore_mem>>) src(%dma_wait3A_64 : memref<8x4608xf32, #tpu.memory_space<vmem>>) dst(%dma_wait3A_63 : memref<8x4608xf32, #tpu.memory_space<hbm>>)
      %lt3A = arith.constant 7 : i32
      %lt3A_65 = arith.cmpi slt, %add3A_27, %lt3A : i32
      %convert_element_type3A_66 = arith.extui %lt3A_65 : i1 to i32
      %cond3A_67 = arith.constant 0 : i32
      %cond3A_68 = arith.cmpi ne, %convert_element_type3A_66, %cond3A_67 : i32
      scf.if %cond3A_68 {
        %add3A_80 = arith.constant 2 : i32
        %add3A_81 = arith.addi %mul3A_29, %add3A_80 : i32
        %mul3A_82 = arith.constant 288 : i32
        %mul3A_83 = arith.muli %add3A_81, %mul3A_82 : i32
        %dma_start3A_84 = tpu.memref_slice %arg5[%mul3A_83] : memref<4608xi32, #tpu.memory_space<vmem>> -> memref<288xi32, #tpu.memory_space<vmem>>
        %dma_start3A_85 = arith.constant 0 : i32
        %dma_start3A_86 = arith.constant 0 : i32
        %dma_start3A_87 = tpu.memref_slice %arg2[%dma_start3A_85, %dma_start3A_86] : memref<507904x128xf32, #tpu.memory_space<hbm>> -> memref<507904x128xf32, #tpu.memory_space<hbm>>
        tpu.enqueue_indirect_dma source(%dma_start3A_87 : memref<507904x128xf32, #tpu.memory_space<hbm>>) target(%arg6 : memref<288x128xf32, #tpu.memory_space<vmem>>) offsets(%dma_start3A_84 : memref<288xi32, #tpu.memory_space<vmem>>) semaphore(%arg8 : memref<!tpu.dma_semaphore, #tpu.memory_space<semaphore_mem>>)
      } else {
      }
      %add3A_69 = arith.constant 1 : i32
      %add3A_70 = arith.addi %mul3A_29, %add3A_69 : i32
      %mul3A_71 = arith.constant 8 : i32
      %mul3A_72 = arith.muli %add3A_70, %mul3A_71 : i32
      %add3A_73 = arith.addi %mul3A_4, %mul3A_72 : i32
      %dma_start3A_74 = tpu.memref_reshape %arg7 : memref<288x128xf32, #tpu.memory_space<vmem>> -> memref<8x4608xf32, #tpu.memory_space<vmem>>
      %dma_start3A_75 = arith.constant 0 : i32
      %dma_start3A_76 = tpu.memref_slice %arg4[%add3A_73, %dma_start3A_75] : memref<4096x4608xf32, #tpu.memory_space<hbm>> -> memref<8x4608xf32, #tpu.memory_space<hbm>>
      %dma_start3A_77 = arith.constant 0 : i32
      %dma_start3A_78 = tpu.memref_slice %arg4[%add3A_73, %dma_start3A_77] : memref<4096x4608xf32, #tpu.memory_space<hbm>> -> memref<8x4608xf32, #tpu.memory_space<hbm>>
      %dma_start3A_79 = tpu.memref_reshape %arg7 : memref<288x128xf32, #tpu.memory_space<vmem>> -> memref<8x4608xf32, #tpu.memory_space<vmem>>
      tpu.enqueue_dma source(%dma_start3A_79 : memref<8x4608xf32, #tpu.memory_space<vmem>>) target(%dma_start3A_78 : memref<8x4608xf32, #tpu.memory_space<hbm>>) target_semaphore(%arg11 : memref<!tpu.dma_semaphore, #tpu.memory_space<semaphore_mem>>)
    }
    %scan3A_17 = arith.constant 8 : i32
    %dma_wait3A = tpu.memref_reshape %arg7 : memref<288x128xf32, #tpu.memory_space<vmem>> -> memref<8x4608xf32, #tpu.memory_space<vmem>>
    %dma_wait3A_18 = arith.constant 0 : i32
    %dma_wait3A_19 = tpu.memref_slice %arg4[%mul3A_4, %dma_wait3A_18] : memref<4096x4608xf32, #tpu.memory_space<hbm>> -> memref<8x4608xf32, #tpu.memory_space<hbm>>
    %dma_wait3A_20 = arith.constant 0 : i32
    %dma_wait3A_21 = tpu.memref_slice %arg4[%mul3A_4, %dma_wait3A_20] : memref<4096x4608xf32, #tpu.memory_space<hbm>> -> memref<8x4608xf32, #tpu.memory_space<hbm>>
    %dma_wait3A_22 = tpu.memref_reshape %arg7 : memref<288x128xf32, #tpu.memory_space<vmem>> -> memref<8x4608xf32, #tpu.memory_space<vmem>>
    tpu.wait_dma2 semaphore(%arg11 : memref<!tpu.dma_semaphore, #tpu.memory_space<semaphore_mem>>) src(%dma_wait3A_22 : memref<8x4608xf32, #tpu.memory_space<vmem>>) dst(%dma_wait3A_21 : memref<8x4608xf32, #tpu.memory_space<hbm>>)
    return
  }
}

#map = affine_map<(d0, d1) -> (0, 0)>
#map1 = affine_map<(d0, d1) -> (0)>
module attributes {stable_mosaic.version = 14 : i64} {
  func.func @gather_kernel(%arg0: i32, %arg1: i32, %arg2: memref<507904x128xf32, #tpu.memory_space<hbm>>, %arg3: memref<147456xi32, #tpu.memory_space<hbm>>, %arg4: memref<4096x4608xf32, #tpu.memory_space<hbm>>, %arg5: memref<4608xi32, #tpu.memory_space<vmem>>, %arg6: memref<288x128xf32, #tpu.memory_space<vmem>>, %arg7: memref<288x128xf32, #tpu.memory_space<vmem>>, %arg8: memref<!tpu.dma_semaphore, #tpu.memory_space<semaphore_mem>>, %arg9: memref<!tpu.dma_semaphore, #tpu.memory_space<semaphore_mem>>, %arg10: memref<!tpu.dma_semaphore, #tpu.memory_space<semaphore_mem>>, %arg11: memref<!tpu.dma_semaphore, #tpu.memory_space<semaphore_mem>>) attributes {dimension_semantics = [#tpu.dimension_semantics<core_parallel>, #tpu.dimension_semantics<subcore_parallel>], iteration_bounds = array<i64: 2, 16>, scalar_prefetch = 0 : i64, scratch_operands = 7 : i64, tpu.core_type = #tpu.core_type<sc_vector_subcore>, window_params = [{transform_indices = #map}, {transform_indices = #map1}, {transform_indices = #map}]} {
    %mul3A = arith.constant 2 : i32
    %mul3A_0 = arith.muli %arg1, %mul3A : i32
    %add3A = arith.addi %mul3A_0, %arg0 : i32
    %mul3A_1 = arith.constant 4608 : i32
    %mul3A_2 = arith.muli %add3A, %mul3A_1 : i32
    %mul3A_3 = arith.constant 128 : i32
    %mul3A_4 = arith.muli %add3A, %mul3A_3 : i32
    "tpu.region"() ({
      %run_scoped3A = tpu.sem_alloc : memref<!tpu.dma_semaphore, #tpu.memory_space<semaphore_mem>>
      %dma_start3A_23 = tpu.memref_slice %arg3[%mul3A_2] : memref<147456xi32, #tpu.memory_space<hbm>> -> memref<4608xi32, #tpu.memory_space<hbm>>
      %dma_start3A_24 = tpu.memref_slice %arg3[%mul3A_2] : memref<147456xi32, #tpu.memory_space<hbm>> -> memref<4608xi32, #tpu.memory_space<hbm>>
      tpu.enqueue_dma source(%dma_start3A_24 : memref<4608xi32, #tpu.memory_space<hbm>>) target(%arg5 : memref<4608xi32, #tpu.memory_space<vmem>>) target_semaphore(%run_scoped3A : memref<!tpu.dma_semaphore, #tpu.memory_space<semaphore_mem>>)
      %dma_wait3A_25 = tpu.memref_slice %arg3[%mul3A_2] : memref<147456xi32, #tpu.memory_space<hbm>> -> memref<4608xi32, #tpu.memory_space<hbm>>
      %dma_wait3A_26 = tpu.memref_slice %arg3[%mul3A_2] : memref<147456xi32, #tpu.memory_space<hbm>> -> memref<4608xi32, #tpu.memory_space<hbm>>
      tpu.wait_dma2 semaphore(%run_scoped3A : memref<!tpu.dma_semaphore, #tpu.memory_space<semaphore_mem>>) src(%dma_wait3A_26 : memref<4608xi32, #tpu.memory_space<hbm>>) dst(%arg5 : memref<4608xi32, #tpu.memory_space<vmem>>)
      tpu.yield
    }) : () -> ()
    %scan3A = arith.constant 0 : i32
    %scan3A_5 = arith.constant 288 : i32
    %scan3A_6 = arith.addi %scan3A, %scan3A_5 : i32
    %scan3A_7 = arith.constant 1 : i32
    scf.for %scan3A_23 = %scan3A to %scan3A_6 step %scan3A_7  : i32 {
      %mul3A_24 = arith.constant 16 : i32
      %mul3A_25 = arith.muli %scan3A_23, %mul3A_24 : i32
      %add3A_26 = arith.constant 0 : i32
      %add3A_27 = arith.addi %add3A_26, %mul3A_25 : i32
      %get3A = arith.index_cast %add3A_27 : i32 to index
      %get3A_28 = tpu.vector_load %arg5[%get3A] {strides = array<i32>} : memref<4608xi32, #tpu.memory_space<vmem>>, vector<16xi32>,
      %get3A_29 = vector.shape_cast %get3A_28 : vector<16xi32> to vector<16xi32>
      %shift_right_arithmetic3A = arith.constant 15 : i32
      %shift_right_arithmetic3A_30 = vector.broadcast %shift_right_arithmetic3A : i32 to vector<16xi32>
      %shift_right_arithmetic3A_31 = arith.shrsi %get3A_29, %shift_right_arithmetic3A_30 : vector<16xi32>
      %shift_left3A = arith.constant 14 : i32
      %shift_left3A_32 = vector.broadcast %shift_left3A : i32 to vector<16xi32>
      %shift_left3A_33 = arith.shli %shift_right_arithmetic3A_31, %shift_left3A_32 : vector<16xi32>
      %and3A = arith.constant 16383 : i32
      %and3A_34 = vector.broadcast %and3A : i32 to vector<16xi32>
      %and3A_35 = arith.andi %get3A_29, %and3A_34 : vector<16xi32>
      %or3A = arith.ori %shift_left3A_33, %and3A_35 : vector<16xi32>
      %swap3A = arith.index_cast %add3A_27 : i32 to index
      %swap3A_36 = tpu.vector_load %arg5[%swap3A] {strides = array<i32>} : memref<4608xi32, #tpu.memory_space<vmem>>, vector<16xi32>,
      %swap3A_37 = vector.shape_cast %swap3A_36 : vector<16xi32> to vector<16xi32>
      %swap3A_38 = vector.shape_cast %or3A : vector<16xi32> to vector<16xi32>
      tpu.vector_store %arg5[%swap3A], %swap3A_38 {strides = array<i32>} : memref<4608xi32, #tpu.memory_space<vmem>>, vector<16xi32>,
    }
    %scan3A_8 = arith.constant 288 : i32
    %dma_start3A = arith.constant 0 : i32
    %dma_start3A_9 = tpu.memref_slice %arg5[%dma_start3A] : memref<4608xi32, #tpu.memory_space<vmem>> -> memref<288xi32, #tpu.memory_space<vmem>>
    %dma_start3A_10 = arith.constant 0 : i32
    %dma_start3A_11 = arith.constant 0 : i32
    %dma_start3A_12 = tpu.memref_slice %arg2[%dma_start3A_10, %dma_start3A_11] : memref<507904x128xf32, #tpu.memory_space<hbm>> -> memref<507904x128xf32, #tpu.memory_space<hbm>>
    tpu.enqueue_indirect_dma source(%dma_start3A_12 : memref<507904x128xf32, #tpu.memory_space<hbm>>) target(%arg6 : memref<288x128xf32, #tpu.memory_space<vmem>>) offsets(%dma_start3A_9 : memref<288xi32, #tpu.memory_space<vmem>>) semaphore(%arg8 : memref<!tpu.dma_semaphore, #tpu.memory_space<semaphore_mem>>)
    %scan3A_13 = arith.constant 0 : i32
    %scan3A_14 = arith.constant 8 : i32
    %scan3A_15 = arith.addi %scan3A_13, %scan3A_14 : i32
    %scan3A_16 = arith.constant 1 : i32
    scf.for %scan3A_23 = %scan3A_13 to %scan3A_15 step %scan3A_16  : i32 {
      %mul3A_24 = arith.constant 1 : i32
      %mul3A_25 = arith.muli %scan3A_23, %mul3A_24 : i32
      %add3A_26 = arith.constant 0 : i32
      %add3A_27 = arith.addi %add3A_26, %mul3A_25 : i32
      %mul3A_28 = arith.constant 2 : i32
      %mul3A_29 = arith.muli %mul3A_28, %add3A_27 : i32
      %gt3A = arith.constant 0 : i32
      %gt3A_30 = arith.cmpi sgt, %add3A_27, %gt3A : i32
      %convert_element_type3A = arith.extui %gt3A_30 : i1 to i32
      %cond3A = arith.constant 0 : i32
      %cond3A_31 = arith.cmpi ne, %convert_element_type3A, %cond3A : i32
      scf.if %cond3A_31 {
        %dma_wait3A_80 = tpu.memref_reshape %arg7 : memref<288x128xf32, #tpu.memory_space<vmem>> -> memref<8x4608xf32, #tpu.memory_space<vmem>>
        %dma_wait3A_81 = arith.constant 0 : i32
        %dma_wait3A_82 = tpu.memref_slice %arg4[%mul3A_4, %dma_wait3A_81] : memref<4096x4608xf32, #tpu.memory_space<hbm>> -> memref<8x4608xf32, #tpu.memory_space<hbm>>
        %dma_wait3A_83 = arith.constant 0 : i32
        %dma_wait3A_84 = tpu.memref_slice %arg4[%mul3A_4, %dma_wait3A_83] : memref<4096x4608xf32, #tpu.memory_space<hbm>> -> memref<8x4608xf32, #tpu.memory_space<hbm>>
        %dma_wait3A_85 = tpu.memref_reshape %arg7 : memref<288x128xf32, #tpu.memory_space<vmem>> -> memref<8x4608xf32, #tpu.memory_space<vmem>>
        tpu.wait_dma2 semaphore(%arg11 : memref<!tpu.dma_semaphore, #tpu.memory_space<semaphore_mem>>) src(%dma_wait3A_85 : memref<8x4608xf32, #tpu.memory_space<vmem>>) dst(%dma_wait3A_84 : memref<8x4608xf32, #tpu.memory_space<hbm>>)
      } else {
      }
      %dma_wait3A_32 = arith.constant 0 : i32
      %dma_wait3A_33 = tpu.memref_slice %arg5[%dma_wait3A_32] : memref<4608xi32, #tpu.memory_space<vmem>> -> memref<288xi32, #tpu.memory_space<vmem>>
      %dma_wait3A_34 = arith.constant 0 : i32
      %dma_wait3A_35 = arith.constant 0 : i32
      %dma_wait3A_36 = tpu.memref_slice %arg2[%dma_wait3A_34, %dma_wait3A_35] : memref<507904x128xf32, #tpu.memory_space<hbm>> -> memref<507904x128xf32, #tpu.memory_space<hbm>>
      tpu.wait_indirect_dma semaphore(%arg8 : memref<!tpu.dma_semaphore, #tpu.memory_space<semaphore_mem>>) src(%dma_wait3A_36 : memref<507904x128xf32, #tpu.memory_space<hbm>>) dst(%arg6 : memref<288x128xf32, #tpu.memory_space<vmem>>)
      %add3A_37 = arith.constant 1 : i32
      %add3A_38 = arith.addi %mul3A_29, %add3A_37 : i32
      %mul3A_39 = arith.constant 288 : i32
      %mul3A_40 = arith.muli %add3A_38, %mul3A_39 : i32
      %dma_start3A_41 = tpu.memref_slice %arg5[%mul3A_40] : memref<4608xi32, #tpu.memory_space<vmem>> -> memref<288xi32, #tpu.memory_space<vmem>>
      %dma_start3A_42 = arith.constant 0 : i32
      %dma_start3A_43 = arith.constant 0 : i32
      %dma_start3A_44 = tpu.memref_slice %arg2[%dma_start3A_42, %dma_start3A_43] : memref<507904x128xf32, #tpu.memory_space<hbm>> -> memref<507904x128xf32, #tpu.memory_space<hbm>>
      tpu.enqueue_indirect_dma source(%dma_start3A_44 : memref<507904x128xf32, #tpu.memory_space<hbm>>) target(%arg7 : memref<288x128xf32, #tpu.memory_space<vmem>>) offsets(%dma_start3A_41 : memref<288xi32, #tpu.memory_space<vmem>>) semaphore(%arg9 : memref<!tpu.dma_semaphore, #tpu.memory_space<semaphore_mem>>)
      %mul3A_45 = arith.constant 8 : i32
      %mul3A_46 = arith.muli %mul3A_29, %mul3A_45 : i32
      %add3A_47 = arith.addi %mul3A_4, %mul3A_46 : i32
      %dma_start3A_48 = tpu.memref_reshape %arg6 : memref<288x128xf32, #tpu.memory_space<vmem>> -> memref<8x4608xf32, #tpu.memory_space<vmem>>
      %dma_start3A_49 = arith.constant 0 : i32
      %dma_start3A_50 = tpu.memref_slice %arg4[%add3A_47, %dma_start3A_49] : memref<4096x4608xf32, #tpu.memory_space<hbm>> -> memref<8x4608xf32, #tpu.memory_space<hbm>>
      %dma_start3A_51 = arith.constant 0 : i32
      %dma_start3A_52 = tpu.memref_slice %arg4[%add3A_47, %dma_start3A_51] : memref<4096x4608xf32, #tpu.memory_space<hbm>> -> memref<8x4608xf32, #tpu.memory_space<hbm>>
      %dma_start3A_53 = tpu.memref_reshape %arg6 : memref<288x128xf32, #tpu.memory_space<vmem>> -> memref<8x4608xf32, #tpu.memory_space<vmem>>
      tpu.enqueue_dma source(%dma_start3A_53 : memref<8x4608xf32, #tpu.memory_space<vmem>>) target(%dma_start3A_52 : memref<8x4608xf32, #tpu.memory_space<hbm>>) target_semaphore(%arg10 : memref<!tpu.dma_semaphore, #tpu.memory_space<semaphore_mem>>)
      %dma_wait3A_54 = arith.constant 0 : i32
      %dma_wait3A_55 = tpu.memref_slice %arg5[%dma_wait3A_54] : memref<4608xi32, #tpu.memory_space<vmem>> -> memref<288xi32, #tpu.memory_space<vmem>>
      %dma_wait3A_56 = arith.constant 0 : i32
      %dma_wait3A_57 = arith.constant 0 : i32
      %dma_wait3A_58 = tpu.memref_slice %arg2[%dma_wait3A_56, %dma_wait3A_57] : memref<507904x128xf32, #tpu.memory_space<hbm>> -> memref<507904x128xf32, #tpu.memory_space<hbm>>
      tpu.wait_indirect_dma semaphore(%arg9 : memref<!tpu.dma_semaphore, #tpu.memory_space<semaphore_mem>>) src(%dma_wait3A_58 : memref<507904x128xf32, #tpu.memory_space<hbm>>) dst(%arg7 : memref<288x128xf32, #tpu.memory_space<vmem>>)
      %dma_wait3A_59 = tpu.memref_reshape %arg6 : memref<288x128xf32, #tpu.memory_space<vmem>> -> memref<8x4608xf32, #tpu.memory_space<vmem>>
      %dma_wait3A_60 = arith.constant 0 : i32
      %dma_wait3A_61 = tpu.memref_slice %arg4[%mul3A_4, %dma_wait3A_60] : memref<4096x4608xf32, #tpu.memory_space<hbm>> -> memref<8x4608xf32, #tpu.memory_space<hbm>>
      %dma_wait3A_62 = arith.constant 0 : i32
      %dma_wait3A_63 = tpu.memref_slice %arg4[%mul3A_4, %dma_wait3A_62] : memref<4096x4608xf32, #tpu.memory_space<hbm>> -> memref<8x4608xf32, #tpu.memory_space<hbm>>
      %dma_wait3A_64 = tpu.memref_reshape %arg6 : memref<288x128xf32, #tpu.memory_space<vmem>> -> memref<8x4608xf32, #tpu.memory_space<vmem>>
      tpu.wait_dma2 semaphore(%arg10 : memref<!tpu.dma_semaphore, #tpu.memory_space<semaphore_mem>>) src(%dma_wait3A_64 : memref<8x4608xf32, #tpu.memory_space<vmem>>) dst(%dma_wait3A_63 : memref<8x4608xf32, #tpu.memory_space<hbm>>)
      %lt3A = arith.constant 7 : i32
      %lt3A_65 = arith.cmpi slt, %add3A_27, %lt3A : i32
      %convert_element_type3A_66 = arith.extui %lt3A_65 : i1 to i32
      %cond3A_67 = arith.constant 0 : i32
      %cond3A_68 = arith.cmpi ne, %convert_element_type3A_66, %cond3A_67 : i32
      scf.if %cond3A_68 {
        %add3A_80 = arith.constant 2 : i32
        %add3A_81 = arith.addi %mul3A_29, %add3A_80 : i32
        %mul3A_82 = arith.constant 288 : i32
        %mul3A_83 = arith.muli %add3A_81, %mul3A_82 : i32
        %dma_start3A_84 = tpu.memref_slice %arg5[%mul3A_83] : memref<4608xi32, #tpu.memory_space<vmem>> -> memref<288xi32, #tpu.memory_space<vmem>>
        %dma_start3A_85 = arith.constant 0 : i32
        %dma_start3A_86 = arith.constant 0 : i32
        %dma_start3A_87 = tpu.memref_slice %arg2[%dma_start3A_85, %dma_start3A_86] : memref<507904x128xf32, #tpu.memory_space<hbm>> -> memref<507904x128xf32, #tpu.memory_space<hbm>>
        tpu.enqueue_indirect_dma source(%dma_start3A_87 : memref<507904x128xf32, #tpu.memory_space<hbm>>) target(%arg6 : memref<288x128xf32, #tpu.memory_space<vmem>>) offsets(%dma_start3A_84 : memref<288xi32, #tpu.memory_space<vmem>>) semaphore(%arg8 : memref<!tpu.dma_semaphore, #tpu.memory_space<semaphore_mem>>)
      } else {
      }
      %add3A_69 = arith.constant 1 : i32
      %add3A_70 = arith.addi %mul3A_29, %add3A_69 : i32
      %mul3A_71 = arith.constant 8 : i32
      %mul3A_72 = arith.muli %add3A_70, %mul3A_71 : i32
      %add3A_73 = arith.addi %mul3A_4, %mul3A_72 : i32
      %dma_start3A_74 = tpu.memref_reshape %arg7 : memref<288x128xf32, #tpu.memory_space<vmem>> -> memref<8x4608xf32, #tpu.memory_space<vmem>>
      %dma_start3A_75 = arith.constant 0 : i32
      %dma_start3A_76 = tpu.memref_slice %arg4[%add3A_73, %dma_start3A_75] : memref<4096x4608xf32, #tpu.memory_space<hbm>> -> memref<8x4608xf32, #tpu.memory_space<hbm>>
      %dma_start3A_77 = arith.constant 0 : i32
      %dma_start3A_78 = tpu.memref_slice %arg4[%add3A_73, %dma_start3A_77] : memref<4096x4608xf32, #tpu.memory_space<hbm>> -> memref<8x4608xf32, #tpu.memory_space<hbm>>
      %dma_start3A_79 = tpu.memref_reshape %arg7 : memref<288x128xf32, #tpu.memory_space<vmem>> -> memref<8x4608xf32, #tpu.memory_space<vmem>>
      tpu.enqueue_dma source(%dma_start3A_79 : memref<8x4608xf32, #tpu.memory_space<vmem>>) target(%dma_start3A_78 : memref<8x4608xf32, #tpu.memory_space<hbm>>) target_semaphore(%arg11 : memref<!tpu.dma_semaphore, #tpu.memory_space<semaphore_mem>>)
    }
    %scan3A_17 = arith.constant 8 : i32
    %dma_wait3A = tpu.memref_reshape %arg7 : memref<288x128xf32, #tpu.memory_space<vmem>> -> memref<8x4608xf32, #tpu.memory_space<vmem>>
    %dma_wait3A_18 = arith.constant 0 : i32
    %dma_wait3A_19 = tpu.memref_slice %arg4[%mul3A_4, %dma_wait3A_18] : memref<4096x4608xf32, #tpu.memory_space<hbm>> -> memref<8x4608xf32, #tpu.memory_space<hbm>>
    %dma_wait3A_20 = arith.constant 0 : i32
    %dma_wait3A_21 = tpu.memref_slice %arg4[%mul3A_4, %dma_wait3A_20] : memref<4096x4608xf32, #tpu.memory_space<hbm>> -> memref<8x4608xf32, #tpu.memory_space<hbm>>
    %dma_wait3A_22 = tpu.memref_reshape %arg7 : memref<288x128xf32, #tpu.memory_space<vmem>> -> memref<8x4608xf32, #tpu.memory_space<vmem>>
    tpu.wait_dma2 semaphore(%arg11 : memref<!tpu.dma_semaphore, #tpu.memory_space<semaphore_mem>>) src(%dma_wait3A_22 : memref<8x4608xf32, #tpu.memory_space<vmem>>) dst(%dma_wait3A_21 : memref<8x4608xf32, #tpu.memory_space<hbm>>)
    return
  }
}

#map = affine_map<(d0, d1) -> (0, 0)>
#map1 = affine_map<(d0, d1) -> (0)>
module attributes {stable_mosaic.version = 14 : i64} {
  func.func @gather_kernel(%arg0: i32, %arg1: i32, %arg2: memref<507904x128xf32, #tpu.memory_space<hbm>>, %arg3: memref<147456xi32, #tpu.memory_space<hbm>>, %arg4: memref<4096x4608xf32, #tpu.memory_space<hbm>>, %arg5: memref<4608xi32, #tpu.memory_space<vmem>>, %arg6: memref<288x128xf32, #tpu.memory_space<vmem>>, %arg7: memref<288x128xf32, #tpu.memory_space<vmem>>, %arg8: memref<!tpu.dma_semaphore, #tpu.memory_space<semaphore_mem>>, %arg9: memref<!tpu.dma_semaphore, #tpu.memory_space<semaphore_mem>>, %arg10: memref<!tpu.dma_semaphore, #tpu.memory_space<semaphore_mem>>, %arg11: memref<!tpu.dma_semaphore, #tpu.memory_space<semaphore_mem>>) attributes {dimension_semantics = [#tpu.dimension_semantics<core_parallel>, #tpu.dimension_semantics<subcore_parallel>], iteration_bounds = array<i64: 2, 16>, scalar_prefetch = 0 : i64, scratch_operands = 7 : i64, tpu.core_type = #tpu.core_type<sc_vector_subcore>, window_params = [{transform_indices = #map}, {transform_indices = #map1}, {transform_indices = #map}]} {
    %mul3A = arith.constant 2 : i32
    %mul3A_0 = arith.muli %arg1, %mul3A : i32
    %add3A = arith.addi %mul3A_0, %arg0 : i32
    %mul3A_1 = arith.constant 4608 : i32
    %mul3A_2 = arith.muli %add3A, %mul3A_1 : i32
    %mul3A_3 = arith.constant 128 : i32
    %mul3A_4 = arith.muli %add3A, %mul3A_3 : i32
    "tpu.region"() ({
      %run_scoped3A = tpu.sem_alloc : memref<!tpu.dma_semaphore, #tpu.memory_space<semaphore_mem>>
      %dma_start3A_23 = tpu.memref_slice %arg3[%mul3A_2] : memref<147456xi32, #tpu.memory_space<hbm>> -> memref<4608xi32, #tpu.memory_space<hbm>>
      %dma_start3A_24 = tpu.memref_slice %arg3[%mul3A_2] : memref<147456xi32, #tpu.memory_space<hbm>> -> memref<4608xi32, #tpu.memory_space<hbm>>
      tpu.enqueue_dma source(%dma_start3A_24 : memref<4608xi32, #tpu.memory_space<hbm>>) target(%arg5 : memref<4608xi32, #tpu.memory_space<vmem>>) target_semaphore(%run_scoped3A : memref<!tpu.dma_semaphore, #tpu.memory_space<semaphore_mem>>)
      %dma_wait3A_25 = tpu.memref_slice %arg3[%mul3A_2] : memref<147456xi32, #tpu.memory_space<hbm>> -> memref<4608xi32, #tpu.memory_space<hbm>>
      %dma_wait3A_26 = tpu.memref_slice %arg3[%mul3A_2] : memref<147456xi32, #tpu.memory_space<hbm>> -> memref<4608xi32, #tpu.memory_space<hbm>>
      tpu.wait_dma2 semaphore(%run_scoped3A : memref<!tpu.dma_semaphore, #tpu.memory_space<semaphore_mem>>) src(%dma_wait3A_26 : memref<4608xi32, #tpu.memory_space<hbm>>) dst(%arg5 : memref<4608xi32, #tpu.memory_space<vmem>>)
      tpu.yield
    }) : () -> ()
    %scan3A = arith.constant 0 : i32
    %scan3A_5 = arith.constant 288 : i32
    %scan3A_6 = arith.addi %scan3A, %scan3A_5 : i32
    %scan3A_7 = arith.constant 1 : i32
    scf.for %scan3A_23 = %scan3A to %scan3A_6 step %scan3A_7  : i32 {
      %mul3A_24 = arith.constant 16 : i32
      %mul3A_25 = arith.muli %scan3A_23, %mul3A_24 : i32
      %add3A_26 = arith.constant 0 : i32
      %add3A_27 = arith.addi %add3A_26, %mul3A_25 : i32
      %get3A = arith.index_cast %add3A_27 : i32 to index
      %get3A_28 = tpu.vector_load %arg5[%get3A] {strides = array<i32>} : memref<4608xi32, #tpu.memory_space<vmem>>, vector<16xi32>,
      %get3A_29 = vector.shape_cast %get3A_28 : vector<16xi32> to vector<16xi32>
      %shift_right_arithmetic3A = arith.constant 15 : i32
      %shift_right_arithmetic3A_30 = vector.broadcast %shift_right_arithmetic3A : i32 to vector<16xi32>
      %shift_right_arithmetic3A_31 = arith.shrsi %get3A_29, %shift_right_arithmetic3A_30 : vector<16xi32>
      %shift_left3A = arith.constant 14 : i32
      %shift_left3A_32 = vector.broadcast %shift_left3A : i32 to vector<16xi32>
      %shift_left3A_33 = arith.shli %shift_right_arithmetic3A_31, %shift_left3A_32 : vector<16xi32>
      %and3A = arith.constant 16383 : i32
      %and3A_34 = vector.broadcast %and3A : i32 to vector<16xi32>
      %and3A_35 = arith.andi %get3A_29, %and3A_34 : vector<16xi32>
      %or3A = arith.ori %shift_left3A_33, %and3A_35 : vector<16xi32>
      %swap3A = arith.index_cast %add3A_27 : i32 to index
      %swap3A_36 = tpu.vector_load %arg5[%swap3A] {strides = array<i32>} : memref<4608xi32, #tpu.memory_space<vmem>>, vector<16xi32>,
      %swap3A_37 = vector.shape_cast %swap3A_36 : vector<16xi32> to vector<16xi32>
      %swap3A_38 = vector.shape_cast %or3A : vector<16xi32> to vector<16xi32>
      tpu.vector_store %arg5[%swap3A], %swap3A_38 {strides = array<i32>} : memref<4608xi32, #tpu.memory_space<vmem>>, vector<16xi32>,
    }
    %scan3A_8 = arith.constant 288 : i32
    %dma_start3A = arith.constant 0 : i32
    %dma_start3A_9 = tpu.memref_slice %arg5[%dma_start3A] : memref<4608xi32, #tpu.memory_space<vmem>> -> memref<288xi32, #tpu.memory_space<vmem>>
    %dma_start3A_10 = arith.constant 0 : i32
    %dma_start3A_11 = arith.constant 0 : i32
    %dma_start3A_12 = tpu.memref_slice %arg2[%dma_start3A_10, %dma_start3A_11] : memref<507904x128xf32, #tpu.memory_space<hbm>> -> memref<507904x128xf32, #tpu.memory_space<hbm>>
    tpu.enqueue_indirect_dma source(%dma_start3A_12 : memref<507904x128xf32, #tpu.memory_space<hbm>>) target(%arg6 : memref<288x128xf32, #tpu.memory_space<vmem>>) offsets(%dma_start3A_9 : memref<288xi32, #tpu.memory_space<vmem>>) semaphore(%arg8 : memref<!tpu.dma_semaphore, #tpu.memory_space<semaphore_mem>>)
    %scan3A_13 = arith.constant 0 : i32
    %scan3A_14 = arith.constant 8 : i32
    %scan3A_15 = arith.addi %scan3A_13, %scan3A_14 : i32
    %scan3A_16 = arith.constant 1 : i32
    scf.for %scan3A_23 = %scan3A_13 to %scan3A_15 step %scan3A_16  : i32 {
      %mul3A_24 = arith.constant 1 : i32
      %mul3A_25 = arith.muli %scan3A_23, %mul3A_24 : i32
      %add3A_26 = arith.constant 0 : i32
      %add3A_27 = arith.addi %add3A_26, %mul3A_25 : i32
      %mul3A_28 = arith.constant 2 : i32
      %mul3A_29 = arith.muli %mul3A_28, %add3A_27 : i32
      %gt3A = arith.constant 0 : i32
      %gt3A_30 = arith.cmpi sgt, %add3A_27, %gt3A : i32
      %convert_element_type3A = arith.extui %gt3A_30 : i1 to i32
      %cond3A = arith.constant 0 : i32
      %cond3A_31 = arith.cmpi ne, %convert_element_type3A, %cond3A : i32
      scf.if %cond3A_31 {
        %dma_wait3A_80 = tpu.memref_reshape %arg7 : memref<288x128xf32, #tpu.memory_space<vmem>> -> memref<8x4608xf32, #tpu.memory_space<vmem>>
        %dma_wait3A_81 = arith.constant 0 : i32
        %dma_wait3A_82 = tpu.memref_slice %arg4[%mul3A_4, %dma_wait3A_81] : memref<4096x4608xf32, #tpu.memory_space<hbm>> -> memref<8x4608xf32, #tpu.memory_space<hbm>>
        %dma_wait3A_83 = arith.constant 0 : i32
        %dma_wait3A_84 = tpu.memref_slice %arg4[%mul3A_4, %dma_wait3A_83] : memref<4096x4608xf32, #tpu.memory_space<hbm>> -> memref<8x4608xf32, #tpu.memory_space<hbm>>
        %dma_wait3A_85 = tpu.memref_reshape %arg7 : memref<288x128xf32, #tpu.memory_space<vmem>> -> memref<8x4608xf32, #tpu.memory_space<vmem>>
        tpu.wait_dma2 semaphore(%arg11 : memref<!tpu.dma_semaphore, #tpu.memory_space<semaphore_mem>>) src(%dma_wait3A_85 : memref<8x4608xf32, #tpu.memory_space<vmem>>) dst(%dma_wait3A_84 : memref<8x4608xf32, #tpu.memory_space<hbm>>)
      } else {
      }
      %dma_wait3A_32 = arith.constant 0 : i32
      %dma_wait3A_33 = tpu.memref_slice %arg5[%dma_wait3A_32] : memref<4608xi32, #tpu.memory_space<vmem>> -> memref<288xi32, #tpu.memory_space<vmem>>
      %dma_wait3A_34 = arith.constant 0 : i32
      %dma_wait3A_35 = arith.constant 0 : i32
      %dma_wait3A_36 = tpu.memref_slice %arg2[%dma_wait3A_34, %dma_wait3A_35] : memref<507904x128xf32, #tpu.memory_space<hbm>> -> memref<507904x128xf32, #tpu.memory_space<hbm>>
      tpu.wait_indirect_dma semaphore(%arg8 : memref<!tpu.dma_semaphore, #tpu.memory_space<semaphore_mem>>) src(%dma_wait3A_36 : memref<507904x128xf32, #tpu.memory_space<hbm>>) dst(%arg6 : memref<288x128xf32, #tpu.memory_space<vmem>>)
      %add3A_37 = arith.constant 1 : i32
      %add3A_38 = arith.addi %mul3A_29, %add3A_37 : i32
      %mul3A_39 = arith.constant 288 : i32
      %mul3A_40 = arith.muli %add3A_38, %mul3A_39 : i32
      %dma_start3A_41 = tpu.memref_slice %arg5[%mul3A_40] : memref<4608xi32, #tpu.memory_space<vmem>> -> memref<288xi32, #tpu.memory_space<vmem>>
      %dma_start3A_42 = arith.constant 0 : i32
      %dma_start3A_43 = arith.constant 0 : i32
      %dma_start3A_44 = tpu.memref_slice %arg2[%dma_start3A_42, %dma_start3A_43] : memref<507904x128xf32, #tpu.memory_space<hbm>> -> memref<507904x128xf32, #tpu.memory_space<hbm>>
      tpu.enqueue_indirect_dma source(%dma_start3A_44 : memref<507904x128xf32, #tpu.memory_space<hbm>>) target(%arg7 : memref<288x128xf32, #tpu.memory_space<vmem>>) offsets(%dma_start3A_41 : memref<288xi32, #tpu.memory_space<vmem>>) semaphore(%arg9 : memref<!tpu.dma_semaphore, #tpu.memory_space<semaphore_mem>>)
      %mul3A_45 = arith.constant 8 : i32
      %mul3A_46 = arith.muli %mul3A_29, %mul3A_45 : i32
      %add3A_47 = arith.addi %mul3A_4, %mul3A_46 : i32
      %dma_start3A_48 = tpu.memref_reshape %arg6 : memref<288x128xf32, #tpu.memory_space<vmem>> -> memref<8x4608xf32, #tpu.memory_space<vmem>>
      %dma_start3A_49 = arith.constant 0 : i32
      %dma_start3A_50 = tpu.memref_slice %arg4[%add3A_47, %dma_start3A_49] : memref<4096x4608xf32, #tpu.memory_space<hbm>> -> memref<8x4608xf32, #tpu.memory_space<hbm>>
      %dma_start3A_51 = arith.constant 0 : i32
      %dma_start3A_52 = tpu.memref_slice %arg4[%add3A_47, %dma_start3A_51] : memref<4096x4608xf32, #tpu.memory_space<hbm>> -> memref<8x4608xf32, #tpu.memory_space<hbm>>
      %dma_start3A_53 = tpu.memref_reshape %arg6 : memref<288x128xf32, #tpu.memory_space<vmem>> -> memref<8x4608xf32, #tpu.memory_space<vmem>>
      tpu.enqueue_dma source(%dma_start3A_53 : memref<8x4608xf32, #tpu.memory_space<vmem>>) target(%dma_start3A_52 : memref<8x4608xf32, #tpu.memory_space<hbm>>) target_semaphore(%arg10 : memref<!tpu.dma_semaphore, #tpu.memory_space<semaphore_mem>>)
      %dma_wait3A_54 = arith.constant 0 : i32
      %dma_wait3A_55 = tpu.memref_slice %arg5[%dma_wait3A_54] : memref<4608xi32, #tpu.memory_space<vmem>> -> memref<288xi32, #tpu.memory_space<vmem>>
      %dma_wait3A_56 = arith.constant 0 : i32
      %dma_wait3A_57 = arith.constant 0 : i32
      %dma_wait3A_58 = tpu.memref_slice %arg2[%dma_wait3A_56, %dma_wait3A_57] : memref<507904x128xf32, #tpu.memory_space<hbm>> -> memref<507904x128xf32, #tpu.memory_space<hbm>>
      tpu.wait_indirect_dma semaphore(%arg9 : memref<!tpu.dma_semaphore, #tpu.memory_space<semaphore_mem>>) src(%dma_wait3A_58 : memref<507904x128xf32, #tpu.memory_space<hbm>>) dst(%arg7 : memref<288x128xf32, #tpu.memory_space<vmem>>)
      %dma_wait3A_59 = tpu.memref_reshape %arg6 : memref<288x128xf32, #tpu.memory_space<vmem>> -> memref<8x4608xf32, #tpu.memory_space<vmem>>
      %dma_wait3A_60 = arith.constant 0 : i32
      %dma_wait3A_61 = tpu.memref_slice %arg4[%mul3A_4, %dma_wait3A_60] : memref<4096x4608xf32, #tpu.memory_space<hbm>> -> memref<8x4608xf32, #tpu.memory_space<hbm>>
      %dma_wait3A_62 = arith.constant 0 : i32
      %dma_wait3A_63 = tpu.memref_slice %arg4[%mul3A_4, %dma_wait3A_62] : memref<4096x4608xf32, #tpu.memory_space<hbm>> -> memref<8x4608xf32, #tpu.memory_space<hbm>>
      %dma_wait3A_64 = tpu.memref_reshape %arg6 : memref<288x128xf32, #tpu.memory_space<vmem>> -> memref<8x4608xf32, #tpu.memory_space<vmem>>
      tpu.wait_dma2 semaphore(%arg10 : memref<!tpu.dma_semaphore, #tpu.memory_space<semaphore_mem>>) src(%dma_wait3A_64 : memref<8x4608xf32, #tpu.memory_space<vmem>>) dst(%dma_wait3A_63 : memref<8x4608xf32, #tpu.memory_space<hbm>>)
      %lt3A = arith.constant 7 : i32
      %lt3A_65 = arith.cmpi slt, %add3A_27, %lt3A : i32
      %convert_element_type3A_66 = arith.extui %lt3A_65 : i1 to i32
      %cond3A_67 = arith.constant 0 : i32
      %cond3A_68 = arith.cmpi ne, %convert_element_type3A_66, %cond3A_67 : i32
      scf.if %cond3A_68 {
        %add3A_80 = arith.constant 2 : i32
        %add3A_81 = arith.addi %mul3A_29, %add3A_80 : i32
        %mul3A_82 = arith.constant 288 : i32
        %mul3A_83 = arith.muli %add3A_81, %mul3A_82 : i32
        %dma_start3A_84 = tpu.memref_slice %arg5[%mul3A_83] : memref<4608xi32, #tpu.memory_space<vmem>> -> memref<288xi32, #tpu.memory_space<vmem>>
        %dma_start3A_85 = arith.constant 0 : i32
        %dma_start3A_86 = arith.constant 0 : i32
        %dma_start3A_87 = tpu.memref_slice %arg2[%dma_start3A_85, %dma_start3A_86] : memref<507904x128xf32, #tpu.memory_space<hbm>> -> memref<507904x128xf32, #tpu.memory_space<hbm>>
        tpu.enqueue_indirect_dma source(%dma_start3A_87 : memref<507904x128xf32, #tpu.memory_space<hbm>>) target(%arg6 : memref<288x128xf32, #tpu.memory_space<vmem>>) offsets(%dma_start3A_84 : memref<288xi32, #tpu.memory_space<vmem>>) semaphore(%arg8 : memref<!tpu.dma_semaphore, #tpu.memory_space<semaphore_mem>>)
      } else {
      }
      %add3A_69 = arith.constant 1 : i32
      %add3A_70 = arith.addi %mul3A_29, %add3A_69 : i32
      %mul3A_71 = arith.constant 8 : i32
      %mul3A_72 = arith.muli %add3A_70, %mul3A_71 : i32
      %add3A_73 = arith.addi %mul3A_4, %mul3A_72 : i32
      %dma_start3A_74 = tpu.memref_reshape %arg7 : memref<288x128xf32, #tpu.memory_space<vmem>> -> memref<8x4608xf32, #tpu.memory_space<vmem>>
      %dma_start3A_75 = arith.constant 0 : i32
      %dma_start3A_76 = tpu.memref_slice %arg4[%add3A_73, %dma_start3A_75] : memref<4096x4608xf32, #tpu.memory_space<hbm>> -> memref<8x4608xf32, #tpu.memory_space<hbm>>
      %dma_start3A_77 = arith.constant 0 : i32
      %dma_start3A_78 = tpu.memref_slice %arg4[%add3A_73, %dma_start3A_77] : memref<4096x4608xf32, #tpu.memory_space<hbm>> -> memref<8x4608xf32, #tpu.memory_space<hbm>>
      %dma_start3A_79 = tpu.memref_reshape %arg7 : memref<288x128xf32, #tpu.memory_space<vmem>> -> memref<8x4608xf32, #tpu.memory_space<vmem>>
      tpu.enqueue_dma source(%dma_start3A_79 : memref<8x4608xf32, #tpu.memory_space<vmem>>) target(%dma_start3A_78 : memref<8x4608xf32, #tpu.memory_space<hbm>>) target_semaphore(%arg11 : memref<!tpu.dma_semaphore, #tpu.memory_space<semaphore_mem>>)
    }
    %scan3A_17 = arith.constant 8 : i32
    %dma_wait3A = tpu.memref_reshape %arg7 : memref<288x128xf32, #tpu.memory_space<vmem>> -> memref<8x4608xf32, #tpu.memory_space<vmem>>
    %dma_wait3A_18 = arith.constant 0 : i32
    %dma_wait3A_19 = tpu.memref_slice %arg4[%mul3A_4, %dma_wait3A_18] : memref<4096x4608xf32, #tpu.memory_space<hbm>> -> memref<8x4608xf32, #tpu.memory_space<hbm>>
    %dma_wait3A_20 = arith.constant 0 : i32
    %dma_wait3A_21 = tpu.memref_slice %arg4[%mul3A_4, %dma_wait3A_20] : memref<4096x4608xf32, #tpu.memory_space<hbm>> -> memref<8x4608xf32, #tpu.memory_space<hbm>>
    %dma_wait3A_22 = tpu.memref_reshape %arg7 : memref<288x128xf32, #tpu.memory_space<vmem>> -> memref<8x4608xf32, #tpu.memory_space<vmem>>
    tpu.wait_dma2 semaphore(%arg11 : memref<!tpu.dma_semaphore, #tpu.memory_space<semaphore_mem>>) src(%dma_wait3A_22 : memref<8x4608xf32, #tpu.memory_space<vmem>>) dst(%dma_wait3A_21 : memref<8x4608xf32, #tpu.memory_space<hbm>>)
    return
  }
}

module attributes {stable_mosaic.version = 14 : i64} {
  func.func @_prep_kernel(%arg0: i32, %arg1: memref<64x32768xf32, #tpu.memory_space<vmem>>, %arg2: memref<16384x128xf32, #tpu.memory_space<vmem>>) attributes {dimension_semantics = [#tpu.dimension_semantics<arbitrary>], iteration_bounds = array<i64: 31>, scalar_prefetch = 0 : i64, scratch_operands = 0 : i64, tpu.core_type = #tpu.core_type<tc>, window_params = [{transform_indices = @transform_0, window_bounds = array<i64: 64, 32768>}, {transform_indices = @transform_1, window_bounds = array<i64: 16384, 128>}]} {
    %get3A = arith.constant 0 : index
    %get3A_0 = arith.constant 0 : index
    %get3A_1 = vector.load %arg1[%get3A, %get3A_0] : memref<64x32768xf32, #tpu.memory_space<vmem>>, vector<64x32768xf32>
    %slice3A = vector.extract_strided_slice %get3A_1 {offsets = [0, 0], sizes = [64, 16384], strides = [1, 1]} : vector<64x32768xf32> to vector<64x16384xf32>
    %slice3A_2 = vector.extract_strided_slice %get3A_1 {offsets = [0, 16384], sizes = [64, 16384], strides = [1, 1]} : vector<64x32768xf32> to vector<64x16384xf32>
    %concatenate3A = tpu.concatenate %slice3A, %slice3A_2 in 0 : vector<64x16384xf32>, vector<64x16384xf32> -> vector<128x16384xf32>
    %transpose3A = tpu.transpose %concatenate3A, [1, 0] : vector<128x16384xf32> -> vector<16384x128xf32>
    %swap3A = arith.constant 0 : index
    %swap3A_3 = arith.constant 0 : index
    %swap3A_4 = vector.load %arg2[%swap3A, %swap3A_3] : memref<16384x128xf32, #tpu.memory_space<vmem>>, vector<16384x128xf32>
    tpu.vector_store %arg2[%swap3A, %swap3A_3], %transpose3A {strides = array<i32>} : memref<16384x128xf32, #tpu.memory_space<vmem>>, vector<16384x128xf32>,
    return
  }
  func.func @transform_0(%arg0: i32) -> (i32, i32) {
    %c0_i32 = arith.constant 0 : i32
    %c0_i32_0 = arith.constant 0 : i32
    return %c0_i32, %arg0 : i32, i32
  }
  func.func @transform_1(%arg0: i32) -> (i32, i32) {
    %c0_i32 = arith.constant 0 : i32
    %c0_i32_0 = arith.constant 0 : i32
    return %arg0, %c0_i32 : i32, i32
  }
}

module attributes {stable_mosaic.version = 14 : i64} {
  func.func @_mlp_kernel(%arg0: i32, %arg1: memref<512x4608xf32, #tpu.memory_space<vmem>>, %arg2: memref<512x36xi32, #tpu.memory_space<vmem>>, %arg3: memref<4608x200xbf16, #tpu.memory_space<vmem>>, %arg4: memref<1x200xf32, #tpu.memory_space<vmem>>, %arg5: memref<200x3xf32, #tpu.memory_space<vmem>>, %arg6: memref<1x3xf32, #tpu.memory_space<vmem>>, %arg7: memref<512x3xf32, #tpu.memory_space<vmem>>) attributes {dimension_semantics = [#tpu.dimension_semantics<arbitrary>], iteration_bounds = array<i64: 8>, scalar_prefetch = 0 : i64, scratch_operands = 0 : i64, tpu.core_type = #tpu.core_type<tc>, window_params = [{transform_indices = @transform_0, window_bounds = array<i64: 512, 4608>}, {transform_indices = @transform_1, window_bounds = array<i64: 512, 36>}, {pipeline_mode = #tpu.pipeline_mode<synchronous>, transform_indices = @transform_2, window_bounds = array<i64: 4608, 200>}, {pipeline_mode = #tpu.pipeline_mode<synchronous>, transform_indices = @transform_3, window_bounds = array<i64: 1, 200>}, {pipeline_mode = #tpu.pipeline_mode<synchronous>, transform_indices = @transform_4, window_bounds = array<i64: 200, 3>}, {pipeline_mode = #tpu.pipeline_mode<synchronous>, transform_indices = @transform_5, window_bounds = array<i64: 1, 3>}, {transform_indices = @transform_6, window_bounds = array<i64: 512, 3>}]} {
    %get3A = arith.constant 0 : index
    %get3A_0 = arith.constant 0 : index
    %get3A_1 = vector.load %arg1[%get3A, %get3A_0] : memref<512x4608xf32, #tpu.memory_space<vmem>>, vector<512x4608xf32>
    %get3A_2 = arith.constant 0 : index
    %get3A_3 = arith.constant 0 : index
    %get3A_4 = vector.load %arg2[%get3A_2, %get3A_3] : memref<512x36xi32, #tpu.memory_space<vmem>>, vector<512x36xi32>
    %shift_right_arithmetic3A = arith.constant 14 : i32
    %shift_right_arithmetic3A_5 = vector.broadcast %shift_right_arithmetic3A : i32 to vector<512x36xi32>
    %shift_right_arithmetic3A_6 = arith.shrsi %get3A_4, %shift_right_arithmetic3A_5 : vector<512x36xi32>
    %and3A = arith.constant 1 : i32
    %and3A_7 = vector.broadcast %and3A : i32 to vector<512x36xi32>
    %and3A_8 = arith.andi %shift_right_arithmetic3A_6, %and3A_7 : vector<512x36xi32>
    %iota3A = tpu.iota {dimensions = array<i32: 1>} : vector<1x128xi32>
    %ge3A = arith.constant 64 : i32
    %ge3A_9 = vector.broadcast %ge3A : i32 to vector<1x128xi32>
    %ge3A_10 = arith.cmpi sge, %iota3A, %ge3A_9 : vector<1x128xi32>
    %slice3A = vector.extract_strided_slice %get3A_1 {offsets = [0, 0], sizes = [512, 128], strides = [1, 1]} : vector<512x4608xf32> to vector<512x128xf32>
    %slice3A_11 = vector.extract_strided_slice %and3A_8 {offsets = [0, 0], sizes = [512, 1], strides = [1, 1]} : vector<512x36xi32> to vector<512x1xi32>
    %ne3A = arith.constant 0 : i32
    %ne3A_12 = vector.broadcast %ne3A : i32 to vector<512x1xi32>
    %ne3A_13 = arith.cmpi ne, %slice3A_11, %ne3A_12 : vector<512x1xi32>
    %eq3A = vector.broadcast %ne3A_13 : vector<512x1xi1> to vector<512x128xi1>
    %eq3A_14 = vector.broadcast %ge3A_10 : vector<1x128xi1> to vector<512x128xi1>
    %eq3A_15 = vector.broadcast %eq3A : vector<512x128xi1> to vector<512x128xi1>
    %eq3A_16 = vector.broadcast %eq3A_14 : vector<512x128xi1> to vector<512x128xi1>
    %eq3A_17 = arith.xori %eq3A_15, %eq3A_16 : vector<512x128xi1>
    %eq3A_18 = arith.constant dense<true> : vector<512x128xi1>
    %eq3A_19 = arith.xori %eq3A_17, %eq3A_18 : vector<512x128xi1>
    %jit3A = arith.constant 0.000000e+00 : f32
    %broadcast_in_dim3A = vector.broadcast %jit3A : f32 to vector<512x128xf32>
    %select_n3A = arith.select %eq3A_19, %slice3A, %broadcast_in_dim3A : vector<512x128xi1>, vector<512x128xf32>
    %slice3A_20 = vector.extract_strided_slice %get3A_1 {offsets = [0, 128], sizes = [512, 128], strides = [1, 1]} : vector<512x4608xf32> to vector<512x128xf32>
    %slice3A_21 = vector.extract_strided_slice %and3A_8 {offsets = [0, 1], sizes = [512, 1], strides = [1, 1]} : vector<512x36xi32> to vector<512x1xi32>
    %ne3A_22 = arith.constant 0 : i32
    %ne3A_23 = vector.broadcast %ne3A_22 : i32 to vector<512x1xi32>
    %ne3A_24 = arith.cmpi ne, %slice3A_21, %ne3A_23 : vector<512x1xi32>
    %eq3A_25 = vector.broadcast %ne3A_24 : vector<512x1xi1> to vector<512x128xi1>
    %eq3A_26 = vector.broadcast %ge3A_10 : vector<1x128xi1> to vector<512x128xi1>
    %eq3A_27 = vector.broadcast %eq3A_25 : vector<512x128xi1> to vector<512x128xi1>
    %eq3A_28 = vector.broadcast %eq3A_26 : vector<512x128xi1> to vector<512x128xi1>
    %eq3A_29 = arith.xori %eq3A_27, %eq3A_28 : vector<512x128xi1>
    %eq3A_30 = arith.constant dense<true> : vector<512x128xi1>
    %eq3A_31 = arith.xori %eq3A_29, %eq3A_30 : vector<512x128xi1>
    %jit3A_32 = arith.constant 0.000000e+00 : f32
    %broadcast_in_dim3A_33 = vector.broadcast %jit3A_32 : f32 to vector<512x128xf32>
    %select_n3A_34 = arith.select %eq3A_31, %slice3A_20, %broadcast_in_dim3A_33 : vector<512x128xi1>, vector<512x128xf32>
    %slice3A_35 = vector.extract_strided_slice %get3A_1 {offsets = [0, 256], sizes = [512, 128], strides = [1, 1]} : vector<512x4608xf32> to vector<512x128xf32>
    %slice3A_36 = vector.extract_strided_slice %and3A_8 {offsets = [0, 2], sizes = [512, 1], strides = [1, 1]} : vector<512x36xi32> to vector<512x1xi32>
    %ne3A_37 = arith.constant 0 : i32
    %ne3A_38 = vector.broadcast %ne3A_37 : i32 to vector<512x1xi32>
    %ne3A_39 = arith.cmpi ne, %slice3A_36, %ne3A_38 : vector<512x1xi32>
    %eq3A_40 = vector.broadcast %ne3A_39 : vector<512x1xi1> to vector<512x128xi1>
    %eq3A_41 = vector.broadcast %ge3A_10 : vector<1x128xi1> to vector<512x128xi1>
    %eq3A_42 = vector.broadcast %eq3A_40 : vector<512x128xi1> to vector<512x128xi1>
    %eq3A_43 = vector.broadcast %eq3A_41 : vector<512x128xi1> to vector<512x128xi1>
    %eq3A_44 = arith.xori %eq3A_42, %eq3A_43 : vector<512x128xi1>
    %eq3A_45 = arith.constant dense<true> : vector<512x128xi1>
    %eq3A_46 = arith.xori %eq3A_44, %eq3A_45 : vector<512x128xi1>
    %jit3A_47 = arith.constant 0.000000e+00 : f32
    %broadcast_in_dim3A_48 = vector.broadcast %jit3A_47 : f32 to vector<512x128xf32>
    %select_n3A_49 = arith.select %eq3A_46, %slice3A_35, %broadcast_in_dim3A_48 : vector<512x128xi1>, vector<512x128xf32>
    %slice3A_50 = vector.extract_strided_slice %get3A_1 {offsets = [0, 384], sizes = [512, 128], strides = [1, 1]} : vector<512x4608xf32> to vector<512x128xf32>
    %slice3A_51 = vector.extract_strided_slice %and3A_8 {offsets = [0, 3], sizes = [512, 1], strides = [1, 1]} : vector<512x36xi32> to vector<512x1xi32>
    %ne3A_52 = arith.constant 0 : i32
    %ne3A_53 = vector.broadcast %ne3A_52 : i32 to vector<512x1xi32>
    %ne3A_54 = arith.cmpi ne, %slice3A_51, %ne3A_53 : vector<512x1xi32>
    %eq3A_55 = vector.broadcast %ne3A_54 : vector<512x1xi1> to vector<512x128xi1>
    %eq3A_56 = vector.broadcast %ge3A_10 : vector<1x128xi1> to vector<512x128xi1>
    %eq3A_57 = vector.broadcast %eq3A_55 : vector<512x128xi1> to vector<512x128xi1>
    %eq3A_58 = vector.broadcast %eq3A_56 : vector<512x128xi1> to vector<512x128xi1>
    %eq3A_59 = arith.xori %eq3A_57, %eq3A_58 : vector<512x128xi1>
    %eq3A_60 = arith.constant dense<true> : vector<512x128xi1>
    %eq3A_61 = arith.xori %eq3A_59, %eq3A_60 : vector<512x128xi1>
    %jit3A_62 = arith.constant 0.000000e+00 : f32
    %broadcast_in_dim3A_63 = vector.broadcast %jit3A_62 : f32 to vector<512x128xf32>
    %select_n3A_64 = arith.select %eq3A_61, %slice3A_50, %broadcast_in_dim3A_63 : vector<512x128xi1>, vector<512x128xf32>
    %slice3A_65 = vector.extract_strided_slice %get3A_1 {offsets = [0, 512], sizes = [512, 128], strides = [1, 1]} : vector<512x4608xf32> to vector<512x128xf32>
    %slice3A_66 = vector.extract_strided_slice %and3A_8 {offsets = [0, 4], sizes = [512, 1], strides = [1, 1]} : vector<512x36xi32> to vector<512x1xi32>
    %ne3A_67 = arith.constant 0 : i32
    %ne3A_68 = vector.broadcast %ne3A_67 : i32 to vector<512x1xi32>
    %ne3A_69 = arith.cmpi ne, %slice3A_66, %ne3A_68 : vector<512x1xi32>
    %eq3A_70 = vector.broadcast %ne3A_69 : vector<512x1xi1> to vector<512x128xi1>
    %eq3A_71 = vector.broadcast %ge3A_10 : vector<1x128xi1> to vector<512x128xi1>
    %eq3A_72 = vector.broadcast %eq3A_70 : vector<512x128xi1> to vector<512x128xi1>
    %eq3A_73 = vector.broadcast %eq3A_71 : vector<512x128xi1> to vector<512x128xi1>
    %eq3A_74 = arith.xori %eq3A_72, %eq3A_73 : vector<512x128xi1>
    %eq3A_75 = arith.constant dense<true> : vector<512x128xi1>
    %eq3A_76 = arith.xori %eq3A_74, %eq3A_75 : vector<512x128xi1>
    %jit3A_77 = arith.constant 0.000000e+00 : f32
    %broadcast_in_dim3A_78 = vector.broadcast %jit3A_77 : f32 to vector<512x128xf32>
    %select_n3A_79 = arith.select %eq3A_76, %slice3A_65, %broadcast_in_dim3A_78 : vector<512x128xi1>, vector<512x128xf32>
    %slice3A_80 = vector.extract_strided_slice %get3A_1 {offsets = [0, 640], sizes = [512, 128], strides = [1, 1]} : vector<512x4608xf32> to vector<512x128xf32>
    %slice3A_81 = vector.extract_strided_slice %and3A_8 {offsets = [0, 5], sizes = [512, 1], strides = [1, 1]} : vector<512x36xi32> to vector<512x1xi32>
    %ne3A_82 = arith.constant 0 : i32
    %ne3A_83 = vector.broadcast %ne3A_82 : i32 to vector<512x1xi32>
    %ne3A_84 = arith.cmpi ne, %slice3A_81, %ne3A_83 : vector<512x1xi32>
    %eq3A_85 = vector.broadcast %ne3A_84 : vector<512x1xi1> to vector<512x128xi1>
    %eq3A_86 = vector.broadcast %ge3A_10 : vector<1x128xi1> to vector<512x128xi1>
    %eq3A_87 = vector.broadcast %eq3A_85 : vector<512x128xi1> to vector<512x128xi1>
    %eq3A_88 = vector.broadcast %eq3A_86 : vector<512x128xi1> to vector<512x128xi1>
    %eq3A_89 = arith.xori %eq3A_87, %eq3A_88 : vector<512x128xi1>
    %eq3A_90 = arith.constant dense<true> : vector<512x128xi1>
    %eq3A_91 = arith.xori %eq3A_89, %eq3A_90 : vector<512x128xi1>
    %jit3A_92 = arith.constant 0.000000e+00 : f32
    %broadcast_in_dim3A_93 = vector.broadcast %jit3A_92 : f32 to vector<512x128xf32>
    %select_n3A_94 = arith.select %eq3A_91, %slice3A_80, %broadcast_in_dim3A_93 : vector<512x128xi1>, vector<512x128xf32>
    %slice3A_95 = vector.extract_strided_slice %get3A_1 {offsets = [0, 768], sizes = [512, 128], strides = [1, 1]} : vector<512x4608xf32> to vector<512x128xf32>
    %slice3A_96 = vector.extract_strided_slice %and3A_8 {offsets = [0, 6], sizes = [512, 1], strides = [1, 1]} : vector<512x36xi32> to vector<512x1xi32>
    %ne3A_97 = arith.constant 0 : i32
    %ne3A_98 = vector.broadcast %ne3A_97 : i32 to vector<512x1xi32>
    %ne3A_99 = arith.cmpi ne, %slice3A_96, %ne3A_98 : vector<512x1xi32>
    %eq3A_100 = vector.broadcast %ne3A_99 : vector<512x1xi1> to vector<512x128xi1>
    %eq3A_101 = vector.broadcast %ge3A_10 : vector<1x128xi1> to vector<512x128xi1>
    %eq3A_102 = vector.broadcast %eq3A_100 : vector<512x128xi1> to vector<512x128xi1>
    %eq3A_103 = vector.broadcast %eq3A_101 : vector<512x128xi1> to vector<512x128xi1>
    %eq3A_104 = arith.xori %eq3A_102, %eq3A_103 : vector<512x128xi1>
    %eq3A_105 = arith.constant dense<true> : vector<512x128xi1>
    %eq3A_106 = arith.xori %eq3A_104, %eq3A_105 : vector<512x128xi1>
    %jit3A_107 = arith.constant 0.000000e+00 : f32
    %broadcast_in_dim3A_108 = vector.broadcast %jit3A_107 : f32 to vector<512x128xf32>
    %select_n3A_109 = arith.select %eq3A_106, %slice3A_95, %broadcast_in_dim3A_108 : vector<512x128xi1>, vector<512x128xf32>
    %slice3A_110 = vector.extract_strided_slice %get3A_1 {offsets = [0, 896], sizes = [512, 128], strides = [1, 1]} : vector<512x4608xf32> to vector<512x128xf32>
    %slice3A_111 = vector.extract_strided_slice %and3A_8 {offsets = [0, 7], sizes = [512, 1], strides = [1, 1]} : vector<512x36xi32> to vector<512x1xi32>
    %ne3A_112 = arith.constant 0 : i32
    %ne3A_113 = vector.broadcast %ne3A_112 : i32 to vector<512x1xi32>
    %ne3A_114 = arith.cmpi ne, %slice3A_111, %ne3A_113 : vector<512x1xi32>
    %eq3A_115 = vector.broadcast %ne3A_114 : vector<512x1xi1> to vector<512x128xi1>
    %eq3A_116 = vector.broadcast %ge3A_10 : vector<1x128xi1> to vector<512x128xi1>
    %eq3A_117 = vector.broadcast %eq3A_115 : vector<512x128xi1> to vector<512x128xi1>
    %eq3A_118 = vector.broadcast %eq3A_116 : vector<512x128xi1> to vector<512x128xi1>
    %eq3A_119 = arith.xori %eq3A_117, %eq3A_118 : vector<512x128xi1>
    %eq3A_120 = arith.constant dense<true> : vector<512x128xi1>
    %eq3A_121 = arith.xori %eq3A_119, %eq3A_120 : vector<512x128xi1>
    %jit3A_122 = arith.constant 0.000000e+00 : f32
    %broadcast_in_dim3A_123 = vector.broadcast %jit3A_122 : f32 to vector<512x128xf32>
    %select_n3A_124 = arith.select %eq3A_121, %slice3A_110, %broadcast_in_dim3A_123 : vector<512x128xi1>, vector<512x128xf32>
    %slice3A_125 = vector.extract_strided_slice %get3A_1 {offsets = [0, 1024], sizes = [512, 128], strides = [1, 1]} : vector<512x4608xf32> to vector<512x128xf32>
    %slice3A_126 = vector.extract_strided_slice %and3A_8 {offsets = [0, 8], sizes = [512, 1], strides = [1, 1]} : vector<512x36xi32> to vector<512x1xi32>
    %ne3A_127 = arith.constant 0 : i32
    %ne3A_128 = vector.broadcast %ne3A_127 : i32 to vector<512x1xi32>
    %ne3A_129 = arith.cmpi ne, %slice3A_126, %ne3A_128 : vector<512x1xi32>
    %eq3A_130 = vector.broadcast %ne3A_129 : vector<512x1xi1> to vector<512x128xi1>
    %eq3A_131 = vector.broadcast %ge3A_10 : vector<1x128xi1> to vector<512x128xi1>
    %eq3A_132 = vector.broadcast %eq3A_130 : vector<512x128xi1> to vector<512x128xi1>
    %eq3A_133 = vector.broadcast %eq3A_131 : vector<512x128xi1> to vector<512x128xi1>
    %eq3A_134 = arith.xori %eq3A_132, %eq3A_133 : vector<512x128xi1>
    %eq3A_135 = arith.constant dense<true> : vector<512x128xi1>
    %eq3A_136 = arith.xori %eq3A_134, %eq3A_135 : vector<512x128xi1>
    %jit3A_137 = arith.constant 0.000000e+00 : f32
    %broadcast_in_dim3A_138 = vector.broadcast %jit3A_137 : f32 to vector<512x128xf32>
    %select_n3A_139 = arith.select %eq3A_136, %slice3A_125, %broadcast_in_dim3A_138 : vector<512x128xi1>, vector<512x128xf32>
    %slice3A_140 = vector.extract_strided_slice %get3A_1 {offsets = [0, 1152], sizes = [512, 128], strides = [1, 1]} : vector<512x4608xf32> to vector<512x128xf32>
    %slice3A_141 = vector.extract_strided_slice %and3A_8 {offsets = [0, 9], sizes = [512, 1], strides = [1, 1]} : vector<512x36xi32> to vector<512x1xi32>
    %ne3A_142 = arith.constant 0 : i32
    %ne3A_143 = vector.broadcast %ne3A_142 : i32 to vector<512x1xi32>
    %ne3A_144 = arith.cmpi ne, %slice3A_141, %ne3A_143 : vector<512x1xi32>
    %eq3A_145 = vector.broadcast %ne3A_144 : vector<512x1xi1> to vector<512x128xi1>
    %eq3A_146 = vector.broadcast %ge3A_10 : vector<1x128xi1> to vector<512x128xi1>
    %eq3A_147 = vector.broadcast %eq3A_145 : vector<512x128xi1> to vector<512x128xi1>
    %eq3A_148 = vector.broadcast %eq3A_146 : vector<512x128xi1> to vector<512x128xi1>
    %eq3A_149 = arith.xori %eq3A_147, %eq3A_148 : vector<512x128xi1>
    %eq3A_150 = arith.constant dense<true> : vector<512x128xi1>
    %eq3A_151 = arith.xori %eq3A_149, %eq3A_150 : vector<512x128xi1>
    %jit3A_152 = arith.constant 0.000000e+00 : f32
    %broadcast_in_dim3A_153 = vector.broadcast %jit3A_152 : f32 to vector<512x128xf32>
    %select_n3A_154 = arith.select %eq3A_151, %slice3A_140, %broadcast_in_dim3A_153 : vector<512x128xi1>, vector<512x128xf32>
    %slice3A_155 = vector.extract_strided_slice %get3A_1 {offsets = [0, 1280], sizes = [512, 128], strides = [1, 1]} : vector<512x4608xf32> to vector<512x128xf32>
    %slice3A_156 = vector.extract_strided_slice %and3A_8 {offsets = [0, 10], sizes = [512, 1], strides = [1, 1]} : vector<512x36xi32> to vector<512x1xi32>
    %ne3A_157 = arith.constant 0 : i32
    %ne3A_158 = vector.broadcast %ne3A_157 : i32 to vector<512x1xi32>
    %ne3A_159 = arith.cmpi ne, %slice3A_156, %ne3A_158 : vector<512x1xi32>
    %eq3A_160 = vector.broadcast %ne3A_159 : vector<512x1xi1> to vector<512x128xi1>
    %eq3A_161 = vector.broadcast %ge3A_10 : vector<1x128xi1> to vector<512x128xi1>
    %eq3A_162 = vector.broadcast %eq3A_160 : vector<512x128xi1> to vector<512x128xi1>
    %eq3A_163 = vector.broadcast %eq3A_161 : vector<512x128xi1> to vector<512x128xi1>
    %eq3A_164 = arith.xori %eq3A_162, %eq3A_163 : vector<512x128xi1>
    %eq3A_165 = arith.constant dense<true> : vector<512x128xi1>
    %eq3A_166 = arith.xori %eq3A_164, %eq3A_165 : vector<512x128xi1>
    %jit3A_167 = arith.constant 0.000000e+00 : f32
    %broadcast_in_dim3A_168 = vector.broadcast %jit3A_167 : f32 to vector<512x128xf32>
    %select_n3A_169 = arith.select %eq3A_166, %slice3A_155, %broadcast_in_dim3A_168 : vector<512x128xi1>, vector<512x128xf32>
    %slice3A_170 = vector.extract_strided_slice %get3A_1 {offsets = [0, 1408], sizes = [512, 128], strides = [1, 1]} : vector<512x4608xf32> to vector<512x128xf32>
    %slice3A_171 = vector.extract_strided_slice %and3A_8 {offsets = [0, 11], sizes = [512, 1], strides = [1, 1]} : vector<512x36xi32> to vector<512x1xi32>
    %ne3A_172 = arith.constant 0 : i32
    %ne3A_173 = vector.broadcast %ne3A_172 : i32 to vector<512x1xi32>
    %ne3A_174 = arith.cmpi ne, %slice3A_171, %ne3A_173 : vector<512x1xi32>
    %eq3A_175 = vector.broadcast %ne3A_174 : vector<512x1xi1> to vector<512x128xi1>
    %eq3A_176 = vector.broadcast %ge3A_10 : vector<1x128xi1> to vector<512x128xi1>
    %eq3A_177 = vector.broadcast %eq3A_175 : vector<512x128xi1> to vector<512x128xi1>
    %eq3A_178 = vector.broadcast %eq3A_176 : vector<512x128xi1> to vector<512x128xi1>
    %eq3A_179 = arith.xori %eq3A_177, %eq3A_178 : vector<512x128xi1>
    %eq3A_180 = arith.constant dense<true> : vector<512x128xi1>
    %eq3A_181 = arith.xori %eq3A_179, %eq3A_180 : vector<512x128xi1>
    %jit3A_182 = arith.constant 0.000000e+00 : f32
    %broadcast_in_dim3A_183 = vector.broadcast %jit3A_182 : f32 to vector<512x128xf32>
    %select_n3A_184 = arith.select %eq3A_181, %slice3A_170, %broadcast_in_dim3A_183 : vector<512x128xi1>, vector<512x128xf32>
    %slice3A_185 = vector.extract_strided_slice %get3A_1 {offsets = [0, 1536], sizes = [512, 128], strides = [1, 1]} : vector<512x4608xf32> to vector<512x128xf32>
    %slice3A_186 = vector.extract_strided_slice %and3A_8 {offsets = [0, 12], sizes = [512, 1], strides = [1, 1]} : vector<512x36xi32> to vector<512x1xi32>
    %ne3A_187 = arith.constant 0 : i32
    %ne3A_188 = vector.broadcast %ne3A_187 : i32 to vector<512x1xi32>
    %ne3A_189 = arith.cmpi ne, %slice3A_186, %ne3A_188 : vector<512x1xi32>
    %eq3A_190 = vector.broadcast %ne3A_189 : vector<512x1xi1> to vector<512x128xi1>
    %eq3A_191 = vector.broadcast %ge3A_10 : vector<1x128xi1> to vector<512x128xi1>
    %eq3A_192 = vector.broadcast %eq3A_190 : vector<512x128xi1> to vector<512x128xi1>
    %eq3A_193 = vector.broadcast %eq3A_191 : vector<512x128xi1> to vector<512x128xi1>
    %eq3A_194 = arith.xori %eq3A_192, %eq3A_193 : vector<512x128xi1>
    %eq3A_195 = arith.constant dense<true> : vector<512x128xi1>
    %eq3A_196 = arith.xori %eq3A_194, %eq3A_195 : vector<512x128xi1>
    %jit3A_197 = arith.constant 0.000000e+00 : f32
    %broadcast_in_dim3A_198 = vector.broadcast %jit3A_197 : f32 to vector<512x128xf32>
    %select_n3A_199 = arith.select %eq3A_196, %slice3A_185, %broadcast_in_dim3A_198 : vector<512x128xi1>, vector<512x128xf32>
    %slice3A_200 = vector.extract_strided_slice %get3A_1 {offsets = [0, 1664], sizes = [512, 128], strides = [1, 1]} : vector<512x4608xf32> to vector<512x128xf32>
    %slice3A_201 = vector.extract_strided_slice %and3A_8 {offsets = [0, 13], sizes = [512, 1], strides = [1, 1]} : vector<512x36xi32> to vector<512x1xi32>
    %ne3A_202 = arith.constant 0 : i32
    %ne3A_203 = vector.broadcast %ne3A_202 : i32 to vector<512x1xi32>
    %ne3A_204 = arith.cmpi ne, %slice3A_201, %ne3A_203 : vector<512x1xi32>
    %eq3A_205 = vector.broadcast %ne3A_204 : vector<512x1xi1> to vector<512x128xi1>
    %eq3A_206 = vector.broadcast %ge3A_10 : vector<1x128xi1> to vector<512x128xi1>
    %eq3A_207 = vector.broadcast %eq3A_205 : vector<512x128xi1> to vector<512x128xi1>
    %eq3A_208 = vector.broadcast %eq3A_206 : vector<512x128xi1> to vector<512x128xi1>
    %eq3A_209 = arith.xori %eq3A_207, %eq3A_208 : vector<512x128xi1>
    %eq3A_210 = arith.constant dense<true> : vector<512x128xi1>
    %eq3A_211 = arith.xori %eq3A_209, %eq3A_210 : vector<512x128xi1>
    %jit3A_212 = arith.constant 0.000000e+00 : f32
    %broadcast_in_dim3A_213 = vector.broadcast %jit3A_212 : f32 to vector<512x128xf32>
    %select_n3A_214 = arith.select %eq3A_211, %slice3A_200, %broadcast_in_dim3A_213 : vector<512x128xi1>, vector<512x128xf32>
    %slice3A_215 = vector.extract_strided_slice %get3A_1 {offsets = [0, 1792], sizes = [512, 128], strides = [1, 1]} : vector<512x4608xf32> to vector<512x128xf32>
    %slice3A_216 = vector.extract_strided_slice %and3A_8 {offsets = [0, 14], sizes = [512, 1], strides = [1, 1]} : vector<512x36xi32> to vector<512x1xi32>
    %ne3A_217 = arith.constant 0 : i32
    %ne3A_218 = vector.broadcast %ne3A_217 : i32 to vector<512x1xi32>
    %ne3A_219 = arith.cmpi ne, %slice3A_216, %ne3A_218 : vector<512x1xi32>
    %eq3A_220 = vector.broadcast %ne3A_219 : vector<512x1xi1> to vector<512x128xi1>
    %eq3A_221 = vector.broadcast %ge3A_10 : vector<1x128xi1> to vector<512x128xi1>
    %eq3A_222 = vector.broadcast %eq3A_220 : vector<512x128xi1> to vector<512x128xi1>
    %eq3A_223 = vector.broadcast %eq3A_221 : vector<512x128xi1> to vector<512x128xi1>
    %eq3A_224 = arith.xori %eq3A_222, %eq3A_223 : vector<512x128xi1>
    %eq3A_225 = arith.constant dense<true> : vector<512x128xi1>
    %eq3A_226 = arith.xori %eq3A_224, %eq3A_225 : vector<512x128xi1>
    %jit3A_227 = arith.constant 0.000000e+00 : f32
    %broadcast_in_dim3A_228 = vector.broadcast %jit3A_227 : f32 to vector<512x128xf32>
    %select_n3A_229 = arith.select %eq3A_226, %slice3A_215, %broadcast_in_dim3A_228 : vector<512x128xi1>, vector<512x128xf32>
    %slice3A_230 = vector.extract_strided_slice %get3A_1 {offsets = [0, 1920], sizes = [512, 128], strides = [1, 1]} : vector<512x4608xf32> to vector<512x128xf32>
    %slice3A_231 = vector.extract_strided_slice %and3A_8 {offsets = [0, 15], sizes = [512, 1], strides = [1, 1]} : vector<512x36xi32> to vector<512x1xi32>
    %ne3A_232 = arith.constant 0 : i32
    %ne3A_233 = vector.broadcast %ne3A_232 : i32 to vector<512x1xi32>
    %ne3A_234 = arith.cmpi ne, %slice3A_231, %ne3A_233 : vector<512x1xi32>
    %eq3A_235 = vector.broadcast %ne3A_234 : vector<512x1xi1> to vector<512x128xi1>
    %eq3A_236 = vector.broadcast %ge3A_10 : vector<1x128xi1> to vector<512x128xi1>
    %eq3A_237 = vector.broadcast %eq3A_235 : vector<512x128xi1> to vector<512x128xi1>
    %eq3A_238 = vector.broadcast %eq3A_236 : vector<512x128xi1> to vector<512x128xi1>
    %eq3A_239 = arith.xori %eq3A_237, %eq3A_238 : vector<512x128xi1>
    %eq3A_240 = arith.constant dense<true> : vector<512x128xi1>
    %eq3A_241 = arith.xori %eq3A_239, %eq3A_240 : vector<512x128xi1>
    %jit3A_242 = arith.constant 0.000000e+00 : f32
    %broadcast_in_dim3A_243 = vector.broadcast %jit3A_242 : f32 to vector<512x128xf32>
    %select_n3A_244 = arith.select %eq3A_241, %slice3A_230, %broadcast_in_dim3A_243 : vector<512x128xi1>, vector<512x128xf32>
    %slice3A_245 = vector.extract_strided_slice %get3A_1 {offsets = [0, 2048], sizes = [512, 128], strides = [1, 1]} : vector<512x4608xf32> to vector<512x128xf32>
    %slice3A_246 = vector.extract_strided_slice %and3A_8 {offsets = [0, 16], sizes = [512, 1], strides = [1, 1]} : vector<512x36xi32> to vector<512x1xi32>
    %ne3A_247 = arith.constant 0 : i32
    %ne3A_248 = vector.broadcast %ne3A_247 : i32 to vector<512x1xi32>
    %ne3A_249 = arith.cmpi ne, %slice3A_246, %ne3A_248 : vector<512x1xi32>
    %eq3A_250 = vector.broadcast %ne3A_249 : vector<512x1xi1> to vector<512x128xi1>
    %eq3A_251 = vector.broadcast %ge3A_10 : vector<1x128xi1> to vector<512x128xi1>
    %eq3A_252 = vector.broadcast %eq3A_250 : vector<512x128xi1> to vector<512x128xi1>
    %eq3A_253 = vector.broadcast %eq3A_251 : vector<512x128xi1> to vector<512x128xi1>
    %eq3A_254 = arith.xori %eq3A_252, %eq3A_253 : vector<512x128xi1>
    %eq3A_255 = arith.constant dense<true> : vector<512x128xi1>
    %eq3A_256 = arith.xori %eq3A_254, %eq3A_255 : vector<512x128xi1>
    %jit3A_257 = arith.constant 0.000000e+00 : f32
    %broadcast_in_dim3A_258 = vector.broadcast %jit3A_257 : f32 to vector<512x128xf32>
    %select_n3A_259 = arith.select %eq3A_256, %slice3A_245, %broadcast_in_dim3A_258 : vector<512x128xi1>, vector<512x128xf32>
    %slice3A_260 = vector.extract_strided_slice %get3A_1 {offsets = [0, 2176], sizes = [512, 128], strides = [1, 1]} : vector<512x4608xf32> to vector<512x128xf32>
    %slice3A_261 = vector.extract_strided_slice %and3A_8 {offsets = [0, 17], sizes = [512, 1], strides = [1, 1]} : vector<512x36xi32> to vector<512x1xi32>
    %ne3A_262 = arith.constant 0 : i32
    %ne3A_263 = vector.broadcast %ne3A_262 : i32 to vector<512x1xi32>
    %ne3A_264 = arith.cmpi ne, %slice3A_261, %ne3A_263 : vector<512x1xi32>
    %eq3A_265 = vector.broadcast %ne3A_264 : vector<512x1xi1> to vector<512x128xi1>
    %eq3A_266 = vector.broadcast %ge3A_10 : vector<1x128xi1> to vector<512x128xi1>
    %eq3A_267 = vector.broadcast %eq3A_265 : vector<512x128xi1> to vector<512x128xi1>
    %eq3A_268 = vector.broadcast %eq3A_266 : vector<512x128xi1> to vector<512x128xi1>
    %eq3A_269 = arith.xori %eq3A_267, %eq3A_268 : vector<512x128xi1>
    %eq3A_270 = arith.constant dense<true> : vector<512x128xi1>
    %eq3A_271 = arith.xori %eq3A_269, %eq3A_270 : vector<512x128xi1>
    %jit3A_272 = arith.constant 0.000000e+00 : f32
    %broadcast_in_dim3A_273 = vector.broadcast %jit3A_272 : f32 to vector<512x128xf32>
    %select_n3A_274 = arith.select %eq3A_271, %slice3A_260, %broadcast_in_dim3A_273 : vector<512x128xi1>, vector<512x128xf32>
    %slice3A_275 = vector.extract_strided_slice %get3A_1 {offsets = [0, 2304], sizes = [512, 128], strides = [1, 1]} : vector<512x4608xf32> to vector<512x128xf32>
    %slice3A_276 = vector.extract_strided_slice %and3A_8 {offsets = [0, 18], sizes = [512, 1], strides = [1, 1]} : vector<512x36xi32> to vector<512x1xi32>
    %ne3A_277 = arith.constant 0 : i32
    %ne3A_278 = vector.broadcast %ne3A_277 : i32 to vector<512x1xi32>
    %ne3A_279 = arith.cmpi ne, %slice3A_276, %ne3A_278 : vector<512x1xi32>
    %eq3A_280 = vector.broadcast %ne3A_279 : vector<512x1xi1> to vector<512x128xi1>
    %eq3A_281 = vector.broadcast %ge3A_10 : vector<1x128xi1> to vector<512x128xi1>
    %eq3A_282 = vector.broadcast %eq3A_280 : vector<512x128xi1> to vector<512x128xi1>
    %eq3A_283 = vector.broadcast %eq3A_281 : vector<512x128xi1> to vector<512x128xi1>
    %eq3A_284 = arith.xori %eq3A_282, %eq3A_283 : vector<512x128xi1>
    %eq3A_285 = arith.constant dense<true> : vector<512x128xi1>
    %eq3A_286 = arith.xori %eq3A_284, %eq3A_285 : vector<512x128xi1>
    %jit3A_287 = arith.constant 0.000000e+00 : f32
    %broadcast_in_dim3A_288 = vector.broadcast %jit3A_287 : f32 to vector<512x128xf32>
    %select_n3A_289 = arith.select %eq3A_286, %slice3A_275, %broadcast_in_dim3A_288 : vector<512x128xi1>, vector<512x128xf32>
    %slice3A_290 = vector.extract_strided_slice %get3A_1 {offsets = [0, 2432], sizes = [512, 128], strides = [1, 1]} : vector<512x4608xf32> to vector<512x128xf32>
    %slice3A_291 = vector.extract_strided_slice %and3A_8 {offsets = [0, 19], sizes = [512, 1], strides = [1, 1]} : vector<512x36xi32> to vector<512x1xi32>
    %ne3A_292 = arith.constant 0 : i32
    %ne3A_293 = vector.broadcast %ne3A_292 : i32 to vector<512x1xi32>
    %ne3A_294 = arith.cmpi ne, %slice3A_291, %ne3A_293 : vector<512x1xi32>
    %eq3A_295 = vector.broadcast %ne3A_294 : vector<512x1xi1> to vector<512x128xi1>
    %eq3A_296 = vector.broadcast %ge3A_10 : vector<1x128xi1> to vector<512x128xi1>
    %eq3A_297 = vector.broadcast %eq3A_295 : vector<512x128xi1> to vector<512x128xi1>
    %eq3A_298 = vector.broadcast %eq3A_296 : vector<512x128xi1> to vector<512x128xi1>
    %eq3A_299 = arith.xori %eq3A_297, %eq3A_298 : vector<512x128xi1>
    %eq3A_300 = arith.constant dense<true> : vector<512x128xi1>
    %eq3A_301 = arith.xori %eq3A_299, %eq3A_300 : vector<512x128xi1>
    %jit3A_302 = arith.constant 0.000000e+00 : f32
    %broadcast_in_dim3A_303 = vector.broadcast %jit3A_302 : f32 to vector<512x128xf32>
    %select_n3A_304 = arith.select %eq3A_301, %slice3A_290, %broadcast_in_dim3A_303 : vector<512x128xi1>, vector<512x128xf32>
    %slice3A_305 = vector.extract_strided_slice %get3A_1 {offsets = [0, 2560], sizes = [512, 128], strides = [1, 1]} : vector<512x4608xf32> to vector<512x128xf32>
    %slice3A_306 = vector.extract_strided_slice %and3A_8 {offsets = [0, 20], sizes = [512, 1], strides = [1, 1]} : vector<512x36xi32> to vector<512x1xi32>
    %ne3A_307 = arith.constant 0 : i32
    %ne3A_308 = vector.broadcast %ne3A_307 : i32 to vector<512x1xi32>
    %ne3A_309 = arith.cmpi ne, %slice3A_306, %ne3A_308 : vector<512x1xi32>
    %eq3A_310 = vector.broadcast %ne3A_309 : vector<512x1xi1> to vector<512x128xi1>
    %eq3A_311 = vector.broadcast %ge3A_10 : vector<1x128xi1> to vector<512x128xi1>
    %eq3A_312 = vector.broadcast %eq3A_310 : vector<512x128xi1> to vector<512x128xi1>
    %eq3A_313 = vector.broadcast %eq3A_311 : vector<512x128xi1> to vector<512x128xi1>
    %eq3A_314 = arith.xori %eq3A_312, %eq3A_313 : vector<512x128xi1>
    %eq3A_315 = arith.constant dense<true> : vector<512x128xi1>
    %eq3A_316 = arith.xori %eq3A_314, %eq3A_315 : vector<512x128xi1>
    %jit3A_317 = arith.constant 0.000000e+00 : f32
    %broadcast_in_dim3A_318 = vector.broadcast %jit3A_317 : f32 to vector<512x128xf32>
    %select_n3A_319 = arith.select %eq3A_316, %slice3A_305, %broadcast_in_dim3A_318 : vector<512x128xi1>, vector<512x128xf32>
    %slice3A_320 = vector.extract_strided_slice %get3A_1 {offsets = [0, 2688], sizes = [512, 128], strides = [1, 1]} : vector<512x4608xf32> to vector<512x128xf32>
    %slice3A_321 = vector.extract_strided_slice %and3A_8 {offsets = [0, 21], sizes = [512, 1], strides = [1, 1]} : vector<512x36xi32> to vector<512x1xi32>
    %ne3A_322 = arith.constant 0 : i32
    %ne3A_323 = vector.broadcast %ne3A_322 : i32 to vector<512x1xi32>
    %ne3A_324 = arith.cmpi ne, %slice3A_321, %ne3A_323 : vector<512x1xi32>
    %eq3A_325 = vector.broadcast %ne3A_324 : vector<512x1xi1> to vector<512x128xi1>
    %eq3A_326 = vector.broadcast %ge3A_10 : vector<1x128xi1> to vector<512x128xi1>
    %eq3A_327 = vector.broadcast %eq3A_325 : vector<512x128xi1> to vector<512x128xi1>
    %eq3A_328 = vector.broadcast %eq3A_326 : vector<512x128xi1> to vector<512x128xi1>
    %eq3A_329 = arith.xori %eq3A_327, %eq3A_328 : vector<512x128xi1>
    %eq3A_330 = arith.constant dense<true> : vector<512x128xi1>
    %eq3A_331 = arith.xori %eq3A_329, %eq3A_330 : vector<512x128xi1>
    %jit3A_332 = arith.constant 0.000000e+00 : f32
    %broadcast_in_dim3A_333 = vector.broadcast %jit3A_332 : f32 to vector<512x128xf32>
    %select_n3A_334 = arith.select %eq3A_331, %slice3A_320, %broadcast_in_dim3A_333 : vector<512x128xi1>, vector<512x128xf32>
    %slice3A_335 = vector.extract_strided_slice %get3A_1 {offsets = [0, 2816], sizes = [512, 128], strides = [1, 1]} : vector<512x4608xf32> to vector<512x128xf32>
    %slice3A_336 = vector.extract_strided_slice %and3A_8 {offsets = [0, 22], sizes = [512, 1], strides = [1, 1]} : vector<512x36xi32> to vector<512x1xi32>
    %ne3A_337 = arith.constant 0 : i32
    %ne3A_338 = vector.broadcast %ne3A_337 : i32 to vector<512x1xi32>
    %ne3A_339 = arith.cmpi ne, %slice3A_336, %ne3A_338 : vector<512x1xi32>
    %eq3A_340 = vector.broadcast %ne3A_339 : vector<512x1xi1> to vector<512x128xi1>
    %eq3A_341 = vector.broadcast %ge3A_10 : vector<1x128xi1> to vector<512x128xi1>
    %eq3A_342 = vector.broadcast %eq3A_340 : vector<512x128xi1> to vector<512x128xi1>
    %eq3A_343 = vector.broadcast %eq3A_341 : vector<512x128xi1> to vector<512x128xi1>
    %eq3A_344 = arith.xori %eq3A_342, %eq3A_343 : vector<512x128xi1>
    %eq3A_345 = arith.constant dense<true> : vector<512x128xi1>
    %eq3A_346 = arith.xori %eq3A_344, %eq3A_345 : vector<512x128xi1>
    %jit3A_347 = arith.constant 0.000000e+00 : f32
    %broadcast_in_dim3A_348 = vector.broadcast %jit3A_347 : f32 to vector<512x128xf32>
    %select_n3A_349 = arith.select %eq3A_346, %slice3A_335, %broadcast_in_dim3A_348 : vector<512x128xi1>, vector<512x128xf32>
    %slice3A_350 = vector.extract_strided_slice %get3A_1 {offsets = [0, 2944], sizes = [512, 128], strides = [1, 1]} : vector<512x4608xf32> to vector<512x128xf32>
    %slice3A_351 = vector.extract_strided_slice %and3A_8 {offsets = [0, 23], sizes = [512, 1], strides = [1, 1]} : vector<512x36xi32> to vector<512x1xi32>
    %ne3A_352 = arith.constant 0 : i32
    %ne3A_353 = vector.broadcast %ne3A_352 : i32 to vector<512x1xi32>
    %ne3A_354 = arith.cmpi ne, %slice3A_351, %ne3A_353 : vector<512x1xi32>
    %eq3A_355 = vector.broadcast %ne3A_354 : vector<512x1xi1> to vector<512x128xi1>
    %eq3A_356 = vector.broadcast %ge3A_10 : vector<1x128xi1> to vector<512x128xi1>
    %eq3A_357 = vector.broadcast %eq3A_355 : vector<512x128xi1> to vector<512x128xi1>
    %eq3A_358 = vector.broadcast %eq3A_356 : vector<512x128xi1> to vector<512x128xi1>
    %eq3A_359 = arith.xori %eq3A_357, %eq3A_358 : vector<512x128xi1>
    %eq3A_360 = arith.constant dense<true> : vector<512x128xi1>
    %eq3A_361 = arith.xori %eq3A_359, %eq3A_360 : vector<512x128xi1>
    %jit3A_362 = arith.constant 0.000000e+00 : f32
    %broadcast_in_dim3A_363 = vector.broadcast %jit3A_362 : f32 to vector<512x128xf32>
    %select_n3A_364 = arith.select %eq3A_361, %slice3A_350, %broadcast_in_dim3A_363 : vector<512x128xi1>, vector<512x128xf32>
    %slice3A_365 = vector.extract_strided_slice %get3A_1 {offsets = [0, 3072], sizes = [512, 128], strides = [1, 1]} : vector<512x4608xf32> to vector<512x128xf32>
    %slice3A_366 = vector.extract_strided_slice %and3A_8 {offsets = [0, 24], sizes = [512, 1], strides = [1, 1]} : vector<512x36xi32> to vector<512x1xi32>
    %ne3A_367 = arith.constant 0 : i32
    %ne3A_368 = vector.broadcast %ne3A_367 : i32 to vector<512x1xi32>
    %ne3A_369 = arith.cmpi ne, %slice3A_366, %ne3A_368 : vector<512x1xi32>
    %eq3A_370 = vector.broadcast %ne3A_369 : vector<512x1xi1> to vector<512x128xi1>
    %eq3A_371 = vector.broadcast %ge3A_10 : vector<1x128xi1> to vector<512x128xi1>
    %eq3A_372 = vector.broadcast %eq3A_370 : vector<512x128xi1> to vector<512x128xi1>
    %eq3A_373 = vector.broadcast %eq3A_371 : vector<512x128xi1> to vector<512x128xi1>
    %eq3A_374 = arith.xori %eq3A_372, %eq3A_373 : vector<512x128xi1>
    %eq3A_375 = arith.constant dense<true> : vector<512x128xi1>
    %eq3A_376 = arith.xori %eq3A_374, %eq3A_375 : vector<512x128xi1>
    %jit3A_377 = arith.constant 0.000000e+00 : f32
    %broadcast_in_dim3A_378 = vector.broadcast %jit3A_377 : f32 to vector<512x128xf32>
    %select_n3A_379 = arith.select %eq3A_376, %slice3A_365, %broadcast_in_dim3A_378 : vector<512x128xi1>, vector<512x128xf32>
    %slice3A_380 = vector.extract_strided_slice %get3A_1 {offsets = [0, 3200], sizes = [512, 128], strides = [1, 1]} : vector<512x4608xf32> to vector<512x128xf32>
    %slice3A_381 = vector.extract_strided_slice %and3A_8 {offsets = [0, 25], sizes = [512, 1], strides = [1, 1]} : vector<512x36xi32> to vector<512x1xi32>
    %ne3A_382 = arith.constant 0 : i32
    %ne3A_383 = vector.broadcast %ne3A_382 : i32 to vector<512x1xi32>
    %ne3A_384 = arith.cmpi ne, %slice3A_381, %ne3A_383 : vector<512x1xi32>
    %eq3A_385 = vector.broadcast %ne3A_384 : vector<512x1xi1> to vector<512x128xi1>
    %eq3A_386 = vector.broadcast %ge3A_10 : vector<1x128xi1> to vector<512x128xi1>
    %eq3A_387 = vector.broadcast %eq3A_385 : vector<512x128xi1> to vector<512x128xi1>
    %eq3A_388 = vector.broadcast %eq3A_386 : vector<512x128xi1> to vector<512x128xi1>
    %eq3A_389 = arith.xori %eq3A_387, %eq3A_388 : vector<512x128xi1>
    %eq3A_390 = arith.constant dense<true> : vector<512x128xi1>
    %eq3A_391 = arith.xori %eq3A_389, %eq3A_390 : vector<512x128xi1>
    %jit3A_392 = arith.constant 0.000000e+00 : f32
    %broadcast_in_dim3A_393 = vector.broadcast %jit3A_392 : f32 to vector<512x128xf32>
    %select_n3A_394 = arith.select %eq3A_391, %slice3A_380, %broadcast_in_dim3A_393 : vector<512x128xi1>, vector<512x128xf32>
    %slice3A_395 = vector.extract_strided_slice %get3A_1 {offsets = [0, 3328], sizes = [512, 128], strides = [1, 1]} : vector<512x4608xf32> to vector<512x128xf32>
    %slice3A_396 = vector.extract_strided_slice %and3A_8 {offsets = [0, 26], sizes = [512, 1], strides = [1, 1]} : vector<512x36xi32> to vector<512x1xi32>
    %ne3A_397 = arith.constant 0 : i32
    %ne3A_398 = vector.broadcast %ne3A_397 : i32 to vector<512x1xi32>
    %ne3A_399 = arith.cmpi ne, %slice3A_396, %ne3A_398 : vector<512x1xi32>
    %eq3A_400 = vector.broadcast %ne3A_399 : vector<512x1xi1> to vector<512x128xi1>
    %eq3A_401 = vector.broadcast %ge3A_10 : vector<1x128xi1> to vector<512x128xi1>
    %eq3A_402 = vector.broadcast %eq3A_400 : vector<512x128xi1> to vector<512x128xi1>
    %eq3A_403 = vector.broadcast %eq3A_401 : vector<512x128xi1> to vector<512x128xi1>
    %eq3A_404 = arith.xori %eq3A_402, %eq3A_403 : vector<512x128xi1>
    %eq3A_405 = arith.constant dense<true> : vector<512x128xi1>
    %eq3A_406 = arith.xori %eq3A_404, %eq3A_405 : vector<512x128xi1>
    %jit3A_407 = arith.constant 0.000000e+00 : f32
    %broadcast_in_dim3A_408 = vector.broadcast %jit3A_407 : f32 to vector<512x128xf32>
    %select_n3A_409 = arith.select %eq3A_406, %slice3A_395, %broadcast_in_dim3A_408 : vector<512x128xi1>, vector<512x128xf32>
    %slice3A_410 = vector.extract_strided_slice %get3A_1 {offsets = [0, 3456], sizes = [512, 128], strides = [1, 1]} : vector<512x4608xf32> to vector<512x128xf32>
    %slice3A_411 = vector.extract_strided_slice %and3A_8 {offsets = [0, 27], sizes = [512, 1], strides = [1, 1]} : vector<512x36xi32> to vector<512x1xi32>
    %ne3A_412 = arith.constant 0 : i32
    %ne3A_413 = vector.broadcast %ne3A_412 : i32 to vector<512x1xi32>
    %ne3A_414 = arith.cmpi ne, %slice3A_411, %ne3A_413 : vector<512x1xi32>
    %eq3A_415 = vector.broadcast %ne3A_414 : vector<512x1xi1> to vector<512x128xi1>
    %eq3A_416 = vector.broadcast %ge3A_10 : vector<1x128xi1> to vector<512x128xi1>
    %eq3A_417 = vector.broadcast %eq3A_415 : vector<512x128xi1> to vector<512x128xi1>
    %eq3A_418 = vector.broadcast %eq3A_416 : vector<512x128xi1> to vector<512x128xi1>
    %eq3A_419 = arith.xori %eq3A_417, %eq3A_418 : vector<512x128xi1>
    %eq3A_420 = arith.constant dense<true> : vector<512x128xi1>
    %eq3A_421 = arith.xori %eq3A_419, %eq3A_420 : vector<512x128xi1>
    %jit3A_422 = arith.constant 0.000000e+00 : f32
    %broadcast_in_dim3A_423 = vector.broadcast %jit3A_422 : f32 to vector<512x128xf32>
    %select_n3A_424 = arith.select %eq3A_421, %slice3A_410, %broadcast_in_dim3A_423 : vector<512x128xi1>, vector<512x128xf32>
    %slice3A_425 = vector.extract_strided_slice %get3A_1 {offsets = [0, 3584], sizes = [512, 128], strides = [1, 1]} : vector<512x4608xf32> to vector<512x128xf32>
    %slice3A_426 = vector.extract_strided_slice %and3A_8 {offsets = [0, 28], sizes = [512, 1], strides = [1, 1]} : vector<512x36xi32> to vector<512x1xi32>
    %ne3A_427 = arith.constant 0 : i32
    %ne3A_428 = vector.broadcast %ne3A_427 : i32 to vector<512x1xi32>
    %ne3A_429 = arith.cmpi ne, %slice3A_426, %ne3A_428 : vector<512x1xi32>
    %eq3A_430 = vector.broadcast %ne3A_429 : vector<512x1xi1> to vector<512x128xi1>
    %eq3A_431 = vector.broadcast %ge3A_10 : vector<1x128xi1> to vector<512x128xi1>
    %eq3A_432 = vector.broadcast %eq3A_430 : vector<512x128xi1> to vector<512x128xi1>
    %eq3A_433 = vector.broadcast %eq3A_431 : vector<512x128xi1> to vector<512x128xi1>
    %eq3A_434 = arith.xori %eq3A_432, %eq3A_433 : vector<512x128xi1>
    %eq3A_435 = arith.constant dense<true> : vector<512x128xi1>
    %eq3A_436 = arith.xori %eq3A_434, %eq3A_435 : vector<512x128xi1>
    %jit3A_437 = arith.constant 0.000000e+00 : f32
    %broadcast_in_dim3A_438 = vector.broadcast %jit3A_437 : f32 to vector<512x128xf32>
    %select_n3A_439 = arith.select %eq3A_436, %slice3A_425, %broadcast_in_dim3A_438 : vector<512x128xi1>, vector<512x128xf32>
    %slice3A_440 = vector.extract_strided_slice %get3A_1 {offsets = [0, 3712], sizes = [512, 128], strides = [1, 1]} : vector<512x4608xf32> to vector<512x128xf32>
    %slice3A_441 = vector.extract_strided_slice %and3A_8 {offsets = [0, 29], sizes = [512, 1], strides = [1, 1]} : vector<512x36xi32> to vector<512x1xi32>
    %ne3A_442 = arith.constant 0 : i32
    %ne3A_443 = vector.broadcast %ne3A_442 : i32 to vector<512x1xi32>
    %ne3A_444 = arith.cmpi ne, %slice3A_441, %ne3A_443 : vector<512x1xi32>
    %eq3A_445 = vector.broadcast %ne3A_444 : vector<512x1xi1> to vector<512x128xi1>
    %eq3A_446 = vector.broadcast %ge3A_10 : vector<1x128xi1> to vector<512x128xi1>
    %eq3A_447 = vector.broadcast %eq3A_445 : vector<512x128xi1> to vector<512x128xi1>
    %eq3A_448 = vector.broadcast %eq3A_446 : vector<512x128xi1> to vector<512x128xi1>
    %eq3A_449 = arith.xori %eq3A_447, %eq3A_448 : vector<512x128xi1>
    %eq3A_450 = arith.constant dense<true> : vector<512x128xi1>
    %eq3A_451 = arith.xori %eq3A_449, %eq3A_450 : vector<512x128xi1>
    %jit3A_452 = arith.constant 0.000000e+00 : f32
    %broadcast_in_dim3A_453 = vector.broadcast %jit3A_452 : f32 to vector<512x128xf32>
    %select_n3A_454 = arith.select %eq3A_451, %slice3A_440, %broadcast_in_dim3A_453 : vector<512x128xi1>, vector<512x128xf32>
    %slice3A_455 = vector.extract_strided_slice %get3A_1 {offsets = [0, 3840], sizes = [512, 128], strides = [1, 1]} : vector<512x4608xf32> to vector<512x128xf32>
    %slice3A_456 = vector.extract_strided_slice %and3A_8 {offsets = [0, 30], sizes = [512, 1], strides = [1, 1]} : vector<512x36xi32> to vector<512x1xi32>
    %ne3A_457 = arith.constant 0 : i32
    %ne3A_458 = vector.broadcast %ne3A_457 : i32 to vector<512x1xi32>
    %ne3A_459 = arith.cmpi ne, %slice3A_456, %ne3A_458 : vector<512x1xi32>
    %eq3A_460 = vector.broadcast %ne3A_459 : vector<512x1xi1> to vector<512x128xi1>
    %eq3A_461 = vector.broadcast %ge3A_10 : vector<1x128xi1> to vector<512x128xi1>
    %eq3A_462 = vector.broadcast %eq3A_460 : vector<512x128xi1> to vector<512x128xi1>
    %eq3A_463 = vector.broadcast %eq3A_461 : vector<512x128xi1> to vector<512x128xi1>
    %eq3A_464 = arith.xori %eq3A_462, %eq3A_463 : vector<512x128xi1>
    %eq3A_465 = arith.constant dense<true> : vector<512x128xi1>
    %eq3A_466 = arith.xori %eq3A_464, %eq3A_465 : vector<512x128xi1>
    %jit3A_467 = arith.constant 0.000000e+00 : f32
    %broadcast_in_dim3A_468 = vector.broadcast %jit3A_467 : f32 to vector<512x128xf32>
    %select_n3A_469 = arith.select %eq3A_466, %slice3A_455, %broadcast_in_dim3A_468 : vector<512x128xi1>, vector<512x128xf32>
    %slice3A_470 = vector.extract_strided_slice %get3A_1 {offsets = [0, 3968], sizes = [512, 128], strides = [1, 1]} : vector<512x4608xf32> to vector<512x128xf32>
    %slice3A_471 = vector.extract_strided_slice %and3A_8 {offsets = [0, 31], sizes = [512, 1], strides = [1, 1]} : vector<512x36xi32> to vector<512x1xi32>
    %ne3A_472 = arith.constant 0 : i32
    %ne3A_473 = vector.broadcast %ne3A_472 : i32 to vector<512x1xi32>
    %ne3A_474 = arith.cmpi ne, %slice3A_471, %ne3A_473 : vector<512x1xi32>
    %eq3A_475 = vector.broadcast %ne3A_474 : vector<512x1xi1> to vector<512x128xi1>
    %eq3A_476 = vector.broadcast %ge3A_10 : vector<1x128xi1> to vector<512x128xi1>
    %eq3A_477 = vector.broadcast %eq3A_475 : vector<512x128xi1> to vector<512x128xi1>
    %eq3A_478 = vector.broadcast %eq3A_476 : vector<512x128xi1> to vector<512x128xi1>
    %eq3A_479 = arith.xori %eq3A_477, %eq3A_478 : vector<512x128xi1>
    %eq3A_480 = arith.constant dense<true> : vector<512x128xi1>
    %eq3A_481 = arith.xori %eq3A_479, %eq3A_480 : vector<512x128xi1>
    %jit3A_482 = arith.constant 0.000000e+00 : f32
    %broadcast_in_dim3A_483 = vector.broadcast %jit3A_482 : f32 to vector<512x128xf32>
    %select_n3A_484 = arith.select %eq3A_481, %slice3A_470, %broadcast_in_dim3A_483 : vector<512x128xi1>, vector<512x128xf32>
    %slice3A_485 = vector.extract_strided_slice %get3A_1 {offsets = [0, 4096], sizes = [512, 128], strides = [1, 1]} : vector<512x4608xf32> to vector<512x128xf32>
    %slice3A_486 = vector.extract_strided_slice %and3A_8 {offsets = [0, 32], sizes = [512, 1], strides = [1, 1]} : vector<512x36xi32> to vector<512x1xi32>
    %ne3A_487 = arith.constant 0 : i32
    %ne3A_488 = vector.broadcast %ne3A_487 : i32 to vector<512x1xi32>
    %ne3A_489 = arith.cmpi ne, %slice3A_486, %ne3A_488 : vector<512x1xi32>
    %eq3A_490 = vector.broadcast %ne3A_489 : vector<512x1xi1> to vector<512x128xi1>
    %eq3A_491 = vector.broadcast %ge3A_10 : vector<1x128xi1> to vector<512x128xi1>
    %eq3A_492 = vector.broadcast %eq3A_490 : vector<512x128xi1> to vector<512x128xi1>
    %eq3A_493 = vector.broadcast %eq3A_491 : vector<512x128xi1> to vector<512x128xi1>
    %eq3A_494 = arith.xori %eq3A_492, %eq3A_493 : vector<512x128xi1>
    %eq3A_495 = arith.constant dense<true> : vector<512x128xi1>
    %eq3A_496 = arith.xori %eq3A_494, %eq3A_495 : vector<512x128xi1>
    %jit3A_497 = arith.constant 0.000000e+00 : f32
    %broadcast_in_dim3A_498 = vector.broadcast %jit3A_497 : f32 to vector<512x128xf32>
    %select_n3A_499 = arith.select %eq3A_496, %slice3A_485, %broadcast_in_dim3A_498 : vector<512x128xi1>, vector<512x128xf32>
    %slice3A_500 = vector.extract_strided_slice %get3A_1 {offsets = [0, 4224], sizes = [512, 128], strides = [1, 1]} : vector<512x4608xf32> to vector<512x128xf32>
    %slice3A_501 = vector.extract_strided_slice %and3A_8 {offsets = [0, 33], sizes = [512, 1], strides = [1, 1]} : vector<512x36xi32> to vector<512x1xi32>
    %ne3A_502 = arith.constant 0 : i32
    %ne3A_503 = vector.broadcast %ne3A_502 : i32 to vector<512x1xi32>
    %ne3A_504 = arith.cmpi ne, %slice3A_501, %ne3A_503 : vector<512x1xi32>
    %eq3A_505 = vector.broadcast %ne3A_504 : vector<512x1xi1> to vector<512x128xi1>
    %eq3A_506 = vector.broadcast %ge3A_10 : vector<1x128xi1> to vector<512x128xi1>
    %eq3A_507 = vector.broadcast %eq3A_505 : vector<512x128xi1> to vector<512x128xi1>
    %eq3A_508 = vector.broadcast %eq3A_506 : vector<512x128xi1> to vector<512x128xi1>
    %eq3A_509 = arith.xori %eq3A_507, %eq3A_508 : vector<512x128xi1>
    %eq3A_510 = arith.constant dense<true> : vector<512x128xi1>
    %eq3A_511 = arith.xori %eq3A_509, %eq3A_510 : vector<512x128xi1>
    %jit3A_512 = arith.constant 0.000000e+00 : f32
    %broadcast_in_dim3A_513 = vector.broadcast %jit3A_512 : f32 to vector<512x128xf32>
    %select_n3A_514 = arith.select %eq3A_511, %slice3A_500, %broadcast_in_dim3A_513 : vector<512x128xi1>, vector<512x128xf32>
    %slice3A_515 = vector.extract_strided_slice %get3A_1 {offsets = [0, 4352], sizes = [512, 128], strides = [1, 1]} : vector<512x4608xf32> to vector<512x128xf32>
    %slice3A_516 = vector.extract_strided_slice %and3A_8 {offsets = [0, 34], sizes = [512, 1], strides = [1, 1]} : vector<512x36xi32> to vector<512x1xi32>
    %ne3A_517 = arith.constant 0 : i32
    %ne3A_518 = vector.broadcast %ne3A_517 : i32 to vector<512x1xi32>
    %ne3A_519 = arith.cmpi ne, %slice3A_516, %ne3A_518 : vector<512x1xi32>
    %eq3A_520 = vector.broadcast %ne3A_519 : vector<512x1xi1> to vector<512x128xi1>
    %eq3A_521 = vector.broadcast %ge3A_10 : vector<1x128xi1> to vector<512x128xi1>
    %eq3A_522 = vector.broadcast %eq3A_520 : vector<512x128xi1> to vector<512x128xi1>
    %eq3A_523 = vector.broadcast %eq3A_521 : vector<512x128xi1> to vector<512x128xi1>
    %eq3A_524 = arith.xori %eq3A_522, %eq3A_523 : vector<512x128xi1>
    %eq3A_525 = arith.constant dense<true> : vector<512x128xi1>
    %eq3A_526 = arith.xori %eq3A_524, %eq3A_525 : vector<512x128xi1>
    %jit3A_527 = arith.constant 0.000000e+00 : f32
    %broadcast_in_dim3A_528 = vector.broadcast %jit3A_527 : f32 to vector<512x128xf32>
    %select_n3A_529 = arith.select %eq3A_526, %slice3A_515, %broadcast_in_dim3A_528 : vector<512x128xi1>, vector<512x128xf32>
    %slice3A_530 = vector.extract_strided_slice %get3A_1 {offsets = [0, 4480], sizes = [512, 128], strides = [1, 1]} : vector<512x4608xf32> to vector<512x128xf32>
    %slice3A_531 = vector.extract_strided_slice %and3A_8 {offsets = [0, 35], sizes = [512, 1], strides = [1, 1]} : vector<512x36xi32> to vector<512x1xi32>
    %ne3A_532 = arith.constant 0 : i32
    %ne3A_533 = vector.broadcast %ne3A_532 : i32 to vector<512x1xi32>
    %ne3A_534 = arith.cmpi ne, %slice3A_531, %ne3A_533 : vector<512x1xi32>
    %eq3A_535 = vector.broadcast %ne3A_534 : vector<512x1xi1> to vector<512x128xi1>
    %eq3A_536 = vector.broadcast %ge3A_10 : vector<1x128xi1> to vector<512x128xi1>
    %eq3A_537 = vector.broadcast %eq3A_535 : vector<512x128xi1> to vector<512x128xi1>
    %eq3A_538 = vector.broadcast %eq3A_536 : vector<512x128xi1> to vector<512x128xi1>
    %eq3A_539 = arith.xori %eq3A_537, %eq3A_538 : vector<512x128xi1>
    %eq3A_540 = arith.constant dense<true> : vector<512x128xi1>
    %eq3A_541 = arith.xori %eq3A_539, %eq3A_540 : vector<512x128xi1>
    %jit3A_542 = arith.constant 0.000000e+00 : f32
    %broadcast_in_dim3A_543 = vector.broadcast %jit3A_542 : f32 to vector<512x128xf32>
    %select_n3A_544 = arith.select %eq3A_541, %slice3A_530, %broadcast_in_dim3A_543 : vector<512x128xi1>, vector<512x128xf32>
    %concatenate3A = tpu.concatenate %select_n3A, %select_n3A_34, %select_n3A_49, %select_n3A_64, %select_n3A_79, %select_n3A_94, %select_n3A_109, %select_n3A_124, %select_n3A_139, %select_n3A_154, %select_n3A_169, %select_n3A_184, %select_n3A_199, %select_n3A_214, %select_n3A_229, %select_n3A_244, %select_n3A_259, %select_n3A_274, %select_n3A_289, %select_n3A_304, %select_n3A_319, %select_n3A_334, %select_n3A_349, %select_n3A_364, %select_n3A_379, %select_n3A_394, %select_n3A_409, %select_n3A_424, %select_n3A_439, %select_n3A_454, %select_n3A_469, %select_n3A_484, %select_n3A_499, %select_n3A_514, %select_n3A_529, %select_n3A_544 in 1 : vector<512x128xf32>, vector<512x128xf32>, vector<512x128xf32>, vector<512x128xf32>, vector<512x128xf32>, vector<512x128xf32>, vector<512x128xf32>, vector<512x128xf32>, vector<512x128xf32>, vector<512x128xf32>, vector<512x128xf32>, vector<512x128xf32>, vector<512x128xf32>, vector<512x128xf32>, vector<512x128xf32>, vector<512x128xf32>, vector<512x128xf32>, vector<512x128xf32>, vector<512x128xf32>, vector<512x128xf32>, vector<512x128xf32>, vector<512x128xf32>, vector<512x128xf32>, vector<512x128xf32>, vector<512x128xf32>, vector<512x128xf32>, vector<512x128xf32>, vector<512x128xf32>, vector<512x128xf32>, vector<512x128xf32>, vector<512x128xf32>, vector<512x128xf32>, vector<512x128xf32>, vector<512x128xf32>, vector<512x128xf32>, vector<512x128xf32> -> vector<512x4608xf32>
    %convert_element_type3A = arith.truncf %concatenate3A : vector<512x4608xf32> to vector<512x4608xbf16>
    %get3A_545 = arith.constant 0 : index
    %get3A_546 = arith.constant 0 : index
    %get3A_547 = vector.load %arg3[%get3A_545, %get3A_546] : memref<4608x200xbf16, #tpu.memory_space<vmem>>, vector<4608x200xbf16>
    %dot_general3A = arith.constant dense<0.000000e+00> : vector<512x200xf32>
    %dot_general3A_548 = tpu.matmul %convert_element_type3A, %get3A_547, %dot_general3A {dimension_numbers = #tpu.dot_dimension_numbers<[1], [0], [0], [1], [0, 0, 1, 1], [], []>, transpose_lhs_hint = false} : vector<512x4608xbf16>, vector<4608x200xbf16>, vector<512x200xf32> -> vector<512x200xf32>
    %get3A_549 = arith.constant 0 : index
    %get3A_550 = arith.constant 0 : index
    %get3A_551 = vector.load %arg4[%get3A_549, %get3A_550] : memref<1x200xf32, #tpu.memory_space<vmem>>, vector<1x200xf32>
    %add3A = vector.broadcast %get3A_551 : vector<1x200xf32> to vector<512x200xf32>
    %add3A_552 = arith.addf %dot_general3A_548, %add3A : vector<512x200xf32>
    %max3A = arith.constant 0.000000e+00 : f32
    %max3A_553 = vector.broadcast %max3A : f32 to vector<512x200xf32>
    %max3A_554 = arith.maximumf %add3A_552, %max3A_553 : vector<512x200xf32>
    %get3A_555 = arith.constant 0 : index
    %get3A_556 = arith.constant 0 : index
    %get3A_557 = vector.load %arg5[%get3A_555, %get3A_556] : memref<200x3xf32, #tpu.memory_space<vmem>>, vector<200x3xf32>
    %dot_general3A_558 = arith.constant dense<0.000000e+00> : vector<512x3xf32>
    %dot_general3A_559 = tpu.matmul %max3A_554, %get3A_557, %dot_general3A_558 {dimension_numbers = #tpu.dot_dimension_numbers<[1], [0], [0], [1], [0, 0, 1, 1], [], []>, transpose_lhs_hint = false} : vector<512x200xf32>, vector<200x3xf32>, vector<512x3xf32> -> vector<512x3xf32>
    %get3A_560 = arith.constant 0 : index
    %get3A_561 = arith.constant 0 : index
    %get3A_562 = vector.load %arg6[%get3A_560, %get3A_561] : memref<1x3xf32, #tpu.memory_space<vmem>>, vector<1x3xf32>
    %add3A_563 = vector.broadcast %get3A_562 : vector<1x3xf32> to vector<512x3xf32>
    %add3A_564 = arith.addf %dot_general3A_559, %add3A_563 : vector<512x3xf32>
    %swap3A = arith.constant 0 : index
    %swap3A_565 = arith.constant 0 : index
    %swap3A_566 = vector.load %arg7[%swap3A, %swap3A_565] : memref<512x3xf32, #tpu.memory_space<vmem>>, vector<512x3xf32>
    tpu.vector_store %arg7[%swap3A, %swap3A_565], %add3A_564 {strides = array<i32>} : memref<512x3xf32, #tpu.memory_space<vmem>>, vector<512x3xf32>,
    return
  }
  func.func @transform_0(%arg0: i32) -> (i32, i32) {
    %c0_i32 = arith.constant 0 : i32
    %c0_i32_0 = arith.constant 0 : i32
    return %arg0, %c0_i32 : i32, i32
  }
  func.func @transform_1(%arg0: i32) -> (i32, i32) {
    %c0_i32 = arith.constant 0 : i32
    %c0_i32_0 = arith.constant 0 : i32
    return %arg0, %c0_i32 : i32, i32
  }
  func.func @transform_2(%arg0: i32) -> (i32, i32) {
    %c0_i32 = arith.constant 0 : i32
    %c0_i32_0 = arith.constant 0 : i32
    %c0_i32_1 = arith.constant 0 : i32
    return %c0_i32, %c0_i32_0 : i32, i32
  }
  func.func @transform_3(%arg0: i32) -> (i32, i32) {
    %c0_i32 = arith.constant 0 : i32
    %c0_i32_0 = arith.constant 0 : i32
    %c0_i32_1 = arith.constant 0 : i32
    return %c0_i32, %c0_i32_0 : i32, i32
  }
  func.func @transform_4(%arg0: i32) -> (i32, i32) {
    %c0_i32 = arith.constant 0 : i32
    %c0_i32_0 = arith.constant 0 : i32
    %c0_i32_1 = arith.constant 0 : i32
    return %c0_i32, %c0_i32_0 : i32, i32
  }
  func.func @transform_5(%arg0: i32) -> (i32, i32) {
    %c0_i32 = arith.constant 0 : i32
    %c0_i32_0 = arith.constant 0 : i32
    %c0_i32_1 = arith.constant 0 : i32
    return %c0_i32, %c0_i32_0 : i32, i32
  }
  func.func @transform_6(%arg0: i32) -> (i32, i32) {
    %c0_i32 = arith.constant 0 : i32
    %c0_i32_0 = arith.constant 0 : i32
    return %arg0, %c0_i32 : i32, i32
  }
}

</mosaic_0001>

<sc_bundles>
// kernel: kernel.11.cloned.1.call-start
scs
__scs_entry_jumppad:
0x0: {  	(pc) =	sbr.rel $0x88, $3  }
0x1: {  	(tag) =	ssettag $0x0;
	lr =	simm.s32 $0x1  }
0x2: {  	[smem:$0x3F9B] =	sst lr;
	_ =	strace $0xD0000000  }
0x3: {  	_ = 	snop  }
0x4: {  	_ = 	snop  }
0x5: {  	_ = 	snop  }
0x6: {  	_ = 	snop  }
0x7: {  	_ = 	snop  }
__scs_overlays_trampoline_lowered:
0x8: {  	[smem:$0x3FAA] =	sst s0  }
0x9: {  	[smem:$0x3FAB] =	sst s1  }
0xa: {  	[smem:$0x3FAC] =	sst s2  }
0xb: {  	[smem:$0x3FAD] =	sst s3  }
0xc: {  	[smem:$0x3FAE] =	sst s4  }
0xd: {  	[smem:$0x3FAF] =	sst s5  }
0xe: {  	[smem:$0x3FB0] =	sst s6  }
0xf: {  	[smem:$0x3FB1] =	sst s7  }
0x10: {  	[smem:$0x3FB2] =	sst s8  }
0x11: {  	[smem:$0x3FB3] =	sst s9;
	s0 =	simm.s32 @!p0 $0x0  }
0x12: {  	s1 =	sld [smem:$0x3F99];
	s0 =	simm.s32 @p0 $0x1  }
0x13: {  	[smem:$0x3FB4] =	sst s0;
	s0 =	simm.s32 @!p1 $0x0  }
0x14: {  	s2 =	sld [smem:$0x3F98];
	s0 =	simm.s32 @p1 $0x1  }
0x15: {  	[smem:$0x3FB5] =	sst s0;
	s0 =	simm.s32 @!p2 $0x0  }
0x16: {  	s3 =	sld [smem:$0x3FDB];
	s0 =	simm.s32 @p2 $0x1  }
0x17: {  	s4 =	simm.s32 $0x1BF5;
	[smem:$0x3FB7] =	sst s0  }
0x18: {  	s0 =	sld [smem:$0x3F9A];
	_ =	swait.ge [sflag:s4], $0x0  }
0x19: {  	s7 =	sld [smem:$0x3F9B]  }
0x1a: {  	s8 =	sadd.s32 $0xFFFFE003, lr  }
0x1b: {  	s9 =	sadd.s32 $0xFFFFFEF7, lr;
	s5 =	simm.s32 $0xFFFFFFFF;
	p2 =	slt.u32 s8, $0xFFFFF086  }
0x1c: {  	p1 =	slt.u32 s9, $0xF7A;
	s5 =	simm.s32 @!p2 $0x0  }
0x1d: {  	s5 =	simm.s32 @p1 $0x1;
	p0 =	seq.s32 s7, s2  }
0x1e: {  	s7 =	smul.u32 @!p0 $0xF7A, s2;
	p2 =	seq.s32 @!p0 s5, $0x0  }
0x1f: {  	s9 =	smul.u32 $0xF7A, s1;
	s8 =	simm.s32 @!p0 $0x1BF5;
	p2 =	por !p2, p0  }
0x20: {  	[sflag:s8] =	ssyncset.s32 @!p0 $0xFFFFF086;
	s6 =	sadd.s32 @!p0 s3, s7;
	s7 =	simm.s32 @!p0 $0x108  }
0x21: {  	s3 =	sadd.s32 s3, s9;
	s6 =	sadd.s32 @!p0 $0x88, s6;
	s7 =	simm.s32 @p2 $0x1082  }
0x22: {  	[simem:s7], [sflag:s8] =	dma.local @!p0 [hbm:s6], $0xF7A  }
0x23: {  	s9 =	sor.u32 $0xD0000000, s2;
	s6 =	simm.s32 $0x108;
	_ =	swait.ge @!p0 [sflag:s8], $0x0  }
0x24: {  	s3 =	sadd.s32 $0x88, s3;
	s6 =	simm.s32 @!p1 $0x1082;
	[sflag:s4] =	ssyncset.s32 $0xFFFFF086  }
0x25: {  	[simem:s6], [sflag:s4] =	dma.local [hbm:s3], $0xF7A  }
0x26: {  	[smem:$0x3F9B] =	sst s1;
	(tag) =	ssettag s2;
	_ =	strace s9  }
0x27: {  	s1 =	sld [smem:$0x3FAB]  }
0x28: {  	s2 =	sld [smem:$0x3FAC]  }
0x29: {  	s4 =	sld [smem:$0x3FAE]  }
0x2a: {  	p0 =	seq.s32 s5, $0x0;
	s5 =	sld [smem:$0x3FAF]  }
0x2b: {  	s6 =	sld [smem:$0x3FB0]  }
0x2c: {  	s7 =	sld [smem:$0x3FB1]  }
0x2d: {  	s3 =	simm.s32 $0x108;
	s8 =	sld [smem:$0x3FB2]  }
0x2e: {  	s3 =	simm.s32 @!p0 $0x1082;
	s9 =	sld [smem:$0x3FB3]  }
0x2f: {  	lr =	sadd.s32 s0, s3;
	s0 =	sld [smem:$0x3FAA]  }
0x30: {  	s3 =	sld [smem:$0x3FAD]  }
0x31: {  	[smem:$0x3FB6] =	sst s10  }
0x32: {  	s10 =	sld [smem:$0x3FB4];
	_ =	sdelay $0x3  }
0x33: {  	p0 =	seq.s32 s10, $0x1;
	s10 =	sld [smem:$0x3FB6];
	_ =	sdelay $0x3  }
0x34: {  	[smem:$0x3FB6] =	sst s10  }
0x35: {  	s10 =	sld [smem:$0x3FB5];
	_ =	sdelay $0x3  }
0x36: {  	p1 =	seq.s32 s10, $0x1;
	s10 =	sld [smem:$0x3FB6];
	_ =	sdelay $0x3  }
0x37: {  	[smem:$0x3FB6] =	sst s10  }
0x38: {  	s10 =	sld [smem:$0x3FB7]  }
0x39: {  	_ = 	snop;
	(pc) =	sbr.ind lr, $3  }
0x3a: {  	_ = 	snop  }
0x3b: {  	_ = 	snop  }
0x3c: {  	p2 =	seq.s32 s10, $0x1;
	s10 =	sld [smem:$0x3FB6]  }
0x3d: {  	_ =	shalt  }
0x3e: {  	_ =	shalt  }
0x3f: {  	_ =	shalt  }
0x40: {  	_ =	shalt  }
0x41: {  	_ =	shalt  }
0x42: {  	_ =	shalt  }
0x43: {  	_ =	shalt  }
0x44: {  	_ =	shalt  }
0x45: {  	_ =	shalt  }
0x46: {  	_ =	shalt  }
0x47: {  	_ =	shalt  }
0x48: {  	_ =	shalt  }
0x49: {  	_ =	shalt  }
0x4a: {  	_ =	shalt  }
0x4b: {  	_ =	shalt  }
0x4c: {  	_ =	shalt  }
0x4d: {  	_ =	shalt  }
0x4e: {  	_ =	shalt  }
0x4f: {  	_ =	shalt  }
0x50: {  	_ =	shalt  }
0x51: {  	_ =	shalt  }
0x52: {  	_ =	shalt  }
0x53: {  	_ =	shalt  }
0x54: {  	_ =	shalt  }
0x55: {  	_ =	shalt  }
0x56: {  	_ =	shalt  }
0x57: {  	_ =	shalt  }
0x58: {  	_ =	shalt  }
0x59: {  	_ =	shalt  }
0x5a: {  	_ =	shalt  }
0x5b: {  	_ =	shalt  }
0x5c: {  	_ =	shalt  }
0x5d: {  	_ =	shalt  }
0x5e: {  	_ =	shalt  }
0x5f: {  	_ =	shalt  }
0x60: {  	_ =	shalt  }
0x61: {  	_ =	shalt  }
0x62: {  	_ =	shalt  }
0x63: {  	_ =	shalt  }
0x64: {  	_ =	shalt  }
0x65: {  	_ =	shalt  }
0x66: {  	_ =	shalt  }
0x67: {  	_ =	shalt  }
0x68: {  	_ =	shalt  }
0x69: {  	_ =	shalt  }
0x6a: {  	_ =	shalt  }
0x6b: {  	_ =	shalt  }
0x6c: {  	_ =	shalt  }
0x6d: {  	_ =	shalt  }
0x6e: {  	_ =	shalt  }
0x6f: {  	_ =	shalt  }
0x70: {  	_ =	shalt  }
0x71: {  	_ =	shalt  }
0x72: {  	_ =	shalt  }
0x73: {  	_ =	shalt  }
0x74: {  	_ =	shalt  }
0x75: {  	_ =	shalt  }
0x76: {  	_ =	shalt  }
0x77: {  	_ =	shalt  }
0x78: {  	_ =	shalt  }
0x79: {  	_ =	shalt  }
0x7a: {  	_ =	shalt  }
0x7b: {  	_ =	shalt  }
0x7c: {  	_ =	shalt  }
0x7d: {  	_ =	shalt  }
0x7e: {  	_ =	shalt  }
0x7f: {  	_ =	shalt  }
0x80: {  	_ =	shalt  }
0x81: {  	_ =	shalt  }
0x82: {  	_ =	shalt  }
0x83: {  	_ =	shalt  }
0x84: {  	_ =	shalt  }
0x85: {  	_ =	shalt  }
0x86: {  	_ =	shalt  }
0x87: {  	_ =	shalt  }
.Lfunc_end0:
.L_simem_size_0:
called_computation_lowered:
.L_overlay_start_0:
0x88: {  	s2 =	sld [smem:$0x3FD9]  }
0x89: {  	s3 =	sld [smem:$0x3FFE];
	_ =	sdelay $0x1  }
0x8a: {  	s1 =	srdreg.scid  }
0x8b: {  	s0 =	sand.u32 $0x1, s1  }
0x8c: {  	s17 =	sshll.u32 s0, $0xA;
	s2 =	sadd.s32 s3, s2  }
0x8d: {  	s2 =	sadd.s32 s2, s17  }
0x8e: {  	[smem:$0x3FC2] =	sst s2  }
0x8f: {  	_ = 	snop  }
0x90: {  	(tm) =	ssettm $0x1  }
0x91: {  	s18 =	sld [smem:$0x3FFB];
	_ =	sdelay $0x3  }
0x92: {  	_ =	strace s18  }
0x93: {  	s2 =	sld [smem:$0x3FFC];
	_ =	sdelay $0x3  }
0x94: {  	_ =	strace s2  }
0x95: {  	s2 =	sld [smem:$0x3FFD];
	_ =	sdelay $0x3  }
0x96: {  	_ =	strace s2  }
0x97: {  	_ =	strace $0x8FFFFFFF  }
0x98: {  	s19 =	sld [smem:$0x3FDB];
	_ =	sdelay $0x1  }
0x99: {  	s20 =	simm.s32 $_scs_section_size  }
0x9a: {  	s4 =	simm.s32 $_size__tile_overlayer_lowered;
	s5 =	simm.s32 $_tile_overlayer_lowered  }
0x9b: {  	s6 =	simm.s32 $0x1BFF;
	s21 =	sshll.u32 s5, $0x1;
	s3 =	sadd.s32 s20, s19  }
0x9c: {  	s22 =	simm.s32 $0x0;
	s4 =	sshll.u32 s4, $0x1;
	s5 =	sadd.s32 s21, s3  }
0x9d: {  	[timem:s22], [sflag:s6] =	dma.local [hbm:s5], s4  }
0x9e: {  	_ =	swait.ge [sflag:s6], s4  }
0x9f: {  	s4 =	ssub.s32 $0x0, s4;
	[sflag:s6] =	ssyncset.done $0x0  }
0xa0: {  	[sflag:s6] =	ssyncadd.s32 s4;
	_ =	sdelay $0x1  }
0xa1: {  	s23 =	simm.s32 $0x1B8B  }
0xa2: {  	_ =	swait.ge [sflag:s23], $0x1  }
0xa3: {  	[sflag:s23] =	ssyncset.done $0x0  }
0xa4: {  	[sflag:s23] =	ssyncadd.s32 $0xFFFFFFFF  }
0xa5: {  	s4 =	sld [smem:$0x0]  }
0xa6: {  	s5 =	sand.u32 $0xFFFFFFFE, s1  }
0xa7: {  	p0 =	sne.s32 s1, s5  }
0xa8: {  	s5 =	sshll.u32 @p0 s5, $0xE  }
0xa9: {  	s5 =	sadd.s32 @p0 $0x11B8D, s5;
	s6 =	sshll.u32 @p0 s4, $0x11  }
0xaa: {  	s5 =	sor.u32 @p0 s6, s5  }
0xab: {  	[sflag:s5] =	ssyncadd.remote.s32 @p0 $0x1;
	_ =	sdelay $0x1  }
0xac: {  	s5 =	simm.s32 @p0 $0x1B8D  }
0xad: {  	_ =	swait.eq @p0 [sflag:s5], $0x1  }
0xae: {  	[sflag:s5] =	ssyncadd.s32 @p0 $0xFFFFFFFF  }
0xaf: {  	s6 =	sshll.u32 @!p0 s1, $0xE  }
0xb0: {  	s6 =	sor.u32 @!p0 $0x4000, s6;
	s5 =	simm.s32 @!p0 $0x1B8D  }
0xb1: {  	s4 =	sshll.u32 @!p0 s4, $0x11;
	s6 =	sadd.s32 @!p0 $0x11B8D, s6;
	_ =	swait.eq @!p0 [sflag:s5], $0x1  }
0xb2: {  	s4 =	sor.u32 @!p0 s4, s6;
	[sflag:s5] =	ssyncadd.s32 @!p0 $0xFFFFFFFF  }
0xb3: {  	s25 =	simm.s32 $0x1B8E;
	s24 =	sld [smem:$0x3FFE];
	[sflag:s4] =	ssyncadd.remote.s32 @!p0 $0x1  }
0xb4: {  	s26 =	simm.s32 $execute0_lowered;
	[smem:$0x3FD2] =	sst s25  }
0xb5: {  	s5 =	sshll.u32 s26, $0x1;
	_ =	strace $0x8000004F;
	[dreg:$0x1] =	wrdreg $0xFFFFFFFF  }
0xb6: {  	s28 =	simm.s32 $_size_execute0_lowered;
	s3 =	sadd.s32 s3, s5;
	[dreg:$0x0] =	wrdreg $0x0  }
0xb7: {  	s5 =	sshll.u32 s28, $0x1;
	[dreg:$0x2] =	wrdreg s3  }
0xb8: {  	[dreg:$0x3] =	wrdreg s5  }
0xb9: {  	[dreg:$0x4] =	wrdreg $0xC0  }
0xba: {  	_ =	task [dreg:s22], $0x5FFFF  }
0xbb: {  	[dreg:$0x1] =	wrdreg $0xFFFFFFFF  }
0xbc: {  	[dreg:$0x0] =	wrdreg $0x60  }
0xbd: {  	[dreg:$0x2] =	wrdreg s24  }
0xbe: {  	[dreg:$0x3] =	wrdreg $0x9  }
0xbf: {  	_ =	task.clear_ibuf [dreg:s22], $0x4FFFF;
	_ =	strace $0x9000004F  }
0xc0: {  	s29 =	simm.s32 $0x9;
	_ =	strace $0x80000051  }
0xc1: {  	_ =	swait.ge [sflag:s29], $0x1  }
0xc2: {  	[sflag:s29] =	ssyncadd.s32 $0xFFFFFFFF  }
0xc3: {  	_ =	strace $0x90000051  }
0xc4: {  	_ =	sfence  }
0xc5: {  	s30 =	sld [smem:$0x0];
	_ =	sdelay $0x2  }
0xc6: {  	s31 =	sshll.u32 s1, $0xD;
	s1 =	sshrl.u32 s1, $0x2  }
0xc7: {  	s4 =	sand.u32 $0x4000, s31;
	s1 =	sadd.s32 s1, s30  }
0xc8: {  	s0 =	sor.u32 s4, s0;
	s1 =	sshll.u32 s1, $0x11  }
0xc9: {  	s0 =	sor.u32 s1, s0  }
0xca: {  	s0 =	sadd.s32 $0x8F2B, s0  }
0xcb: {  	[sflag:s0] =	ssyncadd.remote.s32 $0x1  }
0xcc: {  	_ =	sfence.sel $0xFFFF  }
0xcd: {  	[dreg:$0x0] =	wrdreg $0xFFFFFFFF;
	(pc) =	sbr.abs _section_cstart, $3  }
0xce: {  	[dreg:$0x1] =	wrdreg $0xFFFFFFFF  }
0xcf: {  	_ =	task.clear_ibuf [dreg:s22], $0x2FFFF;
	_ =	strace $0x9FFFFFFF  }
0xd0: {  	(tm) =	ssettm $0x7FFFFFFF  }
0xd1: {  	_ =	shalt  }
tec
execute0_lowered:
.L_overlay_start_1:
0x0: {  	(tag) =	ssettag $0x1  }
0x1: {  	s1 =	srdreg.scid;
	s4 =	rddreg [dreg:$0x0]  }
0x2: {  	s2 =	simm.s32 $0x0;
	s5 =	sand.u32 $0x1, s1;
	s1 =	rddreg [dreg:$0x1]  }
0x3: {  	s0 =	stileid.u32;
	s24 =	simm.s32 $0x2400;
	[smem:$0x7FF] =	sst s2  }
0x4: {  	s25 =	simm.s32 $0x3600;
	_ =	strace $0x80000050;
	[dreg:$0x2] =	wrdreg s24  }
0x5: {  	s26 =	simm.s32 $0x4800;
	s28 =	simm.s32 $0x5A00;
	[dreg:$0x3] =	wrdreg s25  }
0x6: {  	s29 =	simm.s32 $0x6C00;
	s30 =	simm.s32 $0x7E00;
	[dreg:$0x4] =	wrdreg s26  }
0x7: {  	s10 =	simm.s32 $0x9000;
	s11 =	simm.s32 $0xB400;
	[dreg:$0x5] =	wrdreg s28  }
0x8: {  	s12 =	simm.s32 $0xC600;
	s13 =	simm.s32 $0xD800;
	[dreg:$0x6] =	wrdreg s29  }
0x9: {  	s14 =	simm.s32 $0xEA00;
	s15 =	simm.s32 $0xFC00;
	[dreg:$0x7] =	wrdreg s30  }
0xa: {  	s16 =	simm.s32 $0x10E00;
	s31 =	simm.s32 $0x12000;
	[dreg:$0x8] =	wrdreg s10  }
0xb: {  	s17 =	simm.s32 $0x0;
	s22 =	sshll.u32 s0, $0x1;
	[dreg:$0x9] =	wrdreg s11  }
0xc: {  	s7 =	smul.u32 $0x24000, s0;
	s3 =	sor.u32 s5, s22;
	[dreg:$0xa] =	wrdreg s12  }
0xd: {  	s8 =	ssub.s32 $0x2, s5;
	s9 =	smul.u32 $0x12000, s5;
	[dreg:$0xb] =	wrdreg s13  }
0xe: {  	s10 =	simm.s32 $0x1;
	s11 =	simm.s32 $0xA200;
	[dreg:$0xc] =	wrdreg s14  }
0xf: {  	s12 =	simm.s32 $0x80;
	s13 =	simm.s32 $0x400;
	[dreg:$0xd] =	wrdreg s15  }
0x10: {  	s14 =	simm.s32 $0x2;
	s15 =	simm.s32 $0x3;
	[dreg:$0xe] =	wrdreg s16  }
0x11: {  	[dreg:$0xf] =	wrdreg s31;
	s16 =	simm.s32 $0x4;
	s6 =	smul.u32 $0x240, s3  }
0x12: {  	s3 =	sadd.s32 $0x50000, s4;
	s7 =	sadd.s32 s7, s4;
	s23 =	sshrl.u32 s8, $0x1  }
0x13: {  	s8 =	ssub.s32 s8, s23;
	s7 =	sadd.s32 s9, s7;
	s9 =	simm.s32 $0x1200  }
0x14: {  	s6 =	sadd.s32 s6, s4;
	s5 =	smax.u32 s8, $0x1;
	s8 =	simm.s32 $0x120  }
0x15: {  	s4 =	sadd.s32 $0x12800, s6;
	s6 =	sadd.s32 $0xF00000, s7;
	s7 =	simm.s32 $0x5  }
.LBB2_1:
0x16: {  	[tilespmem:s2], [sflag:$0x5] =	stream.linear.gather [hbm4b:s4+s2], $0x1200, $0x38;
	[tilespmem:$0x13200] =	vst v63  }
0x17: {  	_ =	swait.ge [sflag:s7], $0x1200  }
0x18: {  	[sflag:s7] =	ssyncset.done $0x0  }
0x19: {  	s18 =	simm.s32 $0x0;
	s19 =	simm.s32 $0x40;
	[sflag:s7] =	ssyncadd.s32 $0xFFFFEE00  }
.LBB2_2:
0x1a: {  	p0 =	sne.s32 s19, $0x47C0;
	v0 =	vld [tilespmem:s18+$0x0];
	_ =	sdelay $0x3  }
.Ltmp0:
0x1b: {  	(pc) =	sbr.rel @p0 .LBB2_2-.Ltmp0, $4  }
0x1c: {  	v1 =	vshra.s32 v0, $0x1  }
0x1d: {  	v0 =	vand.u32 $0x3FFF, v0;
	v1 =	vand.u32 $0xFFFFC000, v1  }
0x1e: {  	v0 =	vor.u32 v0, v1  }
0x1f: {  	[tilespmem:s18+$0x0] =	vst v0;
	s18 =	sshra.s32 s19, $0x2;
	s19 =	sadd.s32 $0x40, s19  }
0x20: {  	v0 =	vld [tilespmem:s18+$0x0];
	_ =	sdelay $0x4  }
0x21: {  	v1 =	vshra.s32 v0, $0x1  }
0x22: {  	p0 =	por $0x1, $0x1;
	v0 =	vand.u32 $0x3FFF, v0;
	v1 =	vand.u32 $0xFFFFC000, v1  }
0x23: {  	p0 =	por p0, p0;
	v0 =	vor.u32 v0, v1  }
0x24: {  	s26 =	simm.s32 $0x0;
	[tilespmem:s18+$0x0] =	vst v0;
	s18 =	simm.s32 @!p0 $0x4  }
0x25: {  	[tilespmem:s9], [sflag:$0x1] =	stream.indirect.gather [hbm4b:s3+s8], $0x80, s26, s8, $0xb8;
	[tilespmem:$0x13200] =	vst v63  }
0x26: {  	_ =	swait.ge @!p0 [sflag:s18], $0x9000  }
0x27: {  	[sflag:s18] =	ssyncset.done @!p0 $0x0  }
0x28: {  	[sflag:s18] =	ssyncadd.s32 @!p0 $0xFFFF7000  }
0x29: {  	_ =	swait.ge [sflag:s10], $0x9000  }
0x2a: {  	[sflag:s10] =	ssyncset.done $0x0  }
0x2b: {  	s28 =	simm.s32 $0x120;
	[sflag:s10] =	ssyncadd.s32 $0xFFFF7000  }
0x2c: {  	[tilespmem:s11], [sflag:$0x2] =	stream.indirect.gather [hbm4b:s3+s8], $0x80, s28, s8, $0xb8;
	[tilespmem:$0x13200] =	vst v63  }
0x2d: {  	_ = 	snop  }
0x2e: {  	[hbm4b:s6+s12] =	stream.strided.scatter [tilespmem:s9], [sflag:$0x3], $0x1200, s13, s12, $0x38;
	[tilespmem:$0x13200] =	vst v63  }
0x2f: {  	s19 =	sadd.s32 $0x10, s6;
	s29 =	rddreg [dreg:$0x2]  }
0x30: {  	[hbm4b:s19+s12] =	stream.strided.scatter [tilespmem:s29], [sflag:$0x3], $0x1200, s13, s12, $0x38;
	[tilespmem:$0x13200] =	vst v63  }
0x31: {  	s30 =	sadd.s32 $0x20, s6;
	s20 =	rddreg [dreg:$0x3]  }
0x32: {  	[hbm4b:s30+s12] =	stream.strided.scatter [tilespmem:s20], [sflag:$0x3], $0x1200, s13, s12, $0x38;
	[tilespmem:$0x13200] =	vst v63  }
0x33: {  	s31 =	rddreg [dreg:$0x4];
	s20 =	sadd.s32 $0x30, s6  }
0x34: {  	[hbm4b:s20+s12] =	stream.strided.scatter [tilespmem:s31], [sflag:$0x3], $0x1200, s13, s12, $0x38;
	[tilespmem:$0x13200] =	vst v63  }
0x35: {  	s22 =	sadd.s32 $0x40, s6;
	s21 =	rddreg [dreg:$0x5]  }
0x36: {  	[hbm4b:s22+s12] =	stream.strided.scatter [tilespmem:s21], [sflag:$0x3], $0x1200, s13, s12, $0x38;
	[tilespmem:$0x13200] =	vst v63  }
0x37: {  	s24 =	sadd.s32 $0x50, s6;
	s23 =	rddreg [dreg:$0x6]  }
0x38: {  	[hbm4b:s24+s12] =	stream.strided.scatter [tilespmem:s23], [sflag:$0x3], $0x1200, s13, s12, $0x38;
	[tilespmem:$0x13200] =	vst v63  }
0x39: {  	s26 =	sadd.s32 $0x60, s6;
	s25 =	rddreg [dreg:$0x7]  }
0x3a: {  	[hbm4b:s26+s12] =	stream.strided.scatter [tilespmem:s25], [sflag:$0x3], $0x1200, s13, s12, $0x38;
	[tilespmem:$0x13200] =	vst v63  }
0x3b: {  	s28 =	rddreg [dreg:$0x8];
	s29 =	sadd.s32 $0x70, s6  }
0x3c: {  	[hbm4b:s29+s12] =	stream.strided.scatter [tilespmem:s28], [sflag:$0x3], $0x1200, s13, s12, $0x38;
	[tilespmem:$0x13200] =	vst v63  }
0x3d: {  	_ =	swait.ge [sflag:s14], $0x9000  }
0x3e: {  	[sflag:s14] =	ssyncset.done $0x0  }
0x3f: {  	[sflag:s14] =	ssyncadd.s32 $0xFFFF7000  }
0x40: {  	p0 =	por $0x0, $0x0;
	_ =	swait.ge [sflag:s15], $0x9000  }
0x41: {  	s18 =	simm.s32 @!p0 $0x1200;
	[sflag:s15] =	ssyncset.done $0x0  }
0x42: {  	s19 =	simm.s32 @!p0 $0x240;
	s20 =	simm.s32 @!p0 $0x120;
	[sflag:s15] =	ssyncadd.s32 $0xFFFF7000  }
0x43: {  	[tilespmem:s18], [sflag:$0x1] =	stream.indirect.gather @!p0 [hbm4b:s3+s20], $0x80, s19, s20, $0xb8;
	[tilespmem:$0x13200] =	vst v63  }
0x44: {  	s30 =	sadd.s32 $0x1200, s6;
	s31 =	rddreg [dreg:$0x9]  }
0x45: {  	[hbm4b:s30+s12] =	stream.strided.scatter [tilespmem:s11], [sflag:$0x4], $0x1200, s13, s12, $0x38;
	[tilespmem:$0x13200] =	vst v63  }
0x46: {  	p6 =	por $0x0, $0x0;
	s21 =	rddreg [dreg:$0xa];
	s20 =	sadd.s32 $0x1210, s6  }
0x47: {  	[hbm4b:s20+s12] =	stream.strided.scatter [tilespmem:s31], [sflag:$0x4], $0x1200, s13, s12, $0x38;
	[tilespmem:$0x13200] =	vst v63  }
0x48: {  	s22 =	sadd.s32 $0x1220, s6;
	s24 =	sadd.s32 $0x1230, s6;
	s23 =	rddreg [dreg:$0xb]  }
0x49: {  	[hbm4b:s22+s12] =	stream.strided.scatter [tilespmem:s21], [sflag:$0x4], $0x1200, s13, s12, $0x38;
	[tilespmem:$0x13200] =	vst v63  }
0x4a: {  	s26 =	sadd.s32 $0x1240, s6;
	s29 =	sadd.s32 $0x1250, s6;
	s25 =	rddreg [dreg:$0xc]  }
0x4b: {  	[hbm4b:s24+s12] =	stream.strided.scatter [tilespmem:s23], [sflag:$0x4], $0x1200, s13, s12, $0x38;
	[tilespmem:$0x13200] =	vst v63  }
0x4c: {  	s28 =	rddreg [dreg:$0xd];
	s19 =	simm.s32 $0x900;
	p0 =	por p6, p6  }
0x4d: {  	[hbm4b:s26+s12] =	stream.strided.scatter [tilespmem:s25], [sflag:$0x4], $0x1200, s13, s12, $0x38;
	[tilespmem:$0x13200] =	vst v63  }
0x4e: {  	s18 =	sadd.s32 $0x2400, s6;
	s30 =	rddreg [dreg:$0xe];
	s31 =	sadd.s32 $0x1260, s6  }
0x4f: {  	[hbm4b:s29+s12] =	stream.strided.scatter [tilespmem:s28], [sflag:$0x4], $0x1200, s13, s12, $0x38;
	[tilespmem:$0x13200] =	vst v63  }
0x50: {  	s20 =	simm.s32 $0x1200;
	s21 =	rddreg [dreg:$0xf];
	s22 =	sadd.s32 $0x1270, s6  }
0x51: {  	[hbm4b:s31+s12] =	stream.strided.scatter [tilespmem:s30], [sflag:$0x4], $0x1200, s13, s12, $0x38;
	[tilespmem:$0x13200] =	vst v63  }
.LBB2_4:
0x52: {  	[hbm4b:s22+s12] =	stream.strided.scatter [tilespmem:s21], [sflag:$0x4], $0x1200, s13, s12, $0x38;
	[tilespmem:$0x13200] =	vst v63  }
0x53: {  	s22 =	simm.s32 @!p0 $0x4  }
0x54: {  	_ =	swait.ge @!p0 [sflag:s22], $0x9000  }
0x55: {  	[sflag:s22] =	ssyncset.done @!p0 $0x0  }
0x56: {  	[sflag:s22] =	ssyncadd.s32 @!p0 $0xFFFF7000  }
0x57: {  	_ =	swait.ge [sflag:s10], $0x9000  }
0x58: {  	s25 =	sshra.s32 s19, $0x2;
	[sflag:s10] =	ssyncset.done $0x0  }
0x59: {  	s22 =	sadd.s32 $0x120, s25;
	[sflag:s10] =	ssyncadd.s32 $0xFFFF7000  }
0x5a: {  	[tilespmem:s11], [sflag:$0x2] =	stream.indirect.gather [hbm4b:s3+s8], $0x80, s22, s8, $0xb8;
	[tilespmem:$0x13200] =	vst v63  }
0x5b: {  	_ = 	snop  }
0x5c: {  	[hbm4b:s18+s12] =	stream.strided.scatter [tilespmem:s9], [sflag:$0x3], $0x1200, s13, s12, $0x38;
	[tilespmem:$0x13200] =	vst v63  }
0x5d: {  	s23 =	sadd.s32 $0x10, s18;
	s26 =	rddreg [dreg:$0x2]  }
0x5e: {  	[hbm4b:s23+s12] =	stream.strided.scatter [tilespmem:s26], [sflag:$0x3], $0x1200, s13, s12, $0x38;
	[tilespmem:$0x13200] =	vst v63  }
0x5f: {  	s28 =	sadd.s32 $0x20, s18;
	s24 =	rddreg [dreg:$0x3]  }
0x60: {  	[hbm4b:s28+s12] =	stream.strided.scatter [tilespmem:s24], [sflag:$0x3], $0x1200, s13, s12, $0x38;
	[tilespmem:$0x13200] =	vst v63  }
0x61: {  	s30 =	sadd.s32 $0x30, s18;
	s29 =	rddreg [dreg:$0x4]  }
0x62: {  	[hbm4b:s30+s12] =	stream.strided.scatter [tilespmem:s29], [sflag:$0x3], $0x1200, s13, s12, $0x38;
	[tilespmem:$0x13200] =	vst v63  }
0x63: {  	s25 =	sadd.s32 $0x40, s18;
	s31 =	rddreg [dreg:$0x5]  }
0x64: {  	[hbm4b:s25+s12] =	stream.strided.scatter [tilespmem:s31], [sflag:$0x3], $0x1200, s13, s12, $0x38;
	[tilespmem:$0x13200] =	vst v63  }
0x65: {  	s26 =	rddreg [dreg:$0x6];
	s28 =	sadd.s32 $0x50, s18  }
0x66: {  	[hbm4b:s28+s12] =	stream.strided.scatter [tilespmem:s26], [sflag:$0x3], $0x1200, s13, s12, $0x38;
	[tilespmem:$0x13200] =	vst v63  }
0x67: {  	s29 =	rddreg [dreg:$0x7];
	s30 =	sadd.s32 $0x60, s18  }
0x68: {  	[hbm4b:s30+s12] =	stream.strided.scatter [tilespmem:s29], [sflag:$0x3], $0x1200, s13, s12, $0x38;
	[tilespmem:$0x13200] =	vst v63  }
0x69: {  	s24 =	sadd.s32 $0x70, s18;
	s31 =	rddreg [dreg:$0x8]  }
0x6a: {  	[hbm4b:s24+s12] =	stream.strided.scatter [tilespmem:s31], [sflag:$0x3], $0x1200, s13, s12, $0x38;
	[tilespmem:$0x13200] =	vst v63  }
0x6b: {  	s21 =	smov.u32 s20;
	_ =	swait.ge [sflag:s14], $0x9000  }
0x6c: {  	p2 =	seq.s32 s21, $0x0;
	[sflag:s14] =	ssyncset.done $0x0  }
0x6d: {  	p0 =	por p2, p2;
	p2 =	seq.s32 s19, $0x3F00;
	[sflag:s14] =	ssyncadd.s32 $0xFFFF7000  }
0x6e: {  	s19 =	sshra.s32 @!p2 s19, $0x2;
	_ =	swait.ge [sflag:s15], $0x9000  }
0x6f: {  	s19 =	sadd.s32 @!p2 $0x240, s19;
	[sflag:s15] =	ssyncset.done $0x0  }
0x70: {  	s22 =	simm.s32 @!p2 $0x1200;
	s23 =	simm.s32 @!p2 $0x120;
	[sflag:s15] =	ssyncadd.s32 $0xFFFF7000  }
0x71: {  	[tilespmem:s22], [sflag:$0x1] =	stream.indirect.gather @!p2 [hbm4b:s3+s23], $0x80, s19, s23, $0xb8;
	[tilespmem:$0x13200] =	vst v63  }
0x72: {  	s25 =	sadd.s32 $0x1200, s18  }
0x73: {  	[hbm4b:s25+s12] =	stream.strided.scatter [tilespmem:s11], [sflag:$0x4], $0x1200, s13, s12, $0x38;
	[tilespmem:$0x13200] =	vst v63  }
0x74: {  	s28 =	sadd.s32 $0x1210, s18;
	s26 =	rddreg [dreg:$0x9]  }
0x75: {  	[hbm4b:s28+s12] =	stream.strided.scatter [tilespmem:s26], [sflag:$0x4], $0x1200, s13, s12, $0x38;
	[tilespmem:$0x13200] =	vst v63  }
0x76: {  	s30 =	sadd.s32 $0x1220, s18;
	s29 =	rddreg [dreg:$0xa]  }
0x77: {  	[hbm4b:s30+s12] =	stream.strided.scatter [tilespmem:s29], [sflag:$0x4], $0x1200, s13, s12, $0x38;
	[tilespmem:$0x13200] =	vst v63  }
0x78: {  	s20 =	sadd.s32 $0x900, s20;
	s24 =	sadd.s32 $0x1230, s18;
	s31 =	rddreg [dreg:$0xb]  }
0x79: {  	[hbm4b:s24+s12] =	stream.strided.scatter [tilespmem:s31], [sflag:$0x4], $0x1200, s13, s12, $0x38;
	[tilespmem:$0x13200] =	vst v63  }
0x7a: {  	p1 =	sne.s32 s20, $0x4800;
	s25 =	rddreg [dreg:$0xc];
	s26 =	sadd.s32 $0x1240, s18  }
0x7b: {  	[hbm4b:s26+s12] =	stream.strided.scatter [tilespmem:s25], [sflag:$0x4], $0x1200, s13, s12, $0x38;
	[tilespmem:$0x13200] =	vst v63  }
.Ltmp1:
0x7c: {  	s19 =	smov.u32 s21;
	s21 =	rddreg [dreg:$0xf];
	(pc) =	sbr.rel @p1 .LBB2_4-.Ltmp1, $4  }
0x7d: {  	s22 =	sadd.s32 $0x1270, s18;
	s28 =	rddreg [dreg:$0xd];
	s29 =	sadd.s32 $0x1250, s18  }
0x7e: {  	[hbm4b:s29+s12] =	stream.strided.scatter [tilespmem:s28], [sflag:$0x4], $0x1200, s13, s12, $0x38;
	[tilespmem:$0x13200] =	vst v63  }
0x7f: {  	s30 =	rddreg [dreg:$0xe];
	s31 =	sadd.s32 $0x1260, s18;
	s18 =	sadd.s32 $0x2400, s18  }
0x80: {  	[hbm4b:s31+s12] =	stream.strided.scatter [tilespmem:s30], [sflag:$0x4], $0x1200, s13, s12, $0x38;
	[tilespmem:$0x13200] =	vst v63  }
0x81: {  	[hbm4b:s22+s12] =	stream.strided.scatter [tilespmem:s21], [sflag:$0x4], $0x1200, s13, s12, $0x38;
	[tilespmem:$0x13200] =	vst v63  }
0x82: {  	s20 =	simm.s32 @!p0 $0x4  }
0x83: {  	_ =	swait.ge @!p0 [sflag:s20], $0x9000  }
0x84: {  	[sflag:s20] =	ssyncset.done @!p0 $0x0  }
0x85: {  	[sflag:s20] =	ssyncadd.s32 @!p0 $0xFFFF7000  }
0x86: {  	_ =	swait.ge [sflag:s10], $0x9000  }
0x87: {  	s28 =	sshra.s32 s19, $0x2;
	[sflag:s10] =	ssyncset.done $0x0  }
0x88: {  	s20 =	sadd.s32 $0x120, s28;
	[sflag:s10] =	ssyncadd.s32 $0xFFFF7000  }
0x89: {  	[tilespmem:s11], [sflag:$0x2] =	stream.indirect.gather [hbm4b:s3+s8], $0x80, s20, s8, $0xb8;
	[tilespmem:$0x13200] =	vst v63  }
0x8a: {  	_ = 	snop  }
0x8b: {  	[hbm4b:s18+s12] =	stream.strided.scatter [tilespmem:s9], [sflag:$0x3], $0x1200, s13, s12, $0x38;
	[tilespmem:$0x13200] =	vst v63  }
0x8c: {  	s30 =	sadd.s32 $0x10, s18;
	s29 =	rddreg [dreg:$0x2]  }
0x8d: {  	[hbm4b:s30+s12] =	stream.strided.scatter [tilespmem:s29], [sflag:$0x3], $0x1200, s13, s12, $0x38;
	[tilespmem:$0x13200] =	vst v63  }
0x8e: {  	s23 =	sadd.s32 $0x20, s18;
	s31 =	rddreg [dreg:$0x3]  }
0x8f: {  	[hbm4b:s23+s12] =	stream.strided.scatter [tilespmem:s31], [sflag:$0x3], $0x1200, s13, s12, $0x38;
	[tilespmem:$0x13200] =	vst v63  }
0x90: {  	s25 =	sadd.s32 $0x30, s18;
	s24 =	rddreg [dreg:$0x4]  }
0x91: {  	[hbm4b:s25+s12] =	stream.strided.scatter [tilespmem:s24], [sflag:$0x3], $0x1200, s13, s12, $0x38;
	[tilespmem:$0x13200] =	vst v63  }
0x92: {  	s28 =	sadd.s32 $0x40, s18;
	s26 =	rddreg [dreg:$0x5]  }
0x93: {  	[hbm4b:s28+s12] =	stream.strided.scatter [tilespmem:s26], [sflag:$0x3], $0x1200, s13, s12, $0x38;
	[tilespmem:$0x13200] =	vst v63  }
0x94: {  	s29 =	rddreg [dreg:$0x6];
	s30 =	sadd.s32 $0x50, s18  }
0x95: {  	[hbm4b:s30+s12] =	stream.strided.scatter [tilespmem:s29], [sflag:$0x3], $0x1200, s13, s12, $0x38;
	[tilespmem:$0x13200] =	vst v63  }
0x96: {  	s21 =	sadd.s32 $0x60, s18;
	s31 =	rddreg [dreg:$0x7]  }
0x97: {  	[hbm4b:s21+s12] =	stream.strided.scatter [tilespmem:s31], [sflag:$0x3], $0x1200, s13, s12, $0x38;
	[tilespmem:$0x13200] =	vst v63  }
0x98: {  	s23 =	rddreg [dreg:$0x8];
	s24 =	sadd.s32 $0x70, s18  }
0x99: {  	[hbm4b:s24+s12] =	stream.strided.scatter [tilespmem:s23], [sflag:$0x3], $0x1200, s13, s12, $0x38;
	[tilespmem:$0x13200] =	vst v63  }
0x9a: {  	_ =	swait.ge [sflag:s14], $0x9000  }
0x9b: {  	[sflag:s14] =	ssyncset.done $0x0  }
0x9c: {  	p0 =	seq.s32 s19, $0x3F00;
	[sflag:s14] =	ssyncadd.s32 $0xFFFF7000  }
0x9d: {  	s19 =	sshra.s32 @!p0 s19, $0x2;
	_ =	swait.ge [sflag:s15], $0x9000  }
0x9e: {  	s19 =	sadd.s32 @!p0 $0x240, s19;
	[sflag:s15] =	ssyncset.done $0x0  }
0x9f: {  	s20 =	simm.s32 @!p0 $0x1200;
	s21 =	simm.s32 @!p0 $0x120;
	[sflag:s15] =	ssyncadd.s32 $0xFFFF7000  }
0xa0: {  	[tilespmem:s20], [sflag:$0x1] =	stream.indirect.gather @!p0 [hbm4b:s3+s21], $0x80, s19, s21, $0xb8;
	[tilespmem:$0x13200] =	vst v63  }
0xa1: {  	s25 =	sadd.s32 $0x1200, s18  }
0xa2: {  	[hbm4b:s25+s12] =	stream.strided.scatter [tilespmem:s11], [sflag:$0x4], $0x1200, s13, s12, $0x38;
	[tilespmem:$0x13200] =	vst v63  }
0xa3: {  	s28 =	sadd.s32 $0x1210, s18;
	s26 =	rddreg [dreg:$0x9]  }
0xa4: {  	[hbm4b:s28+s12] =	stream.strided.scatter [tilespmem:s26], [sflag:$0x4], $0x1200, s13, s12, $0x38;
	[tilespmem:$0x13200] =	vst v63  }
0xa5: {  	s30 =	sadd.s32 $0x1220, s18;
	s29 =	rddreg [dreg:$0xa]  }
0xa6: {  	[hbm4b:s30+s12] =	stream.strided.scatter [tilespmem:s29], [sflag:$0x4], $0x1200, s13, s12, $0x38;
	[tilespmem:$0x13200] =	vst v63  }
0xa7: {  	s22 =	sadd.s32 $0x1230, s18;
	s31 =	rddreg [dreg:$0xb]  }
0xa8: {  	[hbm4b:s22+s12] =	stream.strided.scatter [tilespmem:s31], [sflag:$0x4], $0x1200, s13, s12, $0x38;
	[tilespmem:$0x13200] =	vst v63  }
0xa9: {  	s24 =	sadd.s32 $0x1240, s18;
	s23 =	rddreg [dreg:$0xc]  }
0xaa: {  	[hbm4b:s24+s12] =	stream.strided.scatter [tilespmem:s23], [sflag:$0x4], $0x1200, s13, s12, $0x38;
	[tilespmem:$0x13200] =	vst v63  }
0xab: {  	s17 =	sadd.s32 $0x1, s17;
	s25 =	rddreg [dreg:$0xd];
	s26 =	sadd.s32 $0x1250, s18  }
0xac: {  	[hbm4b:s26+s12] =	stream.strided.scatter [tilespmem:s25], [sflag:$0x4], $0x1200, s13, s12, $0x38;
	[tilespmem:$0x13200] =	vst v63  }
0xad: {  	p0 =	sne.s32 s17, s5;
	s28 =	rddreg [dreg:$0xe];
	s29 =	sadd.s32 $0x1260, s18  }
0xae: {  	[hbm4b:s29+s12] =	stream.strided.scatter [tilespmem:s28], [sflag:$0x4], $0x1200, s13, s12, $0x38;
	[tilespmem:$0x13200] =	vst v63  }
.Ltmp2:
0xaf: {  	s30 =	rddreg [dreg:$0xf];
	s31 =	sadd.s32 $0x1270, s18;
	(pc) =	sbr.rel @p0 .LBB2_1-.Ltmp2, $4  }
0xb0: {  	[hbm4b:s31+s12] =	stream.strided.scatter [tilespmem:s30], [sflag:$0x4], $0x1200, s13, s12, $0x38;
	[tilespmem:$0x13200] =	vst v63  }
0xb1: {  	_ =	swait.ge [sflag:s16], $0x9000  }
0xb2: {  	[sflag:s16] =	ssyncset.done $0x0  }
0xb3: {  	[sflag:s16] =	ssyncadd.s32 $0xFFFF7000  }
0xb4: {  	_ =	sfence.sel $0x180000  }
0xb5: {  	[bflag:$0x0] =	sbarrier.arrive $0xFFFF  }
0xb6: {  	p0 =	sne.s32 s0, $0x0;
	_ =	strace $0x90000050  }
0xb7: {  	s0 =	sadd.s32 @!p0 $0x100000, s1;
	[bflag:$0x2] =	sbarrier.arrive $0xFFFF  }
0xb8: {  	[sflag:s0] =	ssyncadd.tile.s32 @!p0 $0x1;
	_ =	shalt  }
.Lfunc_end2:
_tile_overlayer_lowered:
.L_overlay_start_2:
0xb9: {  	(tag) =	ssettag $0x2  }
0xba: {  	s0 =	rddreg [dreg:$0x0];
	s2 =	stileid.u32  }
0xbb: {  	s1 =	rddreg [dreg:$0x1];
	p0 =	sne.s32 s2, $0x0  }
0xbc: {  	s3 =	rddreg [dreg:$0x2];
	[bflag:$0x3] =	sbarrier.arrive $0xFFFF;
	s2 =	simm.s32 @!p0 $0x1C05  }
0xbd: {  	[timem:s3], [sflag:s2] =	dma.local @!p0 [hbm:s0], s1  }
0xbe: {  	s0 =	simm.s32 @!p0 $0x5  }
0xbf: {  	_ =	swait.ge @!p0 [sflag:s0], s1  }
0xc0: {  	s1 =	ssub.s32 @!p0 $0x0, s1;
	[sflag:s0] =	ssyncset.done @!p0 $0x0  }
0xc1: {  	[sflag:s0] =	ssyncadd.s32 @!p0 s1  }
0xc2: {  	[bflag:$0x3] =	sbarrier.arrive $0xFFFF  }
0xc3: {  	_ =	shalt  }

// kernel: kernel.14.cloned.1.call-start
scs
__scs_entry_jumppad:
0x0: {  	(pc) =	sbr.rel $0x88, $3  }
0x1: {  	(tag) =	ssettag $0x0;
	lr =	simm.s32 $0x1  }
0x2: {  	[smem:$0x3F9B] =	sst lr;
	_ =	strace $0xD0000000  }
0x3: {  	_ = 	snop  }
0x4: {  	_ = 	snop  }
0x5: {  	_ = 	snop  }
0x6: {  	_ = 	snop  }
0x7: {  	_ = 	snop  }
__scs_overlays_trampoline_lowered:
0x8: {  	[smem:$0x3FAA] =	sst s0  }
0x9: {  	[smem:$0x3FAB] =	sst s1  }
0xa: {  	[smem:$0x3FAC] =	sst s2  }
0xb: {  	[smem:$0x3FAD] =	sst s3  }
0xc: {  	[smem:$0x3FAE] =	sst s4  }
0xd: {  	[smem:$0x3FAF] =	sst s5  }
0xe: {  	[smem:$0x3FB0] =	sst s6  }
0xf: {  	[smem:$0x3FB1] =	sst s7  }
0x10: {  	[smem:$0x3FB2] =	sst s8  }
0x11: {  	[smem:$0x3FB3] =	sst s9;
	s0 =	simm.s32 @!p0 $0x0  }
0x12: {  	s1 =	sld [smem:$0x3F99];
	s0 =	simm.s32 @p0 $0x1  }
0x13: {  	[smem:$0x3FB4] =	sst s0;
	s0 =	simm.s32 @!p1 $0x0  }
0x14: {  	s2 =	sld [smem:$0x3F98];
	s0 =	simm.s32 @p1 $0x1  }
0x15: {  	[smem:$0x3FB5] =	sst s0;
	s0 =	simm.s32 @!p2 $0x0  }
0x16: {  	s3 =	sld [smem:$0x3FDB];
	s0 =	simm.s32 @p2 $0x1  }
0x17: {  	s4 =	simm.s32 $0x1BF5;
	[smem:$0x3FB7] =	sst s0  }
0x18: {  	s0 =	sld [smem:$0x3F9A];
	_ =	swait.ge [sflag:s4], $0x0  }
0x19: {  	s7 =	sld [smem:$0x3F9B]  }
0x1a: {  	s8 =	sadd.s32 $0xFFFFE003, lr  }
0x1b: {  	s9 =	sadd.s32 $0xFFFFFEF7, lr;
	s5 =	simm.s32 $0xFFFFFFFF;
	p2 =	slt.u32 s8, $0xFFFFF086  }
0x1c: {  	p1 =	slt.u32 s9, $0xF7A;
	s5 =	simm.s32 @!p2 $0x0  }
0x1d: {  	s5 =	simm.s32 @p1 $0x1;
	p0 =	seq.s32 s7, s2  }
0x1e: {  	s7 =	smul.u32 @!p0 $0xF7A, s2;
	p2 =	seq.s32 @!p0 s5, $0x0  }
0x1f: {  	s9 =	smul.u32 $0xF7A, s1;
	s8 =	simm.s32 @!p0 $0x1BF5;
	p2 =	por !p2, p0  }
0x20: {  	[sflag:s8] =	ssyncset.s32 @!p0 $0xFFFFF086;
	s6 =	sadd.s32 @!p0 s3, s7;
	s7 =	simm.s32 @!p0 $0x108  }
0x21: {  	s3 =	sadd.s32 s3, s9;
	s6 =	sadd.s32 @!p0 $0x88, s6;
	s7 =	simm.s32 @p2 $0x1082  }
0x22: {  	[simem:s7], [sflag:s8] =	dma.local @!p0 [hbm:s6], $0xF7A  }
0x23: {  	s9 =	sor.u32 $0xD0000000, s2;
	s6 =	simm.s32 $0x108;
	_ =	swait.ge @!p0 [sflag:s8], $0x0  }
0x24: {  	s3 =	sadd.s32 $0x88, s3;
	s6 =	simm.s32 @!p1 $0x1082;
	[sflag:s4] =	ssyncset.s32 $0xFFFFF086  }
0x25: {  	[simem:s6], [sflag:s4] =	dma.local [hbm:s3], $0xF7A  }
0x26: {  	[smem:$0x3F9B] =	sst s1;
	(tag) =	ssettag s2;
	_ =	strace s9  }
0x27: {  	s1 =	sld [smem:$0x3FAB]  }
0x28: {  	s2 =	sld [smem:$0x3FAC]  }
0x29: {  	s4 =	sld [smem:$0x3FAE]  }
0x2a: {  	p0 =	seq.s32 s5, $0x0;
	s5 =	sld [smem:$0x3FAF]  }
0x2b: {  	s6 =	sld [smem:$0x3FB0]  }
0x2c: {  	s7 =	sld [smem:$0x3FB1]  }
0x2d: {  	s3 =	simm.s32 $0x108;
	s8 =	sld [smem:$0x3FB2]  }
0x2e: {  	s3 =	simm.s32 @!p0 $0x1082;
	s9 =	sld [smem:$0x3FB3]  }
0x2f: {  	lr =	sadd.s32 s0, s3;
	s0 =	sld [smem:$0x3FAA]  }
0x30: {  	s3 =	sld [smem:$0x3FAD]  }
0x31: {  	[smem:$0x3FB6] =	sst s10  }
0x32: {  	s10 =	sld [smem:$0x3FB4];
	_ =	sdelay $0x3  }
0x33: {  	p0 =	seq.s32 s10, $0x1;
	s10 =	sld [smem:$0x3FB6];
	_ =	sdelay $0x3  }
0x34: {  	[smem:$0x3FB6] =	sst s10  }
0x35: {  	s10 =	sld [smem:$0x3FB5];
	_ =	sdelay $0x3  }
0x36: {  	p1 =	seq.s32 s10, $0x1;
	s10 =	sld [smem:$0x3FB6];
	_ =	sdelay $0x3  }
0x37: {  	[smem:$0x3FB6] =	sst s10  }
0x38: {  	s10 =	sld [smem:$0x3FB7]  }
0x39: {  	_ = 	snop;
	(pc) =	sbr.ind lr, $3  }
0x3a: {  	_ = 	snop  }
0x3b: {  	_ = 	snop  }
0x3c: {  	p2 =	seq.s32 s10, $0x1;
	s10 =	sld [smem:$0x3FB6]  }
0x3d: {  	_ =	shalt  }
0x3e: {  	_ =	shalt  }
0x3f: {  	_ =	shalt  }
0x40: {  	_ =	shalt  }
0x41: {  	_ =	shalt  }
0x42: {  	_ =	shalt  }
0x43: {  	_ =	shalt  }
0x44: {  	_ =	shalt  }
0x45: {  	_ =	shalt  }
0x46: {  	_ =	shalt  }
0x47: {  	_ =	shalt  }
0x48: {  	_ =	shalt  }
0x49: {  	_ =	shalt  }
0x4a: {  	_ =	shalt  }
0x4b: {  	_ =	shalt  }
0x4c: {  	_ =	shalt  }
0x4d: {  	_ =	shalt  }
0x4e: {  	_ =	shalt  }
0x4f: {  	_ =	shalt  }
0x50: {  	_ =	shalt  }
0x51: {  	_ =	shalt  }
0x52: {  	_ =	shalt  }
0x53: {  	_ =	shalt  }
0x54: {  	_ =	shalt  }
0x55: {  	_ =	shalt  }
0x56: {  	_ =	shalt  }
0x57: {  	_ =	shalt  }
0x58: {  	_ =	shalt  }
0x59: {  	_ =	shalt  }
0x5a: {  	_ =	shalt  }
0x5b: {  	_ =	shalt  }
0x5c: {  	_ =	shalt  }
0x5d: {  	_ =	shalt  }
0x5e: {  	_ =	shalt  }
0x5f: {  	_ =	shalt  }
0x60: {  	_ =	shalt  }
0x61: {  	_ =	shalt  }
0x62: {  	_ =	shalt  }
0x63: {  	_ =	shalt  }
0x64: {  	_ =	shalt  }
0x65: {  	_ =	shalt  }
0x66: {  	_ =	shalt  }
0x67: {  	_ =	shalt  }
0x68: {  	_ =	shalt  }
0x69: {  	_ =	shalt  }
0x6a: {  	_ =	shalt  }
0x6b: {  	_ =	shalt  }
0x6c: {  	_ =	shalt  }
0x6d: {  	_ =	shalt  }
0x6e: {  	_ =	shalt  }
0x6f: {  	_ =	shalt  }
0x70: {  	_ =	shalt  }
0x71: {  	_ =	shalt  }
0x72: {  	_ =	shalt  }
0x73: {  	_ =	shalt  }
0x74: {  	_ =	shalt  }
0x75: {  	_ =	shalt  }
0x76: {  	_ =	shalt  }
0x77: {  	_ =	shalt  }
0x78: {  	_ =	shalt  }
0x79: {  	_ =	shalt  }
0x7a: {  	_ =	shalt  }
0x7b: {  	_ =	shalt  }
0x7c: {  	_ =	shalt  }
0x7d: {  	_ =	shalt  }
0x7e: {  	_ =	shalt  }
0x7f: {  	_ =	shalt  }
0x80: {  	_ =	shalt  }
0x81: {  	_ =	shalt  }
0x82: {  	_ =	shalt  }
0x83: {  	_ =	shalt  }
0x84: {  	_ =	shalt  }
0x85: {  	_ =	shalt  }
0x86: {  	_ =	shalt  }
0x87: {  	_ =	shalt  }
.Lfunc_end0:
.L_simem_size_0:
called_computation.1_lowered:
.L_overlay_start_0:
0x88: {  	s2 =	sld [smem:$0x3FD9]  }
0x89: {  	s3 =	sld [smem:$0x3FFE];
	_ =	sdelay $0x1  }
0x8a: {  	s1 =	srdreg.scid  }
0x8b: {  	s0 =	sand.u32 $0x1, s1  }
0x8c: {  	s17 =	sshll.u32 s0, $0xA;
	s2 =	sadd.s32 s3, s2  }
0x8d: {  	s2 =	sadd.s32 s2, s17  }
0x8e: {  	[smem:$0x3FC2] =	sst s2  }
0x8f: {  	_ = 	snop  }
0x90: {  	(tm) =	ssettm $0x1  }
0x91: {  	s18 =	sld [smem:$0x3FFB];
	_ =	sdelay $0x3  }
0x92: {  	_ =	strace s18  }
0x93: {  	s2 =	sld [smem:$0x3FFC];
	_ =	sdelay $0x3  }
0x94: {  	_ =	strace s2  }
0x95: {  	s2 =	sld [smem:$0x3FFD];
	_ =	sdelay $0x3  }
0x96: {  	_ =	strace s2  }
0x97: {  	_ =	strace $0x8FFFFFFF  }
0x98: {  	s19 =	sld [smem:$0x3FDB];
	_ =	sdelay $0x1  }
0x99: {  	s20 =	simm.s32 $_scs_section_size  }
0x9a: {  	s4 =	simm.s32 $_size__tile_overlayer_lowered;
	s5 =	simm.s32 $_tile_overlayer_lowered  }
0x9b: {  	s6 =	simm.s32 $0x1BFF;
	s21 =	sshll.u32 s5, $0x1;
	s3 =	sadd.s32 s20, s19  }
0x9c: {  	s22 =	simm.s32 $0x0;
	s4 =	sshll.u32 s4, $0x1;
	s5 =	sadd.s32 s21, s3  }
0x9d: {  	[timem:s22], [sflag:s6] =	dma.local [hbm:s5], s4  }
0x9e: {  	_ =	swait.ge [sflag:s6], s4  }
0x9f: {  	s4 =	ssub.s32 $0x0, s4;
	[sflag:s6] =	ssyncset.done $0x0  }
0xa0: {  	[sflag:s6] =	ssyncadd.s32 s4;
	_ =	sdelay $0x1  }
0xa1: {  	s23 =	simm.s32 $0x1B8B  }
0xa2: {  	_ =	swait.ge [sflag:s23], $0x1  }
0xa3: {  	[sflag:s23] =	ssyncset.done $0x0  }
0xa4: {  	[sflag:s23] =	ssyncadd.s32 $0xFFFFFFFF  }
0xa5: {  	s4 =	sld [smem:$0x0]  }
0xa6: {  	s5 =	sand.u32 $0xFFFFFFFE, s1  }
0xa7: {  	p0 =	sne.s32 s1, s5  }
0xa8: {  	s5 =	sshll.u32 @p0 s5, $0xE  }
0xa9: {  	s5 =	sadd.s32 @p0 $0x11B8D, s5;
	s6 =	sshll.u32 @p0 s4, $0x11  }
0xaa: {  	s5 =	sor.u32 @p0 s6, s5  }
0xab: {  	[sflag:s5] =	ssyncadd.remote.s32 @p0 $0x1;
	_ =	sdelay $0x1  }
0xac: {  	s5 =	simm.s32 @p0 $0x1B8D  }
0xad: {  	_ =	swait.eq @p0 [sflag:s5], $0x1  }
0xae: {  	[sflag:s5] =	ssyncadd.s32 @p0 $0xFFFFFFFF  }
0xaf: {  	s6 =	sshll.u32 @!p0 s1, $0xE  }
0xb0: {  	s6 =	sor.u32 @!p0 $0x4000, s6;
	s5 =	simm.s32 @!p0 $0x1B8D  }
0xb1: {  	s4 =	sshll.u32 @!p0 s4, $0x11;
	s6 =	sadd.s32 @!p0 $0x11B8D, s6;
	_ =	swait.eq @!p0 [sflag:s5], $0x1  }
0xb2: {  	s4 =	sor.u32 @!p0 s4, s6;
	[sflag:s5] =	ssyncadd.s32 @!p0 $0xFFFFFFFF  }
0xb3: {  	s25 =	simm.s32 $0x1B8E;
	s24 =	sld [smem:$0x3FFE];
	[sflag:s4] =	ssyncadd.remote.s32 @!p0 $0x1  }
0xb4: {  	s26 =	simm.s32 $execute0_lowered;
	[smem:$0x3FD2] =	sst s25  }
0xb5: {  	s5 =	sshll.u32 s26, $0x1;
	_ =	strace $0x8000004C;
	[dreg:$0x1] =	wrdreg $0xFFFFFFFF  }
0xb6: {  	s28 =	simm.s32 $_size_execute0_lowered;
	s3 =	sadd.s32 s3, s5;
	[dreg:$0x0] =	wrdreg $0x0  }
0xb7: {  	s5 =	sshll.u32 s28, $0x1;
	[dreg:$0x2] =	wrdreg s3  }
0xb8: {  	[dreg:$0x3] =	wrdreg s5  }
0xb9: {  	[dreg:$0x4] =	wrdreg $0xC0  }
0xba: {  	_ =	task [dreg:s22], $0x5FFFF  }
0xbb: {  	[dreg:$0x1] =	wrdreg $0xFFFFFFFF  }
0xbc: {  	[dreg:$0x0] =	wrdreg $0x60  }
0xbd: {  	[dreg:$0x2] =	wrdreg s24  }
0xbe: {  	[dreg:$0x3] =	wrdreg $0xA  }
0xbf: {  	_ =	task.clear_ibuf [dreg:s22], $0x4FFFF;
	_ =	strace $0x9000004C  }
0xc0: {  	s29 =	simm.s32 $0xA;
	_ =	strace $0x8000004E  }
0xc1: {  	_ =	swait.ge [sflag:s29], $0x1  }
0xc2: {  	[sflag:s29] =	ssyncadd.s32 $0xFFFFFFFF  }
0xc3: {  	_ =	strace $0x9000004E  }
0xc4: {  	_ =	sfence  }
0xc5: {  	s30 =	sld [smem:$0x0];
	_ =	sdelay $0x2  }
0xc6: {  	s31 =	sshll.u32 s1, $0xD;
	s1 =	sshrl.u32 s1, $0x2  }
0xc7: {  	s4 =	sand.u32 $0x4000, s31;
	s1 =	sadd.s32 s1, s30  }
0xc8: {  	s0 =	sor.u32 s4, s0;
	s1 =	sshll.u32 s1, $0x11  }
0xc9: {  	s0 =	sor.u32 s1, s0  }
0xca: {  	s0 =	sadd.s32 $0x8F2B, s0  }
0xcb: {  	[sflag:s0] =	ssyncadd.remote.s32 $0x1  }
0xcc: {  	_ =	sfence.sel $0xFFFF  }
0xcd: {  	[dreg:$0x0] =	wrdreg $0xFFFFFFFF;
	(pc) =	sbr.abs _section_cstart, $3  }
0xce: {  	[dreg:$0x1] =	wrdreg $0xFFFFFFFF  }
0xcf: {  	_ =	task.clear_ibuf [dreg:s22], $0x2FFFF;
	_ =	strace $0x9FFFFFFF  }
0xd0: {  	(tm) =	ssettm $0x7FFFFFFF  }
0xd1: {  	_ =	shalt  }
tec
execute0_lowered:
.L_overlay_start_1:
0x0: {  	(tag) =	ssettag $0x1  }
0x1: {  	s1 =	srdreg.scid;
	s4 =	rddreg [dreg:$0x0]  }
0x2: {  	s2 =	simm.s32 $0x0;
	s5 =	sand.u32 $0x1, s1;
	s1 =	rddreg [dreg:$0x1]  }
0x3: {  	s0 =	stileid.u32;
	s24 =	simm.s32 $0x2400;
	[smem:$0x7FF] =	sst s2  }
0x4: {  	s25 =	simm.s32 $0x3600;
	_ =	strace $0x8000004D;
	[dreg:$0x2] =	wrdreg s24  }
0x5: {  	s26 =	simm.s32 $0x4800;
	s28 =	simm.s32 $0x5A00;
	[dreg:$0x3] =	wrdreg s25  }
0x6: {  	s29 =	simm.s32 $0x6C00;
	s30 =	simm.s32 $0x7E00;
	[dreg:$0x4] =	wrdreg s26  }
0x7: {  	s10 =	simm.s32 $0x9000;
	s11 =	simm.s32 $0xB400;
	[dreg:$0x5] =	wrdreg s28  }
0x8: {  	s12 =	simm.s32 $0xC600;
	s13 =	simm.s32 $0xD800;
	[dreg:$0x6] =	wrdreg s29  }
0x9: {  	s14 =	simm.s32 $0xEA00;
	s15 =	simm.s32 $0xFC00;
	[dreg:$0x7] =	wrdreg s30  }
0xa: {  	s16 =	simm.s32 $0x10E00;
	s31 =	simm.s32 $0x12000;
	[dreg:$0x8] =	wrdreg s10  }
0xb: {  	s17 =	simm.s32 $0x0;
	s22 =	sshll.u32 s0, $0x1;
	[dreg:$0x9] =	wrdreg s11  }
0xc: {  	s7 =	smul.u32 $0x24000, s0;
	s3 =	sor.u32 s5, s22;
	[dreg:$0xa] =	wrdreg s12  }
0xd: {  	s8 =	ssub.s32 $0x2, s5;
	s9 =	smul.u32 $0x12000, s5;
	[dreg:$0xb] =	wrdreg s13  }
0xe: {  	s10 =	simm.s32 $0x1;
	s11 =	simm.s32 $0xA200;
	[dreg:$0xc] =	wrdreg s14  }
0xf: {  	s12 =	simm.s32 $0x80;
	s13 =	simm.s32 $0x400;
	[dreg:$0xd] =	wrdreg s15  }
0x10: {  	s14 =	simm.s32 $0x2;
	s15 =	simm.s32 $0x3;
	[dreg:$0xe] =	wrdreg s16  }
0x11: {  	[dreg:$0xf] =	wrdreg s31;
	s16 =	simm.s32 $0x4;
	s6 =	smul.u32 $0x240, s3  }
0x12: {  	s3 =	sadd.s32 $0x50000, s4;
	s7 =	sadd.s32 s7, s4;
	s23 =	sshrl.u32 s8, $0x1  }
0x13: {  	s8 =	ssub.s32 s8, s23;
	s7 =	sadd.s32 s9, s7;
	s9 =	simm.s32 $0x1200  }
0x14: {  	s6 =	sadd.s32 s6, s4;
	s5 =	smax.u32 s8, $0x1;
	s8 =	simm.s32 $0x120  }
0x15: {  	s4 =	sadd.s32 $0x4B800, s6;
	s6 =	sadd.s32 $0xC90000, s7;
	s7 =	simm.s32 $0x5  }
.LBB2_1:
0x16: {  	[tilespmem:s2], [sflag:$0x5] =	stream.linear.gather [hbm4b:s4+s2], $0x1200, $0x38;
	[tilespmem:$0x13200] =	vst v63  }
0x17: {  	_ =	swait.ge [sflag:s7], $0x1200  }
0x18: {  	[sflag:s7] =	ssyncset.done $0x0  }
0x19: {  	s18 =	simm.s32 $0x0;
	s19 =	simm.s32 $0x40;
	[sflag:s7] =	ssyncadd.s32 $0xFFFFEE00  }
.LBB2_2:
0x1a: {  	p0 =	sne.s32 s19, $0x47C0;
	v0 =	vld [tilespmem:s18+$0x0];
	_ =	sdelay $0x3  }
.Ltmp0:
0x1b: {  	(pc) =	sbr.rel @p0 .LBB2_2-.Ltmp0, $4  }
0x1c: {  	v1 =	vshra.s32 v0, $0x1  }
0x1d: {  	v0 =	vand.u32 $0x3FFF, v0;
	v1 =	vand.u32 $0xFFFFC000, v1  }
0x1e: {  	v0 =	vor.u32 v0, v1  }
0x1f: {  	[tilespmem:s18+$0x0] =	vst v0;
	s18 =	sshra.s32 s19, $0x2;
	s19 =	sadd.s32 $0x40, s19  }
0x20: {  	v0 =	vld [tilespmem:s18+$0x0];
	_ =	sdelay $0x4  }
0x21: {  	v1 =	vshra.s32 v0, $0x1  }
0x22: {  	p0 =	por $0x1, $0x1;
	v0 =	vand.u32 $0x3FFF, v0;
	v1 =	vand.u32 $0xFFFFC000, v1  }
0x23: {  	p0 =	por p0, p0;
	v0 =	vor.u32 v0, v1  }
0x24: {  	s26 =	simm.s32 $0x0;
	[tilespmem:s18+$0x0] =	vst v0;
	s18 =	simm.s32 @!p0 $0x4  }
0x25: {  	[tilespmem:s9], [sflag:$0x1] =	stream.indirect.gather [hbm4b:s3+s8], $0x80, s26, s8, $0xb8;
	[tilespmem:$0x13200] =	vst v63  }
0x26: {  	_ =	swait.ge @!p0 [sflag:s18], $0x9000  }
0x27: {  	[sflag:s18] =	ssyncset.done @!p0 $0x0  }
0x28: {  	[sflag:s18] =	ssyncadd.s32 @!p0 $0xFFFF7000  }
0x29: {  	_ =	swait.ge [sflag:s10], $0x9000  }
0x2a: {  	[sflag:s10] =	ssyncset.done $0x0  }
0x2b: {  	s28 =	simm.s32 $0x120;
	[sflag:s10] =	ssyncadd.s32 $0xFFFF7000  }
0x2c: {  	[tilespmem:s11], [sflag:$0x2] =	stream.indirect.gather [hbm4b:s3+s8], $0x80, s28, s8, $0xb8;
	[tilespmem:$0x13200] =	vst v63  }
0x2d: {  	_ = 	snop  }
0x2e: {  	[hbm4b:s6+s12] =	stream.strided.scatter [tilespmem:s9], [sflag:$0x3], $0x1200, s13, s12, $0x38;
	[tilespmem:$0x13200] =	vst v63  }
0x2f: {  	s19 =	sadd.s32 $0x10, s6;
	s29 =	rddreg [dreg:$0x2]  }
0x30: {  	[hbm4b:s19+s12] =	stream.strided.scatter [tilespmem:s29], [sflag:$0x3], $0x1200, s13, s12, $0x38;
	[tilespmem:$0x13200] =	vst v63  }
0x31: {  	s30 =	sadd.s32 $0x20, s6;
	s20 =	rddreg [dreg:$0x3]  }
0x32: {  	[hbm4b:s30+s12] =	stream.strided.scatter [tilespmem:s20], [sflag:$0x3], $0x1200, s13, s12, $0x38;
	[tilespmem:$0x13200] =	vst v63  }
0x33: {  	s31 =	rddreg [dreg:$0x4];
	s20 =	sadd.s32 $0x30, s6  }
0x34: {  	[hbm4b:s20+s12] =	stream.strided.scatter [tilespmem:s31], [sflag:$0x3], $0x1200, s13, s12, $0x38;
	[tilespmem:$0x13200] =	vst v63  }
0x35: {  	s22 =	sadd.s32 $0x40, s6;
	s21 =	rddreg [dreg:$0x5]  }
0x36: {  	[hbm4b:s22+s12] =	stream.strided.scatter [tilespmem:s21], [sflag:$0x3], $0x1200, s13, s12, $0x38;
	[tilespmem:$0x13200] =	vst v63  }
0x37: {  	s24 =	sadd.s32 $0x50, s6;
	s23 =	rddreg [dreg:$0x6]  }
0x38: {  	[hbm4b:s24+s12] =	stream.strided.scatter [tilespmem:s23], [sflag:$0x3], $0x1200, s13, s12, $0x38;
	[tilespmem:$0x13200] =	vst v63  }
0x39: {  	s26 =	sadd.s32 $0x60, s6;
	s25 =	rddreg [dreg:$0x7]  }
0x3a: {  	[hbm4b:s26+s12] =	stream.strided.scatter [tilespmem:s25], [sflag:$0x3], $0x1200, s13, s12, $0x38;
	[tilespmem:$0x13200] =	vst v63  }
0x3b: {  	s28 =	rddreg [dreg:$0x8];
	s29 =	sadd.s32 $0x70, s6  }
0x3c: {  	[hbm4b:s29+s12] =	stream.strided.scatter [tilespmem:s28], [sflag:$0x3], $0x1200, s13, s12, $0x38;
	[tilespmem:$0x13200] =	vst v63  }
0x3d: {  	_ =	swait.ge [sflag:s14], $0x9000  }
0x3e: {  	[sflag:s14] =	ssyncset.done $0x0  }
0x3f: {  	[sflag:s14] =	ssyncadd.s32 $0xFFFF7000  }
0x40: {  	p0 =	por $0x0, $0x0;
	_ =	swait.ge [sflag:s15], $0x9000  }
0x41: {  	s18 =	simm.s32 @!p0 $0x1200;
	[sflag:s15] =	ssyncset.done $0x0  }
0x42: {  	s19 =	simm.s32 @!p0 $0x240;
	s20 =	simm.s32 @!p0 $0x120;
	[sflag:s15] =	ssyncadd.s32 $0xFFFF7000  }
0x43: {  	[tilespmem:s18], [sflag:$0x1] =	stream.indirect.gather @!p0 [hbm4b:s3+s20], $0x80, s19, s20, $0xb8;
	[tilespmem:$0x13200] =	vst v63  }
0x44: {  	s30 =	sadd.s32 $0x1200, s6;
	s31 =	rddreg [dreg:$0x9]  }
0x45: {  	[hbm4b:s30+s12] =	stream.strided.scatter [tilespmem:s11], [sflag:$0x4], $0x1200, s13, s12, $0x38;
	[tilespmem:$0x13200] =	vst v63  }
0x46: {  	p6 =	por $0x0, $0x0;
	s21 =	rddreg [dreg:$0xa];
	s20 =	sadd.s32 $0x1210, s6  }
0x47: {  	[hbm4b:s20+s12] =	stream.strided.scatter [tilespmem:s31], [sflag:$0x4], $0x1200, s13, s12, $0x38;
	[tilespmem:$0x13200] =	vst v63  }
0x48: {  	s22 =	sadd.s32 $0x1220, s6;
	s24 =	sadd.s32 $0x1230, s6;
	s23 =	rddreg [dreg:$0xb]  }
0x49: {  	[hbm4b:s22+s12] =	stream.strided.scatter [tilespmem:s21], [sflag:$0x4], $0x1200, s13, s12, $0x38;
	[tilespmem:$0x13200] =	vst v63  }
0x4a: {  	s26 =	sadd.s32 $0x1240, s6;
	s29 =	sadd.s32 $0x1250, s6;
	s25 =	rddreg [dreg:$0xc]  }
0x4b: {  	[hbm4b:s24+s12] =	stream.strided.scatter [tilespmem:s23], [sflag:$0x4], $0x1200, s13, s12, $0x38;
	[tilespmem:$0x13200] =	vst v63  }
0x4c: {  	s28 =	rddreg [dreg:$0xd];
	s19 =	simm.s32 $0x900;
	p0 =	por p6, p6  }
0x4d: {  	[hbm4b:s26+s12] =	stream.strided.scatter [tilespmem:s25], [sflag:$0x4], $0x1200, s13, s12, $0x38;
	[tilespmem:$0x13200] =	vst v63  }
0x4e: {  	s18 =	sadd.s32 $0x2400, s6;
	s30 =	rddreg [dreg:$0xe];
	s31 =	sadd.s32 $0x1260, s6  }
0x4f: {  	[hbm4b:s29+s12] =	stream.strided.scatter [tilespmem:s28], [sflag:$0x4], $0x1200, s13, s12, $0x38;
	[tilespmem:$0x13200] =	vst v63  }
0x50: {  	s20 =	simm.s32 $0x1200;
	s21 =	rddreg [dreg:$0xf];
	s22 =	sadd.s32 $0x1270, s6  }
0x51: {  	[hbm4b:s31+s12] =	stream.strided.scatter [tilespmem:s30], [sflag:$0x4], $0x1200, s13, s12, $0x38;
	[tilespmem:$0x13200] =	vst v63  }
.LBB2_4:
0x52: {  	[hbm4b:s22+s12] =	stream.strided.scatter [tilespmem:s21], [sflag:$0x4], $0x1200, s13, s12, $0x38;
	[tilespmem:$0x13200] =	vst v63  }
0x53: {  	s22 =	simm.s32 @!p0 $0x4  }
0x54: {  	_ =	swait.ge @!p0 [sflag:s22], $0x9000  }
0x55: {  	[sflag:s22] =	ssyncset.done @!p0 $0x0  }
0x56: {  	[sflag:s22] =	ssyncadd.s32 @!p0 $0xFFFF7000  }
0x57: {  	_ =	swait.ge [sflag:s10], $0x9000  }
0x58: {  	s25 =	sshra.s32 s19, $0x2;
	[sflag:s10] =	ssyncset.done $0x0  }
0x59: {  	s22 =	sadd.s32 $0x120, s25;
	[sflag:s10] =	ssyncadd.s32 $0xFFFF7000  }
0x5a: {  	[tilespmem:s11], [sflag:$0x2] =	stream.indirect.gather [hbm4b:s3+s8], $0x80, s22, s8, $0xb8;
	[tilespmem:$0x13200] =	vst v63  }
0x5b: {  	_ = 	snop  }
0x5c: {  	[hbm4b:s18+s12] =	stream.strided.scatter [tilespmem:s9], [sflag:$0x3], $0x1200, s13, s12, $0x38;
	[tilespmem:$0x13200] =	vst v63  }
0x5d: {  	s23 =	sadd.s32 $0x10, s18;
	s26 =	rddreg [dreg:$0x2]  }
0x5e: {  	[hbm4b:s23+s12] =	stream.strided.scatter [tilespmem:s26], [sflag:$0x3], $0x1200, s13, s12, $0x38;
	[tilespmem:$0x13200] =	vst v63  }
0x5f: {  	s28 =	sadd.s32 $0x20, s18;
	s24 =	rddreg [dreg:$0x3]  }
0x60: {  	[hbm4b:s28+s12] =	stream.strided.scatter [tilespmem:s24], [sflag:$0x3], $0x1200, s13, s12, $0x38;
	[tilespmem:$0x13200] =	vst v63  }
0x61: {  	s30 =	sadd.s32 $0x30, s18;
	s29 =	rddreg [dreg:$0x4]  }
0x62: {  	[hbm4b:s30+s12] =	stream.strided.scatter [tilespmem:s29], [sflag:$0x3], $0x1200, s13, s12, $0x38;
	[tilespmem:$0x13200] =	vst v63  }
0x63: {  	s25 =	sadd.s32 $0x40, s18;
	s31 =	rddreg [dreg:$0x5]  }
0x64: {  	[hbm4b:s25+s12] =	stream.strided.scatter [tilespmem:s31], [sflag:$0x3], $0x1200, s13, s12, $0x38;
	[tilespmem:$0x13200] =	vst v63  }
0x65: {  	s26 =	rddreg [dreg:$0x6];
	s28 =	sadd.s32 $0x50, s18  }
0x66: {  	[hbm4b:s28+s12] =	stream.strided.scatter [tilespmem:s26], [sflag:$0x3], $0x1200, s13, s12, $0x38;
	[tilespmem:$0x13200] =	vst v63  }
0x67: {  	s29 =	rddreg [dreg:$0x7];
	s30 =	sadd.s32 $0x60, s18  }
0x68: {  	[hbm4b:s30+s12] =	stream.strided.scatter [tilespmem:s29], [sflag:$0x3], $0x1200, s13, s12, $0x38;
	[tilespmem:$0x13200] =	vst v63  }
0x69: {  	s24 =	sadd.s32 $0x70, s18;
	s31 =	rddreg [dreg:$0x8]  }
0x6a: {  	[hbm4b:s24+s12] =	stream.strided.scatter [tilespmem:s31], [sflag:$0x3], $0x1200, s13, s12, $0x38;
	[tilespmem:$0x13200] =	vst v63  }
0x6b: {  	s21 =	smov.u32 s20;
	_ =	swait.ge [sflag:s14], $0x9000  }
0x6c: {  	p2 =	seq.s32 s21, $0x0;
	[sflag:s14] =	ssyncset.done $0x0  }
0x6d: {  	p0 =	por p2, p2;
	p2 =	seq.s32 s19, $0x3F00;
	[sflag:s14] =	ssyncadd.s32 $0xFFFF7000  }
0x6e: {  	s19 =	sshra.s32 @!p2 s19, $0x2;
	_ =	swait.ge [sflag:s15], $0x9000  }
0x6f: {  	s19 =	sadd.s32 @!p2 $0x240, s19;
	[sflag:s15] =	ssyncset.done $0x0  }
0x70: {  	s22 =	simm.s32 @!p2 $0x1200;
	s23 =	simm.s32 @!p2 $0x120;
	[sflag:s15] =	ssyncadd.s32 $0xFFFF7000  }
0x71: {  	[tilespmem:s22], [sflag:$0x1] =	stream.indirect.gather @!p2 [hbm4b:s3+s23], $0x80, s19, s23, $0xb8;
	[tilespmem:$0x13200] =	vst v63  }
0x72: {  	s25 =	sadd.s32 $0x1200, s18  }
0x73: {  	[hbm4b:s25+s12] =	stream.strided.scatter [tilespmem:s11], [sflag:$0x4], $0x1200, s13, s12, $0x38;
	[tilespmem:$0x13200] =	vst v63  }
0x74: {  	s28 =	sadd.s32 $0x1210, s18;
	s26 =	rddreg [dreg:$0x9]  }
0x75: {  	[hbm4b:s28+s12] =	stream.strided.scatter [tilespmem:s26], [sflag:$0x4], $0x1200, s13, s12, $0x38;
	[tilespmem:$0x13200] =	vst v63  }
0x76: {  	s30 =	sadd.s32 $0x1220, s18;
	s29 =	rddreg [dreg:$0xa]  }
0x77: {  	[hbm4b:s30+s12] =	stream.strided.scatter [tilespmem:s29], [sflag:$0x4], $0x1200, s13, s12, $0x38;
	[tilespmem:$0x13200] =	vst v63  }
0x78: {  	s20 =	sadd.s32 $0x900, s20;
	s24 =	sadd.s32 $0x1230, s18;
	s31 =	rddreg [dreg:$0xb]  }
0x79: {  	[hbm4b:s24+s12] =	stream.strided.scatter [tilespmem:s31], [sflag:$0x4], $0x1200, s13, s12, $0x38;
	[tilespmem:$0x13200] =	vst v63  }
0x7a: {  	p1 =	sne.s32 s20, $0x4800;
	s25 =	rddreg [dreg:$0xc];
	s26 =	sadd.s32 $0x1240, s18  }
0x7b: {  	[hbm4b:s26+s12] =	stream.strided.scatter [tilespmem:s25], [sflag:$0x4], $0x1200, s13, s12, $0x38;
	[tilespmem:$0x13200] =	vst v63  }
.Ltmp1:
0x7c: {  	s19 =	smov.u32 s21;
	s21 =	rddreg [dreg:$0xf];
	(pc) =	sbr.rel @p1 .LBB2_4-.Ltmp1, $4  }
0x7d: {  	s22 =	sadd.s32 $0x1270, s18;
	s28 =	rddreg [dreg:$0xd];
	s29 =	sadd.s32 $0x1250, s18  }
0x7e: {  	[hbm4b:s29+s12] =	stream.strided.scatter [tilespmem:s28], [sflag:$0x4], $0x1200, s13, s12, $0x38;
	[tilespmem:$0x13200] =	vst v63  }
0x7f: {  	s30 =	rddreg [dreg:$0xe];
	s31 =	sadd.s32 $0x1260, s18;
	s18 =	sadd.s32 $0x2400, s18  }
0x80: {  	[hbm4b:s31+s12] =	stream.strided.scatter [tilespmem:s30], [sflag:$0x4], $0x1200, s13, s12, $0x38;
	[tilespmem:$0x13200] =	vst v63  }
0x81: {  	[hbm4b:s22+s12] =	stream.strided.scatter [tilespmem:s21], [sflag:$0x4], $0x1200, s13, s12, $0x38;
	[tilespmem:$0x13200] =	vst v63  }
0x82: {  	s20 =	simm.s32 @!p0 $0x4  }
0x83: {  	_ =	swait.ge @!p0 [sflag:s20], $0x9000  }
0x84: {  	[sflag:s20] =	ssyncset.done @!p0 $0x0  }
0x85: {  	[sflag:s20] =	ssyncadd.s32 @!p0 $0xFFFF7000  }
0x86: {  	_ =	swait.ge [sflag:s10], $0x9000  }
0x87: {  	s28 =	sshra.s32 s19, $0x2;
	[sflag:s10] =	ssyncset.done $0x0  }
0x88: {  	s20 =	sadd.s32 $0x120, s28;
	[sflag:s10] =	ssyncadd.s32 $0xFFFF7000  }
0x89: {  	[tilespmem:s11], [sflag:$0x2] =	stream.indirect.gather [hbm4b:s3+s8], $0x80, s20, s8, $0xb8;
	[tilespmem:$0x13200] =	vst v63  }
0x8a: {  	_ = 	snop  }
0x8b: {  	[hbm4b:s18+s12] =	stream.strided.scatter [tilespmem:s9], [sflag:$0x3], $0x1200, s13, s12, $0x38;
	[tilespmem:$0x13200] =	vst v63  }
0x8c: {  	s30 =	sadd.s32 $0x10, s18;
	s29 =	rddreg [dreg:$0x2]  }
0x8d: {  	[hbm4b:s30+s12] =	stream.strided.scatter [tilespmem:s29], [sflag:$0x3], $0x1200, s13, s12, $0x38;
	[tilespmem:$0x13200] =	vst v63  }
0x8e: {  	s23 =	sadd.s32 $0x20, s18;
	s31 =	rddreg [dreg:$0x3]  }
0x8f: {  	[hbm4b:s23+s12] =	stream.strided.scatter [tilespmem:s31], [sflag:$0x3], $0x1200, s13, s12, $0x38;
	[tilespmem:$0x13200] =	vst v63  }
0x90: {  	s25 =	sadd.s32 $0x30, s18;
	s24 =	rddreg [dreg:$0x4]  }
0x91: {  	[hbm4b:s25+s12] =	stream.strided.scatter [tilespmem:s24], [sflag:$0x3], $0x1200, s13, s12, $0x38;
	[tilespmem:$0x13200] =	vst v63  }
0x92: {  	s28 =	sadd.s32 $0x40, s18;
	s26 =	rddreg [dreg:$0x5]  }
0x93: {  	[hbm4b:s28+s12] =	stream.strided.scatter [tilespmem:s26], [sflag:$0x3], $0x1200, s13, s12, $0x38;
	[tilespmem:$0x13200] =	vst v63  }
0x94: {  	s29 =	rddreg [dreg:$0x6];
	s30 =	sadd.s32 $0x50, s18  }
0x95: {  	[hbm4b:s30+s12] =	stream.strided.scatter [tilespmem:s29], [sflag:$0x3], $0x1200, s13, s12, $0x38;
	[tilespmem:$0x13200] =	vst v63  }
0x96: {  	s21 =	sadd.s32 $0x60, s18;
	s31 =	rddreg [dreg:$0x7]  }
0x97: {  	[hbm4b:s21+s12] =	stream.strided.scatter [tilespmem:s31], [sflag:$0x3], $0x1200, s13, s12, $0x38;
	[tilespmem:$0x13200] =	vst v63  }
0x98: {  	s23 =	rddreg [dreg:$0x8];
	s24 =	sadd.s32 $0x70, s18  }
0x99: {  	[hbm4b:s24+s12] =	stream.strided.scatter [tilespmem:s23], [sflag:$0x3], $0x1200, s13, s12, $0x38;
	[tilespmem:$0x13200] =	vst v63  }
0x9a: {  	_ =	swait.ge [sflag:s14], $0x9000  }
0x9b: {  	[sflag:s14] =	ssyncset.done $0x0  }
0x9c: {  	p0 =	seq.s32 s19, $0x3F00;
	[sflag:s14] =	ssyncadd.s32 $0xFFFF7000  }
0x9d: {  	s19 =	sshra.s32 @!p0 s19, $0x2;
	_ =	swait.ge [sflag:s15], $0x9000  }
0x9e: {  	s19 =	sadd.s32 @!p0 $0x240, s19;
	[sflag:s15] =	ssyncset.done $0x0  }
0x9f: {  	s20 =	simm.s32 @!p0 $0x1200;
	s21 =	simm.s32 @!p0 $0x120;
	[sflag:s15] =	ssyncadd.s32 $0xFFFF7000  }
0xa0: {  	[tilespmem:s20], [sflag:$0x1] =	stream.indirect.gather @!p0 [hbm4b:s3+s21], $0x80, s19, s21, $0xb8;
	[tilespmem:$0x13200] =	vst v63  }
0xa1: {  	s25 =	sadd.s32 $0x1200, s18  }
0xa2: {  	[hbm4b:s25+s12] =	stream.strided.scatter [tilespmem:s11], [sflag:$0x4], $0x1200, s13, s12, $0x38;
	[tilespmem:$0x13200] =	vst v63  }
0xa3: {  	s28 =	sadd.s32 $0x1210, s18;
	s26 =	rddreg [dreg:$0x9]  }
0xa4: {  	[hbm4b:s28+s12] =	stream.strided.scatter [tilespmem:s26], [sflag:$0x4], $0x1200, s13, s12, $0x38;
	[tilespmem:$0x13200] =	vst v63  }
0xa5: {  	s30 =	sadd.s32 $0x1220, s18;
	s29 =	rddreg [dreg:$0xa]  }
0xa6: {  	[hbm4b:s30+s12] =	stream.strided.scatter [tilespmem:s29], [sflag:$0x4], $0x1200, s13, s12, $0x38;
	[tilespmem:$0x13200] =	vst v63  }
0xa7: {  	s22 =	sadd.s32 $0x1230, s18;
	s31 =	rddreg [dreg:$0xb]  }
0xa8: {  	[hbm4b:s22+s12] =	stream.strided.scatter [tilespmem:s31], [sflag:$0x4], $0x1200, s13, s12, $0x38;
	[tilespmem:$0x13200] =	vst v63  }
0xa9: {  	s24 =	sadd.s32 $0x1240, s18;
	s23 =	rddreg [dreg:$0xc]  }
0xaa: {  	[hbm4b:s24+s12] =	stream.strided.scatter [tilespmem:s23], [sflag:$0x4], $0x1200, s13, s12, $0x38;
	[tilespmem:$0x13200] =	vst v63  }
0xab: {  	s17 =	sadd.s32 $0x1, s17;
	s25 =	rddreg [dreg:$0xd];
	s26 =	sadd.s32 $0x1250, s18  }
0xac: {  	[hbm4b:s26+s12] =	stream.strided.scatter [tilespmem:s25], [sflag:$0x4], $0x1200, s13, s12, $0x38;
	[tilespmem:$0x13200] =	vst v63  }
0xad: {  	p0 =	sne.s32 s17, s5;
	s28 =	rddreg [dreg:$0xe];
	s29 =	sadd.s32 $0x1260, s18  }
0xae: {  	[hbm4b:s29+s12] =	stream.strided.scatter [tilespmem:s28], [sflag:$0x4], $0x1200, s13, s12, $0x38;
	[tilespmem:$0x13200] =	vst v63  }
.Ltmp2:
0xaf: {  	s30 =	rddreg [dreg:$0xf];
	s31 =	sadd.s32 $0x1270, s18;
	(pc) =	sbr.rel @p0 .LBB2_1-.Ltmp2, $4  }
0xb0: {  	[hbm4b:s31+s12] =	stream.strided.scatter [tilespmem:s30], [sflag:$0x4], $0x1200, s13, s12, $0x38;
	[tilespmem:$0x13200] =	vst v63  }
0xb1: {  	_ =	swait.ge [sflag:s16], $0x9000  }
0xb2: {  	[sflag:s16] =	ssyncset.done $0x0  }
0xb3: {  	[sflag:s16] =	ssyncadd.s32 $0xFFFF7000  }
0xb4: {  	_ =	sfence.sel $0x180000  }
0xb5: {  	[bflag:$0x0] =	sbarrier.arrive $0xFFFF  }
0xb6: {  	p0 =	sne.s32 s0, $0x0;
	_ =	strace $0x9000004D  }
0xb7: {  	s0 =	sadd.s32 @!p0 $0x100000, s1;
	[bflag:$0x2] =	sbarrier.arrive $0xFFFF  }
0xb8: {  	[sflag:s0] =	ssyncadd.tile.s32 @!p0 $0x1;
	_ =	shalt  }
.Lfunc_end2:
_tile_overlayer_lowered:
.L_overlay_start_2:
0xb9: {  	(tag) =	ssettag $0x2  }
0xba: {  	s0 =	rddreg [dreg:$0x0];
	s2 =	stileid.u32  }
0xbb: {  	s1 =	rddreg [dreg:$0x1];
	p0 =	sne.s32 s2, $0x0  }
0xbc: {  	s3 =	rddreg [dreg:$0x2];
	[bflag:$0x3] =	sbarrier.arrive $0xFFFF;
	s2 =	simm.s32 @!p0 $0x1C05  }
0xbd: {  	[timem:s3], [sflag:s2] =	dma.local @!p0 [hbm:s0], s1  }
0xbe: {  	s0 =	simm.s32 @!p0 $0x5  }
0xbf: {  	_ =	swait.ge @!p0 [sflag:s0], s1  }
0xc0: {  	s1 =	ssub.s32 @!p0 $0x0, s1;
	[sflag:s0] =	ssyncset.done @!p0 $0x0  }
0xc1: {  	[sflag:s0] =	ssyncadd.s32 @!p0 s1  }
0xc2: {  	[bflag:$0x3] =	sbarrier.arrive $0xFFFF  }
0xc3: {  	_ =	shalt  }

// kernel: kernel.17.cloned.1.call-start
scs
__scs_entry_jumppad:
0x0: {  	(pc) =	sbr.rel $0x88, $3  }
0x1: {  	(tag) =	ssettag $0x0;
	lr =	simm.s32 $0x1  }
0x2: {  	[smem:$0x3F9B] =	sst lr;
	_ =	strace $0xD0000000  }
0x3: {  	_ = 	snop  }
0x4: {  	_ = 	snop  }
0x5: {  	_ = 	snop  }
0x6: {  	_ = 	snop  }
0x7: {  	_ = 	snop  }
__scs_overlays_trampoline_lowered:
0x8: {  	[smem:$0x3FAA] =	sst s0  }
0x9: {  	[smem:$0x3FAB] =	sst s1  }
0xa: {  	[smem:$0x3FAC] =	sst s2  }
0xb: {  	[smem:$0x3FAD] =	sst s3  }
0xc: {  	[smem:$0x3FAE] =	sst s4  }
0xd: {  	[smem:$0x3FAF] =	sst s5  }
0xe: {  	[smem:$0x3FB0] =	sst s6  }
0xf: {  	[smem:$0x3FB1] =	sst s7  }
0x10: {  	[smem:$0x3FB2] =	sst s8  }
0x11: {  	[smem:$0x3FB3] =	sst s9;
	s0 =	simm.s32 @!p0 $0x0  }
0x12: {  	s1 =	sld [smem:$0x3F99];
	s0 =	simm.s32 @p0 $0x1  }
0x13: {  	[smem:$0x3FB4] =	sst s0;
	s0 =	simm.s32 @!p1 $0x0  }
0x14: {  	s2 =	sld [smem:$0x3F98];
	s0 =	simm.s32 @p1 $0x1  }
0x15: {  	[smem:$0x3FB5] =	sst s0;
	s0 =	simm.s32 @!p2 $0x0  }
0x16: {  	s3 =	sld [smem:$0x3FDB];
	s0 =	simm.s32 @p2 $0x1  }
0x17: {  	s4 =	simm.s32 $0x1BF5;
	[smem:$0x3FB7] =	sst s0  }
0x18: {  	s0 =	sld [smem:$0x3F9A];
	_ =	swait.ge [sflag:s4], $0x0  }
0x19: {  	s7 =	sld [smem:$0x3F9B]  }
0x1a: {  	s8 =	sadd.s32 $0xFFFFE003, lr  }
0x1b: {  	s9 =	sadd.s32 $0xFFFFFEF7, lr;
	s5 =	simm.s32 $0xFFFFFFFF;
	p2 =	slt.u32 s8, $0xFFFFF086  }
0x1c: {  	p1 =	slt.u32 s9, $0xF7A;
	s5 =	simm.s32 @!p2 $0x0  }
0x1d: {  	s5 =	simm.s32 @p1 $0x1;
	p0 =	seq.s32 s7, s2  }
0x1e: {  	s7 =	smul.u32 @!p0 $0xF7A, s2;
	p2 =	seq.s32 @!p0 s5, $0x0  }
0x1f: {  	s9 =	smul.u32 $0xF7A, s1;
	s8 =	simm.s32 @!p0 $0x1BF5;
	p2 =	por !p2, p0  }
0x20: {  	[sflag:s8] =	ssyncset.s32 @!p0 $0xFFFFF086;
	s6 =	sadd.s32 @!p0 s3, s7;
	s7 =	simm.s32 @!p0 $0x108  }
0x21: {  	s3 =	sadd.s32 s3, s9;
	s6 =	sadd.s32 @!p0 $0x88, s6;
	s7 =	simm.s32 @p2 $0x1082  }
0x22: {  	[simem:s7], [sflag:s8] =	dma.local @!p0 [hbm:s6], $0xF7A  }
0x23: {  	s9 =	sor.u32 $0xD0000000, s2;
	s6 =	simm.s32 $0x108;
	_ =	swait.ge @!p0 [sflag:s8], $0x0  }
0x24: {  	s3 =	sadd.s32 $0x88, s3;
	s6 =	simm.s32 @!p1 $0x1082;
	[sflag:s4] =	ssyncset.s32 $0xFFFFF086  }
0x25: {  	[simem:s6], [sflag:s4] =	dma.local [hbm:s3], $0xF7A  }
0x26: {  	[smem:$0x3F9B] =	sst s1;
	(tag) =	ssettag s2;
	_ =	strace s9  }
0x27: {  	s1 =	sld [smem:$0x3FAB]  }
0x28: {  	s2 =	sld [smem:$0x3FAC]  }
0x29: {  	s4 =	sld [smem:$0x3FAE]  }
0x2a: {  	p0 =	seq.s32 s5, $0x0;
	s5 =	sld [smem:$0x3FAF]  }
0x2b: {  	s6 =	sld [smem:$0x3FB0]  }
0x2c: {  	s7 =	sld [smem:$0x3FB1]  }
0x2d: {  	s3 =	simm.s32 $0x108;
	s8 =	sld [smem:$0x3FB2]  }
0x2e: {  	s3 =	simm.s32 @!p0 $0x1082;
	s9 =	sld [smem:$0x3FB3]  }
0x2f: {  	lr =	sadd.s32 s0, s3;
	s0 =	sld [smem:$0x3FAA]  }
0x30: {  	s3 =	sld [smem:$0x3FAD]  }
0x31: {  	[smem:$0x3FB6] =	sst s10  }
0x32: {  	s10 =	sld [smem:$0x3FB4];
	_ =	sdelay $0x3  }
0x33: {  	p0 =	seq.s32 s10, $0x1;
	s10 =	sld [smem:$0x3FB6];
	_ =	sdelay $0x3  }
0x34: {  	[smem:$0x3FB6] =	sst s10  }
0x35: {  	s10 =	sld [smem:$0x3FB5];
	_ =	sdelay $0x3  }
0x36: {  	p1 =	seq.s32 s10, $0x1;
	s10 =	sld [smem:$0x3FB6];
	_ =	sdelay $0x3  }
0x37: {  	[smem:$0x3FB6] =	sst s10  }
0x38: {  	s10 =	sld [smem:$0x3FB7]  }
0x39: {  	_ = 	snop;
	(pc) =	sbr.ind lr, $3  }
0x3a: {  	_ = 	snop  }
0x3b: {  	_ = 	snop  }
0x3c: {  	p2 =	seq.s32 s10, $0x1;
	s10 =	sld [smem:$0x3FB6]  }
0x3d: {  	_ =	shalt  }
0x3e: {  	_ =	shalt  }
0x3f: {  	_ =	shalt  }
0x40: {  	_ =	shalt  }
0x41: {  	_ =	shalt  }
0x42: {  	_ =	shalt  }
0x43: {  	_ =	shalt  }
0x44: {  	_ =	shalt  }
0x45: {  	_ =	shalt  }
0x46: {  	_ =	shalt  }
0x47: {  	_ =	shalt  }
0x48: {  	_ =	shalt  }
0x49: {  	_ =	shalt  }
0x4a: {  	_ =	shalt  }
0x4b: {  	_ =	shalt  }
0x4c: {  	_ =	shalt  }
0x4d: {  	_ =	shalt  }
0x4e: {  	_ =	shalt  }
0x4f: {  	_ =	shalt  }
0x50: {  	_ =	shalt  }
0x51: {  	_ =	shalt  }
0x52: {  	_ =	shalt  }
0x53: {  	_ =	shalt  }
0x54: {  	_ =	shalt  }
0x55: {  	_ =	shalt  }
0x56: {  	_ =	shalt  }
0x57: {  	_ =	shalt  }
0x58: {  	_ =	shalt  }
0x59: {  	_ =	shalt  }
0x5a: {  	_ =	shalt  }
0x5b: {  	_ =	shalt  }
0x5c: {  	_ =	shalt  }
0x5d: {  	_ =	shalt  }
0x5e: {  	_ =	shalt  }
0x5f: {  	_ =	shalt  }
0x60: {  	_ =	shalt  }
0x61: {  	_ =	shalt  }
0x62: {  	_ =	shalt  }
0x63: {  	_ =	shalt  }
0x64: {  	_ =	shalt  }
0x65: {  	_ =	shalt  }
0x66: {  	_ =	shalt  }
0x67: {  	_ =	shalt  }
0x68: {  	_ =	shalt  }
0x69: {  	_ =	shalt  }
0x6a: {  	_ =	shalt  }
0x6b: {  	_ =	shalt  }
0x6c: {  	_ =	shalt  }
0x6d: {  	_ =	shalt  }
0x6e: {  	_ =	shalt  }
0x6f: {  	_ =	shalt  }
0x70: {  	_ =	shalt  }
0x71: {  	_ =	shalt  }
0x72: {  	_ =	shalt  }
0x73: {  	_ =	shalt  }
0x74: {  	_ =	shalt  }
0x75: {  	_ =	shalt  }
0x76: {  	_ =	shalt  }
0x77: {  	_ =	shalt  }
0x78: {  	_ =	shalt  }
0x79: {  	_ =	shalt  }
0x7a: {  	_ =	shalt  }
0x7b: {  	_ =	shalt  }
0x7c: {  	_ =	shalt  }
0x7d: {  	_ =	shalt  }
0x7e: {  	_ =	shalt  }
0x7f: {  	_ =	shalt  }
0x80: {  	_ =	shalt  }
0x81: {  	_ =	shalt  }
0x82: {  	_ =	shalt  }
0x83: {  	_ =	shalt  }
0x84: {  	_ =	shalt  }
0x85: {  	_ =	shalt  }
0x86: {  	_ =	shalt  }
0x87: {  	_ =	shalt  }
.Lfunc_end0:
.L_simem_size_0:
called_computation.2_lowered:
.L_overlay_start_0:
0x88: {  	s2 =	sld [smem:$0x3FD9]  }
0x89: {  	s3 =	sld [smem:$0x3FFE];
	_ =	sdelay $0x1  }
0x8a: {  	s1 =	srdreg.scid  }
0x8b: {  	s0 =	sand.u32 $0x1, s1  }
0x8c: {  	s17 =	sshll.u32 s0, $0xA;
	s2 =	sadd.s32 s3, s2  }
0x8d: {  	s2 =	sadd.s32 s2, s17  }
0x8e: {  	[smem:$0x3FC2] =	sst s2  }
0x8f: {  	_ = 	snop  }
0x90: {  	(tm) =	ssettm $0x1  }
0x91: {  	s18 =	sld [smem:$0x3FFB];
	_ =	sdelay $0x3  }
0x92: {  	_ =	strace s18  }
0x93: {  	s2 =	sld [smem:$0x3FFC];
	_ =	sdelay $0x3  }
0x94: {  	_ =	strace s2  }
0x95: {  	s2 =	sld [smem:$0x3FFD];
	_ =	sdelay $0x3  }
0x96: {  	_ =	strace s2  }
0x97: {  	_ =	strace $0x8FFFFFFF  }
0x98: {  	s19 =	sld [smem:$0x3FDB];
	_ =	sdelay $0x1  }
0x99: {  	s20 =	simm.s32 $_scs_section_size  }
0x9a: {  	s4 =	simm.s32 $_size__tile_overlayer_lowered;
	s5 =	simm.s32 $_tile_overlayer_lowered  }
0x9b: {  	s6 =	simm.s32 $0x1BFF;
	s21 =	sshll.u32 s5, $0x1;
	s3 =	sadd.s32 s20, s19  }
0x9c: {  	s22 =	simm.s32 $0x0;
	s4 =	sshll.u32 s4, $0x1;
	s5 =	sadd.s32 s21, s3  }
0x9d: {  	[timem:s22], [sflag:s6] =	dma.local [hbm:s5], s4  }
0x9e: {  	_ =	swait.ge [sflag:s6], s4  }
0x9f: {  	s4 =	ssub.s32 $0x0, s4;
	[sflag:s6] =	ssyncset.done $0x0  }
0xa0: {  	[sflag:s6] =	ssyncadd.s32 s4;
	_ =	sdelay $0x1  }
0xa1: {  	s23 =	simm.s32 $0x1B8B  }
0xa2: {  	_ =	swait.ge [sflag:s23], $0x1  }
0xa3: {  	[sflag:s23] =	ssyncset.done $0x0  }
0xa4: {  	[sflag:s23] =	ssyncadd.s32 $0xFFFFFFFF  }
0xa5: {  	s4 =	sld [smem:$0x0]  }
0xa6: {  	s5 =	sand.u32 $0xFFFFFFFE, s1  }
0xa7: {  	p0 =	sne.s32 s1, s5  }
0xa8: {  	s5 =	sshll.u32 @p0 s5, $0xE  }
0xa9: {  	s5 =	sadd.s32 @p0 $0x11B8D, s5;
	s6 =	sshll.u32 @p0 s4, $0x11  }
0xaa: {  	s5 =	sor.u32 @p0 s6, s5  }
0xab: {  	[sflag:s5] =	ssyncadd.remote.s32 @p0 $0x1;
	_ =	sdelay $0x1  }
0xac: {  	s5 =	simm.s32 @p0 $0x1B8D  }
0xad: {  	_ =	swait.eq @p0 [sflag:s5], $0x1  }
0xae: {  	[sflag:s5] =	ssyncadd.s32 @p0 $0xFFFFFFFF  }
0xaf: {  	s6 =	sshll.u32 @!p0 s1, $0xE  }
0xb0: {  	s6 =	sor.u32 @!p0 $0x4000, s6;
	s5 =	simm.s32 @!p0 $0x1B8D  }
0xb1: {  	s4 =	sshll.u32 @!p0 s4, $0x11;
	s6 =	sadd.s32 @!p0 $0x11B8D, s6;
	_ =	swait.eq @!p0 [sflag:s5], $0x1  }
0xb2: {  	s4 =	sor.u32 @!p0 s4, s6;
	[sflag:s5] =	ssyncadd.s32 @!p0 $0xFFFFFFFF  }
0xb3: {  	s25 =	simm.s32 $0x1B8E;
	s24 =	sld [smem:$0x3FFE];
	[sflag:s4] =	ssyncadd.remote.s32 @!p0 $0x1  }
0xb4: {  	s26 =	simm.s32 $execute0_lowered;
	[smem:$0x3FD2] =	sst s25  }
0xb5: {  	s5 =	sshll.u32 s26, $0x1;
	_ =	strace $0x80000049;
	[dreg:$0x1] =	wrdreg $0xFFFFFFFF  }
0xb6: {  	s28 =	simm.s32 $_size_execute0_lowered;
	s3 =	sadd.s32 s3, s5;
	[dreg:$0x0] =	wrdreg $0x0  }
0xb7: {  	s5 =	sshll.u32 s28, $0x1;
	[dreg:$0x2] =	wrdreg s3  }
0xb8: {  	[dreg:$0x3] =	wrdreg s5  }
0xb9: {  	[dreg:$0x4] =	wrdreg $0xC0  }
0xba: {  	_ =	task [dreg:s22], $0x5FFFF  }
0xbb: {  	[dreg:$0x1] =	wrdreg $0xFFFFFFFF  }
0xbc: {  	[dreg:$0x0] =	wrdreg $0x60  }
0xbd: {  	[dreg:$0x2] =	wrdreg s24  }
0xbe: {  	[dreg:$0x3] =	wrdreg $0xB  }
0xbf: {  	_ =	task.clear_ibuf [dreg:s22], $0x4FFFF;
	_ =	strace $0x90000049  }
0xc0: {  	s29 =	simm.s32 $0xB;
	_ =	strace $0x8000004B  }
0xc1: {  	_ =	swait.ge [sflag:s29], $0x1  }
0xc2: {  	[sflag:s29] =	ssyncadd.s32 $0xFFFFFFFF  }
0xc3: {  	_ =	strace $0x9000004B  }
0xc4: {  	_ =	sfence  }
0xc5: {  	s30 =	sld [smem:$0x0];
	_ =	sdelay $0x2  }
0xc6: {  	s31 =	sshll.u32 s1, $0xD;
	s1 =	sshrl.u32 s1, $0x2  }
0xc7: {  	s4 =	sand.u32 $0x4000, s31;
	s1 =	sadd.s32 s1, s30  }
0xc8: {  	s0 =	sor.u32 s4, s0;
	s1 =	sshll.u32 s1, $0x11  }
0xc9: {  	s0 =	sor.u32 s1, s0  }
0xca: {  	s0 =	sadd.s32 $0x8F2B, s0  }
0xcb: {  	[sflag:s0] =	ssyncadd.remote.s32 $0x1  }
0xcc: {  	_ =	sfence.sel $0xFFFF  }
0xcd: {  	[dreg:$0x0] =	wrdreg $0xFFFFFFFF;
	(pc) =	sbr.abs _section_cstart, $3  }
0xce: {  	[dreg:$0x1] =	wrdreg $0xFFFFFFFF  }
0xcf: {  	_ =	task.clear_ibuf [dreg:s22], $0x2FFFF;
	_ =	strace $0x9FFFFFFF  }
0xd0: {  	(tm) =	ssettm $0x7FFFFFFF  }
0xd1: {  	_ =	shalt  }
tec
execute0_lowered:
.L_overlay_start_1:
0x0: {  	(tag) =	ssettag $0x1  }
0x1: {  	s1 =	srdreg.scid;
	s4 =	rddreg [dreg:$0x0]  }
0x2: {  	s2 =	simm.s32 $0x0;
	s5 =	sand.u32 $0x1, s1;
	s1 =	rddreg [dreg:$0x1]  }
0x3: {  	s0 =	stileid.u32;
	s24 =	simm.s32 $0x2400;
	[smem:$0x7FF] =	sst s2  }
0x4: {  	s25 =	simm.s32 $0x3600;
	_ =	strace $0x8000004A;
	[dreg:$0x2] =	wrdreg s24  }
0x5: {  	s26 =	simm.s32 $0x4800;
	s28 =	simm.s32 $0x5A00;
	[dreg:$0x3] =	wrdreg s25  }
0x6: {  	s29 =	simm.s32 $0x6C00;
	s30 =	simm.s32 $0x7E00;
	[dreg:$0x4] =	wrdreg s26  }
0x7: {  	s10 =	simm.s32 $0x9000;
	s11 =	simm.s32 $0xB400;
	[dreg:$0x5] =	wrdreg s28  }
0x8: {  	s12 =	simm.s32 $0xC600;
	s13 =	simm.s32 $0xD800;
	[dreg:$0x6] =	wrdreg s29  }
0x9: {  	s14 =	simm.s32 $0xEA00;
	s15 =	simm.s32 $0xFC00;
	[dreg:$0x7] =	wrdreg s30  }
0xa: {  	s16 =	simm.s32 $0x10E00;
	s31 =	simm.s32 $0x12000;
	[dreg:$0x8] =	wrdreg s10  }
0xb: {  	s17 =	simm.s32 $0x0;
	s22 =	sshll.u32 s0, $0x1;
	[dreg:$0x9] =	wrdreg s11  }
0xc: {  	s7 =	smul.u32 $0x24000, s0;
	s3 =	sor.u32 s5, s22;
	[dreg:$0xa] =	wrdreg s12  }
0xd: {  	s8 =	ssub.s32 $0x2, s5;
	s9 =	smul.u32 $0x12000, s5;
	[dreg:$0xb] =	wrdreg s13  }
0xe: {  	s10 =	simm.s32 $0x1;
	s11 =	simm.s32 $0xA200;
	[dreg:$0xc] =	wrdreg s14  }
0xf: {  	s12 =	simm.s32 $0x80;
	s13 =	simm.s32 $0x400;
	[dreg:$0xd] =	wrdreg s15  }
0x10: {  	s14 =	simm.s32 $0x2;
	s15 =	simm.s32 $0x3;
	[dreg:$0xe] =	wrdreg s16  }
0x11: {  	[dreg:$0xf] =	wrdreg s31;
	s16 =	simm.s32 $0x4;
	s6 =	smul.u32 $0x240, s3  }
0x12: {  	s3 =	sadd.s32 $0x50000, s4;
	s7 =	sadd.s32 s7, s4;
	s23 =	sshrl.u32 s8, $0x1  }
0x13: {  	s8 =	ssub.s32 s8, s23;
	s7 =	sadd.s32 s9, s7;
	s9 =	simm.s32 $0x1200  }
0x14: {  	s6 =	sadd.s32 s6, s4;
	s5 =	smax.u32 s8, $0x1;
	s8 =	simm.s32 $0x120  }
0x15: {  	s4 =	sadd.s32 $0x47000, s6;
	s6 =	sadd.s32 $0xA50000, s7;
	s7 =	simm.s32 $0x5  }
.LBB2_1:
0x16: {  	[tilespmem:s2], [sflag:$0x5] =	stream.linear.gather [hbm4b:s4+s2], $0x1200, $0x38;
	[tilespmem:$0x13200] =	vst v63  }
0x17: {  	_ =	swait.ge [sflag:s7], $0x1200  }
0x18: {  	[sflag:s7] =	ssyncset.done $0x0  }
0x19: {  	s18 =	simm.s32 $0x0;
	s19 =	simm.s32 $0x40;
	[sflag:s7] =	ssyncadd.s32 $0xFFFFEE00  }
.LBB2_2:
0x1a: {  	p0 =	sne.s32 s19, $0x47C0;
	v0 =	vld [tilespmem:s18+$0x0];
	_ =	sdelay $0x3  }
.Ltmp0:
0x1b: {  	(pc) =	sbr.rel @p0 .LBB2_2-.Ltmp0, $4  }
0x1c: {  	v1 =	vshra.s32 v0, $0x1  }
0x1d: {  	v0 =	vand.u32 $0x3FFF, v0;
	v1 =	vand.u32 $0xFFFFC000, v1  }
0x1e: {  	v0 =	vor.u32 v0, v1  }
0x1f: {  	[tilespmem:s18+$0x0] =	vst v0;
	s18 =	sshra.s32 s19, $0x2;
	s19 =	sadd.s32 $0x40, s19  }
0x20: {  	v0 =	vld [tilespmem:s18+$0x0];
	_ =	sdelay $0x4  }
0x21: {  	v1 =	vshra.s32 v0, $0x1  }
0x22: {  	p0 =	por $0x1, $0x1;
	v0 =	vand.u32 $0x3FFF, v0;
	v1 =	vand.u32 $0xFFFFC000, v1  }
0x23: {  	p0 =	por p0, p0;
	v0 =	vor.u32 v0, v1  }
0x24: {  	s26 =	simm.s32 $0x0;
	[tilespmem:s18+$0x0] =	vst v0;
	s18 =	simm.s32 @!p0 $0x4  }
0x25: {  	[tilespmem:s9], [sflag:$0x1] =	stream.indirect.gather [hbm4b:s3+s8], $0x80, s26, s8, $0xb8;
	[tilespmem:$0x13200] =	vst v63  }
0x26: {  	_ =	swait.ge @!p0 [sflag:s18], $0x9000  }
0x27: {  	[sflag:s18] =	ssyncset.done @!p0 $0x0  }
0x28: {  	[sflag:s18] =	ssyncadd.s32 @!p0 $0xFFFF7000  }
0x29: {  	_ =	swait.ge [sflag:s10], $0x9000  }
0x2a: {  	[sflag:s10] =	ssyncset.done $0x0  }
0x2b: {  	s28 =	simm.s32 $0x120;
	[sflag:s10] =	ssyncadd.s32 $0xFFFF7000  }
0x2c: {  	[tilespmem:s11], [sflag:$0x2] =	stream.indirect.gather [hbm4b:s3+s8], $0x80, s28, s8, $0xb8;
	[tilespmem:$0x13200] =	vst v63  }
0x2d: {  	_ = 	snop  }
0x2e: {  	[hbm4b:s6+s12] =	stream.strided.scatter [tilespmem:s9], [sflag:$0x3], $0x1200, s13, s12, $0x38;
	[tilespmem:$0x13200] =	vst v63  }
0x2f: {  	s19 =	sadd.s32 $0x10, s6;
	s29 =	rddreg [dreg:$0x2]  }
0x30: {  	[hbm4b:s19+s12] =	stream.strided.scatter [tilespmem:s29], [sflag:$0x3], $0x1200, s13, s12, $0x38;
	[tilespmem:$0x13200] =	vst v63  }
0x31: {  	s30 =	sadd.s32 $0x20, s6;
	s20 =	rddreg [dreg:$0x3]  }
0x32: {  	[hbm4b:s30+s12] =	stream.strided.scatter [tilespmem:s20], [sflag:$0x3], $0x1200, s13, s12, $0x38;
	[tilespmem:$0x13200] =	vst v63  }
0x33: {  	s31 =	rddreg [dreg:$0x4];
	s20 =	sadd.s32 $0x30, s6  }
0x34: {  	[hbm4b:s20+s12] =	stream.strided.scatter [tilespmem:s31], [sflag:$0x3], $0x1200, s13, s12, $0x38;
	[tilespmem:$0x13200] =	vst v63  }
0x35: {  	s22 =	sadd.s32 $0x40, s6;
	s21 =	rddreg [dreg:$0x5]  }
0x36: {  	[hbm4b:s22+s12] =	stream.strided.scatter [tilespmem:s21], [sflag:$0x3], $0x1200, s13, s12, $0x38;
	[tilespmem:$0x13200] =	vst v63  }
0x37: {  	s24 =	sadd.s32 $0x50, s6;
	s23 =	rddreg [dreg:$0x6]  }
0x38: {  	[hbm4b:s24+s12] =	stream.strided.scatter [tilespmem:s23], [sflag:$0x3], $0x1200, s13, s12, $0x38;
	[tilespmem:$0x13200] =	vst v63  }
0x39: {  	s26 =	sadd.s32 $0x60, s6;
	s25 =	rddreg [dreg:$0x7]  }
0x3a: {  	[hbm4b:s26+s12] =	stream.strided.scatter [tilespmem:s25], [sflag:$0x3], $0x1200, s13, s12, $0x38;
	[tilespmem:$0x13200] =	vst v63  }
0x3b: {  	s28 =	rddreg [dreg:$0x8];
	s29 =	sadd.s32 $0x70, s6  }
0x3c: {  	[hbm4b:s29+s12] =	stream.strided.scatter [tilespmem:s28], [sflag:$0x3], $0x1200, s13, s12, $0x38;
	[tilespmem:$0x13200] =	vst v63  }
0x3d: {  	_ =	swait.ge [sflag:s14], $0x9000  }
0x3e: {  	[sflag:s14] =	ssyncset.done $0x0  }
0x3f: {  	[sflag:s14] =	ssyncadd.s32 $0xFFFF7000  }
0x40: {  	p0 =	por $0x0, $0x0;
	_ =	swait.ge [sflag:s15], $0x9000  }
0x41: {  	s18 =	simm.s32 @!p0 $0x1200;
	[sflag:s15] =	ssyncset.done $0x0  }
0x42: {  	s19 =	simm.s32 @!p0 $0x240;
	s20 =	simm.s32 @!p0 $0x120;
	[sflag:s15] =	ssyncadd.s32 $0xFFFF7000  }
0x43: {  	[tilespmem:s18], [sflag:$0x1] =	stream.indirect.gather @!p0 [hbm4b:s3+s20], $0x80, s19, s20, $0xb8;
	[tilespmem:$0x13200] =	vst v63  }
0x44: {  	s30 =	sadd.s32 $0x1200, s6;
	s31 =	rddreg [dreg:$0x9]  }
0x45: {  	[hbm4b:s30+s12] =	stream.strided.scatter [tilespmem:s11], [sflag:$0x4], $0x1200, s13, s12, $0x38;
	[tilespmem:$0x13200] =	vst v63  }
0x46: {  	p6 =	por $0x0, $0x0;
	s21 =	rddreg [dreg:$0xa];
	s20 =	sadd.s32 $0x1210, s6  }
0x47: {  	[hbm4b:s20+s12] =	stream.strided.scatter [tilespmem:s31], [sflag:$0x4], $0x1200, s13, s12, $0x38;
	[tilespmem:$0x13200] =	vst v63  }
0x48: {  	s22 =	sadd.s32 $0x1220, s6;
	s24 =	sadd.s32 $0x1230, s6;
	s23 =	rddreg [dreg:$0xb]  }
0x49: {  	[hbm4b:s22+s12] =	stream.strided.scatter [tilespmem:s21], [sflag:$0x4], $0x1200, s13, s12, $0x38;
	[tilespmem:$0x13200] =	vst v63  }
0x4a: {  	s26 =	sadd.s32 $0x1240, s6;
	s29 =	sadd.s32 $0x1250, s6;
	s25 =	rddreg [dreg:$0xc]  }
0x4b: {  	[hbm4b:s24+s12] =	stream.strided.scatter [tilespmem:s23], [sflag:$0x4], $0x1200, s13, s12, $0x38;
	[tilespmem:$0x13200] =	vst v63  }
0x4c: {  	s28 =	rddreg [dreg:$0xd];
	s19 =	simm.s32 $0x900;
	p0 =	por p6, p6  }
0x4d: {  	[hbm4b:s26+s12] =	stream.strided.scatter [tilespmem:s25], [sflag:$0x4], $0x1200, s13, s12, $0x38;
	[tilespmem:$0x13200] =	vst v63  }
0x4e: {  	s18 =	sadd.s32 $0x2400, s6;
	s30 =	rddreg [dreg:$0xe];
	s31 =	sadd.s32 $0x1260, s6  }
0x4f: {  	[hbm4b:s29+s12] =	stream.strided.scatter [tilespmem:s28], [sflag:$0x4], $0x1200, s13, s12, $0x38;
	[tilespmem:$0x13200] =	vst v63  }
0x50: {  	s20 =	simm.s32 $0x1200;
	s21 =	rddreg [dreg:$0xf];
	s22 =	sadd.s32 $0x1270, s6  }
0x51: {  	[hbm4b:s31+s12] =	stream.strided.scatter [tilespmem:s30], [sflag:$0x4], $0x1200, s13, s12, $0x38;
	[tilespmem:$0x13200] =	vst v63  }
.LBB2_4:
0x52: {  	[hbm4b:s22+s12] =	stream.strided.scatter [tilespmem:s21], [sflag:$0x4], $0x1200, s13, s12, $0x38;
	[tilespmem:$0x13200] =	vst v63  }
0x53: {  	s22 =	simm.s32 @!p0 $0x4  }
0x54: {  	_ =	swait.ge @!p0 [sflag:s22], $0x9000  }
0x55: {  	[sflag:s22] =	ssyncset.done @!p0 $0x0  }
0x56: {  	[sflag:s22] =	ssyncadd.s32 @!p0 $0xFFFF7000  }
0x57: {  	_ =	swait.ge [sflag:s10], $0x9000  }
0x58: {  	s25 =	sshra.s32 s19, $0x2;
	[sflag:s10] =	ssyncset.done $0x0  }
0x59: {  	s22 =	sadd.s32 $0x120, s25;
	[sflag:s10] =	ssyncadd.s32 $0xFFFF7000  }
0x5a: {  	[tilespmem:s11], [sflag:$0x2] =	stream.indirect.gather [hbm4b:s3+s8], $0x80, s22, s8, $0xb8;
	[tilespmem:$0x13200] =	vst v63  }
0x5b: {  	_ = 	snop  }
0x5c: {  	[hbm4b:s18+s12] =	stream.strided.scatter [tilespmem:s9], [sflag:$0x3], $0x1200, s13, s12, $0x38;
	[tilespmem:$0x13200] =	vst v63  }
0x5d: {  	s23 =	sadd.s32 $0x10, s18;
	s26 =	rddreg [dreg:$0x2]  }
0x5e: {  	[hbm4b:s23+s12] =	stream.strided.scatter [tilespmem:s26], [sflag:$0x3], $0x1200, s13, s12, $0x38;
	[tilespmem:$0x13200] =	vst v63  }
0x5f: {  	s28 =	sadd.s32 $0x20, s18;
	s24 =	rddreg [dreg:$0x3]  }
0x60: {  	[hbm4b:s28+s12] =	stream.strided.scatter [tilespmem:s24], [sflag:$0x3], $0x1200, s13, s12, $0x38;
	[tilespmem:$0x13200] =	vst v63  }
0x61: {  	s30 =	sadd.s32 $0x30, s18;
	s29 =	rddreg [dreg:$0x4]  }
0x62: {  	[hbm4b:s30+s12] =	stream.strided.scatter [tilespmem:s29], [sflag:$0x3], $0x1200, s13, s12, $0x38;
	[tilespmem:$0x13200] =	vst v63  }
0x63: {  	s25 =	sadd.s32 $0x40, s18;
	s31 =	rddreg [dreg:$0x5]  }
0x64: {  	[hbm4b:s25+s12] =	stream.strided.scatter [tilespmem:s31], [sflag:$0x3], $0x1200, s13, s12, $0x38;
	[tilespmem:$0x13200] =	vst v63  }
0x65: {  	s26 =	rddreg [dreg:$0x6];
	s28 =	sadd.s32 $0x50, s18  }
0x66: {  	[hbm4b:s28+s12] =	stream.strided.scatter [tilespmem:s26], [sflag:$0x3], $0x1200, s13, s12, $0x38;
	[tilespmem:$0x13200] =	vst v63  }
0x67: {  	s29 =	rddreg [dreg:$0x7];
	s30 =	sadd.s32 $0x60, s18  }
0x68: {  	[hbm4b:s30+s12] =	stream.strided.scatter [tilespmem:s29], [sflag:$0x3], $0x1200, s13, s12, $0x38;
	[tilespmem:$0x13200] =	vst v63  }
0x69: {  	s24 =	sadd.s32 $0x70, s18;
	s31 =	rddreg [dreg:$0x8]  }
0x6a: {  	[hbm4b:s24+s12] =	stream.strided.scatter [tilespmem:s31], [sflag:$0x3], $0x1200, s13, s12, $0x38;
	[tilespmem:$0x13200] =	vst v63  }
0x6b: {  	s21 =	smov.u32 s20;
	_ =	swait.ge [sflag:s14], $0x9000  }
0x6c: {  	p2 =	seq.s32 s21, $0x0;
	[sflag:s14] =	ssyncset.done $0x0  }
0x6d: {  	p0 =	por p2, p2;
	p2 =	seq.s32 s19, $0x3F00;
	[sflag:s14] =	ssyncadd.s32 $0xFFFF7000  }
0x6e: {  	s19 =	sshra.s32 @!p2 s19, $0x2;
	_ =	swait.ge [sflag:s15], $0x9000  }
0x6f: {  	s19 =	sadd.s32 @!p2 $0x240, s19;
	[sflag:s15] =	ssyncset.done $0x0  }
0x70: {  	s22 =	simm.s32 @!p2 $0x1200;
	s23 =	simm.s32 @!p2 $0x120;
	[sflag:s15] =	ssyncadd.s32 $0xFFFF7000  }
0x71: {  	[tilespmem:s22], [sflag:$0x1] =	stream.indirect.gather @!p2 [hbm4b:s3+s23], $0x80, s19, s23, $0xb8;
	[tilespmem:$0x13200] =	vst v63  }
0x72: {  	s25 =	sadd.s32 $0x1200, s18  }
0x73: {  	[hbm4b:s25+s12] =	stream.strided.scatter [tilespmem:s11], [sflag:$0x4], $0x1200, s13, s12, $0x38;
	[tilespmem:$0x13200] =	vst v63  }
0x74: {  	s28 =	sadd.s32 $0x1210, s18;
	s26 =	rddreg [dreg:$0x9]  }
0x75: {  	[hbm4b:s28+s12] =	stream.strided.scatter [tilespmem:s26], [sflag:$0x4], $0x1200, s13, s12, $0x38;
	[tilespmem:$0x13200] =	vst v63  }
0x76: {  	s30 =	sadd.s32 $0x1220, s18;
	s29 =	rddreg [dreg:$0xa]  }
0x77: {  	[hbm4b:s30+s12] =	stream.strided.scatter [tilespmem:s29], [sflag:$0x4], $0x1200, s13, s12, $0x38;
	[tilespmem:$0x13200] =	vst v63  }
0x78: {  	s20 =	sadd.s32 $0x900, s20;
	s24 =	sadd.s32 $0x1230, s18;
	s31 =	rddreg [dreg:$0xb]  }
0x79: {  	[hbm4b:s24+s12] =	stream.strided.scatter [tilespmem:s31], [sflag:$0x4], $0x1200, s13, s12, $0x38;
	[tilespmem:$0x13200] =	vst v63  }
0x7a: {  	p1 =	sne.s32 s20, $0x4800;
	s25 =	rddreg [dreg:$0xc];
	s26 =	sadd.s32 $0x1240, s18  }
0x7b: {  	[hbm4b:s26+s12] =	stream.strided.scatter [tilespmem:s25], [sflag:$0x4], $0x1200, s13, s12, $0x38;
	[tilespmem:$0x13200] =	vst v63  }
.Ltmp1:
0x7c: {  	s19 =	smov.u32 s21;
	s21 =	rddreg [dreg:$0xf];
	(pc) =	sbr.rel @p1 .LBB2_4-.Ltmp1, $4  }
0x7d: {  	s22 =	sadd.s32 $0x1270, s18;
	s28 =	rddreg [dreg:$0xd];
	s29 =	sadd.s32 $0x1250, s18  }
0x7e: {  	[hbm4b:s29+s12] =	stream.strided.scatter [tilespmem:s28], [sflag:$0x4], $0x1200, s13, s12, $0x38;
	[tilespmem:$0x13200] =	vst v63  }
0x7f: {  	s30 =	rddreg [dreg:$0xe];
	s31 =	sadd.s32 $0x1260, s18;
	s18 =	sadd.s32 $0x2400, s18  }
0x80: {  	[hbm4b:s31+s12] =	stream.strided.scatter [tilespmem:s30], [sflag:$0x4], $0x1200, s13, s12, $0x38;
	[tilespmem:$0x13200] =	vst v63  }
0x81: {  	[hbm4b:s22+s12] =	stream.strided.scatter [tilespmem:s21], [sflag:$0x4], $0x1200, s13, s12, $0x38;
	[tilespmem:$0x13200] =	vst v63  }
0x82: {  	s20 =	simm.s32 @!p0 $0x4  }
0x83: {  	_ =	swait.ge @!p0 [sflag:s20], $0x9000  }
0x84: {  	[sflag:s20] =	ssyncset.done @!p0 $0x0  }
0x85: {  	[sflag:s20] =	ssyncadd.s32 @!p0 $0xFFFF7000  }
0x86: {  	_ =	swait.ge [sflag:s10], $0x9000  }
0x87: {  	s28 =	sshra.s32 s19, $0x2;
	[sflag:s10] =	ssyncset.done $0x0  }
0x88: {  	s20 =	sadd.s32 $0x120, s28;
	[sflag:s10] =	ssyncadd.s32 $0xFFFF7000  }
0x89: {  	[tilespmem:s11], [sflag:$0x2] =	stream.indirect.gather [hbm4b:s3+s8], $0x80, s20, s8, $0xb8;
	[tilespmem:$0x13200] =	vst v63  }
0x8a: {  	_ = 	snop  }
0x8b: {  	[hbm4b:s18+s12] =	stream.strided.scatter [tilespmem:s9], [sflag:$0x3], $0x1200, s13, s12, $0x38;
	[tilespmem:$0x13200] =	vst v63  }
0x8c: {  	s30 =	sadd.s32 $0x10, s18;
	s29 =	rddreg [dreg:$0x2]  }
0x8d: {  	[hbm4b:s30+s12] =	stream.strided.scatter [tilespmem:s29], [sflag:$0x3], $0x1200, s13, s12, $0x38;
	[tilespmem:$0x13200] =	vst v63  }
0x8e: {  	s23 =	sadd.s32 $0x20, s18;
	s31 =	rddreg [dreg:$0x3]  }
0x8f: {  	[hbm4b:s23+s12] =	stream.strided.scatter [tilespmem:s31], [sflag:$0x3], $0x1200, s13, s12, $0x38;
	[tilespmem:$0x13200] =	vst v63  }
0x90: {  	s25 =	sadd.s32 $0x30, s18;
	s24 =	rddreg [dreg:$0x4]  }
0x91: {  	[hbm4b:s25+s12] =	stream.strided.scatter [tilespmem:s24], [sflag:$0x3], $0x1200, s13, s12, $0x38;
	[tilespmem:$0x13200] =	vst v63  }
0x92: {  	s28 =	sadd.s32 $0x40, s18;
	s26 =	rddreg [dreg:$0x5]  }
0x93: {  	[hbm4b:s28+s12] =	stream.strided.scatter [tilespmem:s26], [sflag:$0x3], $0x1200, s13, s12, $0x38;
	[tilespmem:$0x13200] =	vst v63  }
0x94: {  	s29 =	rddreg [dreg:$0x6];
	s30 =	sadd.s32 $0x50, s18  }
0x95: {  	[hbm4b:s30+s12] =	stream.strided.scatter [tilespmem:s29], [sflag:$0x3], $0x1200, s13, s12, $0x38;
	[tilespmem:$0x13200] =	vst v63  }
0x96: {  	s21 =	sadd.s32 $0x60, s18;
	s31 =	rddreg [dreg:$0x7]  }
0x97: {  	[hbm4b:s21+s12] =	stream.strided.scatter [tilespmem:s31], [sflag:$0x3], $0x1200, s13, s12, $0x38;
	[tilespmem:$0x13200] =	vst v63  }
0x98: {  	s23 =	rddreg [dreg:$0x8];
	s24 =	sadd.s32 $0x70, s18  }
0x99: {  	[hbm4b:s24+s12] =	stream.strided.scatter [tilespmem:s23], [sflag:$0x3], $0x1200, s13, s12, $0x38;
	[tilespmem:$0x13200] =	vst v63  }
0x9a: {  	_ =	swait.ge [sflag:s14], $0x9000  }
0x9b: {  	[sflag:s14] =	ssyncset.done $0x0  }
0x9c: {  	p0 =	seq.s32 s19, $0x3F00;
	[sflag:s14] =	ssyncadd.s32 $0xFFFF7000  }
0x9d: {  	s19 =	sshra.s32 @!p0 s19, $0x2;
	_ =	swait.ge [sflag:s15], $0x9000  }
0x9e: {  	s19 =	sadd.s32 @!p0 $0x240, s19;
	[sflag:s15] =	ssyncset.done $0x0  }
0x9f: {  	s20 =	simm.s32 @!p0 $0x1200;
	s21 =	simm.s32 @!p0 $0x120;
	[sflag:s15] =	ssyncadd.s32 $0xFFFF7000  }
0xa0: {  	[tilespmem:s20], [sflag:$0x1] =	stream.indirect.gather @!p0 [hbm4b:s3+s21], $0x80, s19, s21, $0xb8;
	[tilespmem:$0x13200] =	vst v63  }
0xa1: {  	s25 =	sadd.s32 $0x1200, s18  }
0xa2: {  	[hbm4b:s25+s12] =	stream.strided.scatter [tilespmem:s11], [sflag:$0x4], $0x1200, s13, s12, $0x38;
	[tilespmem:$0x13200] =	vst v63  }
0xa3: {  	s28 =	sadd.s32 $0x1210, s18;
	s26 =	rddreg [dreg:$0x9]  }
0xa4: {  	[hbm4b:s28+s12] =	stream.strided.scatter [tilespmem:s26], [sflag:$0x4], $0x1200, s13, s12, $0x38;
	[tilespmem:$0x13200] =	vst v63  }
0xa5: {  	s30 =	sadd.s32 $0x1220, s18;
	s29 =	rddreg [dreg:$0xa]  }
0xa6: {  	[hbm4b:s30+s12] =	stream.strided.scatter [tilespmem:s29], [sflag:$0x4], $0x1200, s13, s12, $0x38;
	[tilespmem:$0x13200] =	vst v63  }
0xa7: {  	s22 =	sadd.s32 $0x1230, s18;
	s31 =	rddreg [dreg:$0xb]  }
0xa8: {  	[hbm4b:s22+s12] =	stream.strided.scatter [tilespmem:s31], [sflag:$0x4], $0x1200, s13, s12, $0x38;
	[tilespmem:$0x13200] =	vst v63  }
0xa9: {  	s24 =	sadd.s32 $0x1240, s18;
	s23 =	rddreg [dreg:$0xc]  }
0xaa: {  	[hbm4b:s24+s12] =	stream.strided.scatter [tilespmem:s23], [sflag:$0x4], $0x1200, s13, s12, $0x38;
	[tilespmem:$0x13200] =	vst v63  }
0xab: {  	s17 =	sadd.s32 $0x1, s17;
	s25 =	rddreg [dreg:$0xd];
	s26 =	sadd.s32 $0x1250, s18  }
0xac: {  	[hbm4b:s26+s12] =	stream.strided.scatter [tilespmem:s25], [sflag:$0x4], $0x1200, s13, s12, $0x38;
	[tilespmem:$0x13200] =	vst v63  }
0xad: {  	p0 =	sne.s32 s17, s5;
	s28 =	rddreg [dreg:$0xe];
	s29 =	sadd.s32 $0x1260, s18  }
0xae: {  	[hbm4b:s29+s12] =	stream.strided.scatter [tilespmem:s28], [sflag:$0x4], $0x1200, s13, s12, $0x38;
	[tilespmem:$0x13200] =	vst v63  }
.Ltmp2:
0xaf: {  	s30 =	rddreg [dreg:$0xf];
	s31 =	sadd.s32 $0x1270, s18;
	(pc) =	sbr.rel @p0 .LBB2_1-.Ltmp2, $4  }
0xb0: {  	[hbm4b:s31+s12] =	stream.strided.scatter [tilespmem:s30], [sflag:$0x4], $0x1200, s13, s12, $0x38;
	[tilespmem:$0x13200] =	vst v63  }
0xb1: {  	_ =	swait.ge [sflag:s16], $0x9000  }
0xb2: {  	[sflag:s16] =	ssyncset.done $0x0  }
0xb3: {  	[sflag:s16] =	ssyncadd.s32 $0xFFFF7000  }
0xb4: {  	_ =	sfence.sel $0x180000  }
0xb5: {  	[bflag:$0x0] =	sbarrier.arrive $0xFFFF  }
0xb6: {  	p0 =	sne.s32 s0, $0x0;
	_ =	strace $0x9000004A  }
0xb7: {  	s0 =	sadd.s32 @!p0 $0x100000, s1;
	[bflag:$0x2] =	sbarrier.arrive $0xFFFF  }
0xb8: {  	[sflag:s0] =	ssyncadd.tile.s32 @!p0 $0x1;
	_ =	shalt  }
.Lfunc_end2:
_tile_overlayer_lowered:
.L_overlay_start_2:
0xb9: {  	(tag) =	ssettag $0x2  }
0xba: {  	s0 =	rddreg [dreg:$0x0];
	s2 =	stileid.u32  }
0xbb: {  	s1 =	rddreg [dreg:$0x1];
	p0 =	sne.s32 s2, $0x0  }
0xbc: {  	s3 =	rddreg [dreg:$0x2];
	[bflag:$0x3] =	sbarrier.arrive $0xFFFF;
	s2 =	simm.s32 @!p0 $0x1C05  }
0xbd: {  	[timem:s3], [sflag:s2] =	dma.local @!p0 [hbm:s0], s1  }
0xbe: {  	s0 =	simm.s32 @!p0 $0x5  }
0xbf: {  	_ =	swait.ge @!p0 [sflag:s0], s1  }
0xc0: {  	s1 =	ssub.s32 @!p0 $0x0, s1;
	[sflag:s0] =	ssyncset.done @!p0 $0x0  }
0xc1: {  	[sflag:s0] =	ssyncadd.s32 @!p0 s1  }
0xc2: {  	[bflag:$0x3] =	sbarrier.arrive $0xFFFF  }
0xc3: {  	_ =	shalt  }

// kernel: kernel.20.cloned.1.call-start
scs
__scs_entry_jumppad:
0x0: {  	(pc) =	sbr.rel $0x88, $3  }
0x1: {  	(tag) =	ssettag $0x0;
	lr =	simm.s32 $0x1  }
0x2: {  	[smem:$0x3F9B] =	sst lr;
	_ =	strace $0xD0000000  }
0x3: {  	_ = 	snop  }
0x4: {  	_ = 	snop  }
0x5: {  	_ = 	snop  }
0x6: {  	_ = 	snop  }
0x7: {  	_ = 	snop  }
__scs_overlays_trampoline_lowered:
0x8: {  	[smem:$0x3FAA] =	sst s0  }
0x9: {  	[smem:$0x3FAB] =	sst s1  }
0xa: {  	[smem:$0x3FAC] =	sst s2  }
0xb: {  	[smem:$0x3FAD] =	sst s3  }
0xc: {  	[smem:$0x3FAE] =	sst s4  }
0xd: {  	[smem:$0x3FAF] =	sst s5  }
0xe: {  	[smem:$0x3FB0] =	sst s6  }
0xf: {  	[smem:$0x3FB1] =	sst s7  }
0x10: {  	[smem:$0x3FB2] =	sst s8  }
0x11: {  	[smem:$0x3FB3] =	sst s9;
	s0 =	simm.s32 @!p0 $0x0  }
0x12: {  	s1 =	sld [smem:$0x3F99];
	s0 =	simm.s32 @p0 $0x1  }
0x13: {  	[smem:$0x3FB4] =	sst s0;
	s0 =	simm.s32 @!p1 $0x0  }
0x14: {  	s2 =	sld [smem:$0x3F98];
	s0 =	simm.s32 @p1 $0x1  }
0x15: {  	[smem:$0x3FB5] =	sst s0;
	s0 =	simm.s32 @!p2 $0x0  }
0x16: {  	s3 =	sld [smem:$0x3FDB];
	s0 =	simm.s32 @p2 $0x1  }
0x17: {  	s4 =	simm.s32 $0x1BF5;
	[smem:$0x3FB7] =	sst s0  }
0x18: {  	s0 =	sld [smem:$0x3F9A];
	_ =	swait.ge [sflag:s4], $0x0  }
0x19: {  	s7 =	sld [smem:$0x3F9B]  }
0x1a: {  	s8 =	sadd.s32 $0xFFFFE003, lr  }
0x1b: {  	s9 =	sadd.s32 $0xFFFFFEF7, lr;
	s5 =	simm.s32 $0xFFFFFFFF;
	p2 =	slt.u32 s8, $0xFFFFF086  }
0x1c: {  	p1 =	slt.u32 s9, $0xF7A;
	s5 =	simm.s32 @!p2 $0x0  }
0x1d: {  	s5 =	simm.s32 @p1 $0x1;
	p0 =	seq.s32 s7, s2  }
0x1e: {  	s7 =	smul.u32 @!p0 $0xF7A, s2;
	p2 =	seq.s32 @!p0 s5, $0x0  }
0x1f: {  	s9 =	smul.u32 $0xF7A, s1;
	s8 =	simm.s32 @!p0 $0x1BF5;
	p2 =	por !p2, p0  }
0x20: {  	[sflag:s8] =	ssyncset.s32 @!p0 $0xFFFFF086;
	s6 =	sadd.s32 @!p0 s3, s7;
	s7 =	simm.s32 @!p0 $0x108  }
0x21: {  	s3 =	sadd.s32 s3, s9;
	s6 =	sadd.s32 @!p0 $0x88, s6;
	s7 =	simm.s32 @p2 $0x1082  }
0x22: {  	[simem:s7], [sflag:s8] =	dma.local @!p0 [hbm:s6], $0xF7A  }
0x23: {  	s9 =	sor.u32 $0xD0000000, s2;
	s6 =	simm.s32 $0x108;
	_ =	swait.ge @!p0 [sflag:s8], $0x0  }
0x24: {  	s3 =	sadd.s32 $0x88, s3;
	s6 =	simm.s32 @!p1 $0x1082;
	[sflag:s4] =	ssyncset.s32 $0xFFFFF086  }
0x25: {  	[simem:s6], [sflag:s4] =	dma.local [hbm:s3], $0xF7A  }
0x26: {  	[smem:$0x3F9B] =	sst s1;
	(tag) =	ssettag s2;
	_ =	strace s9  }
0x27: {  	s1 =	sld [smem:$0x3FAB]  }
0x28: {  	s2 =	sld [smem:$0x3FAC]  }
0x29: {  	s4 =	sld [smem:$0x3FAE]  }
0x2a: {  	p0 =	seq.s32 s5, $0x0;
	s5 =	sld [smem:$0x3FAF]  }
0x2b: {  	s6 =	sld [smem:$0x3FB0]  }
0x2c: {  	s7 =	sld [smem:$0x3FB1]  }
0x2d: {  	s3 =	simm.s32 $0x108;
	s8 =	sld [smem:$0x3FB2]  }
0x2e: {  	s3 =	simm.s32 @!p0 $0x1082;
	s9 =	sld [smem:$0x3FB3]  }
0x2f: {  	lr =	sadd.s32 s0, s3;
	s0 =	sld [smem:$0x3FAA]  }
0x30: {  	s3 =	sld [smem:$0x3FAD]  }
0x31: {  	[smem:$0x3FB6] =	sst s10  }
0x32: {  	s10 =	sld [smem:$0x3FB4];
	_ =	sdelay $0x3  }
0x33: {  	p0 =	seq.s32 s10, $0x1;
	s10 =	sld [smem:$0x3FB6];
	_ =	sdelay $0x3  }
0x34: {  	[smem:$0x3FB6] =	sst s10  }
0x35: {  	s10 =	sld [smem:$0x3FB5];
	_ =	sdelay $0x3  }
0x36: {  	p1 =	seq.s32 s10, $0x1;
	s10 =	sld [smem:$0x3FB6];
	_ =	sdelay $0x3  }
0x37: {  	[smem:$0x3FB6] =	sst s10  }
0x38: {  	s10 =	sld [smem:$0x3FB7]  }
0x39: {  	_ = 	snop;
	(pc) =	sbr.ind lr, $3  }
0x3a: {  	_ = 	snop  }
0x3b: {  	_ = 	snop  }
0x3c: {  	p2 =	seq.s32 s10, $0x1;
	s10 =	sld [smem:$0x3FB6]  }
0x3d: {  	_ =	shalt  }
0x3e: {  	_ =	shalt  }
0x3f: {  	_ =	shalt  }
0x40: {  	_ =	shalt  }
0x41: {  	_ =	shalt  }
0x42: {  	_ =	shalt  }
0x43: {  	_ =	shalt  }
0x44: {  	_ =	shalt  }
0x45: {  	_ =	shalt  }
0x46: {  	_ =	shalt  }
0x47: {  	_ =	shalt  }
0x48: {  	_ =	shalt  }
0x49: {  	_ =	shalt  }
0x4a: {  	_ =	shalt  }
0x4b: {  	_ =	shalt  }
0x4c: {  	_ =	shalt  }
0x4d: {  	_ =	shalt  }
0x4e: {  	_ =	shalt  }
0x4f: {  	_ =	shalt  }
0x50: {  	_ =	shalt  }
0x51: {  	_ =	shalt  }
0x52: {  	_ =	shalt  }
0x53: {  	_ =	shalt  }
0x54: {  	_ =	shalt  }
0x55: {  	_ =	shalt  }
0x56: {  	_ =	shalt  }
0x57: {  	_ =	shalt  }
0x58: {  	_ =	shalt  }
0x59: {  	_ =	shalt  }
0x5a: {  	_ =	shalt  }
0x5b: {  	_ =	shalt  }
0x5c: {  	_ =	shalt  }
0x5d: {  	_ =	shalt  }
0x5e: {  	_ =	shalt  }
0x5f: {  	_ =	shalt  }
0x60: {  	_ =	shalt  }
0x61: {  	_ =	shalt  }
0x62: {  	_ =	shalt  }
0x63: {  	_ =	shalt  }
0x64: {  	_ =	shalt  }
0x65: {  	_ =	shalt  }
0x66: {  	_ =	shalt  }
0x67: {  	_ =	shalt  }
0x68: {  	_ =	shalt  }
0x69: {  	_ =	shalt  }
0x6a: {  	_ =	shalt  }
0x6b: {  	_ =	shalt  }
0x6c: {  	_ =	shalt  }
0x6d: {  	_ =	shalt  }
0x6e: {  	_ =	shalt  }
0x6f: {  	_ =	shalt  }
0x70: {  	_ =	shalt  }
0x71: {  	_ =	shalt  }
0x72: {  	_ =	shalt  }
0x73: {  	_ =	shalt  }
0x74: {  	_ =	shalt  }
0x75: {  	_ =	shalt  }
0x76: {  	_ =	shalt  }
0x77: {  	_ =	shalt  }
0x78: {  	_ =	shalt  }
0x79: {  	_ =	shalt  }
0x7a: {  	_ =	shalt  }
0x7b: {  	_ =	shalt  }
0x7c: {  	_ =	shalt  }
0x7d: {  	_ =	shalt  }
0x7e: {  	_ =	shalt  }
0x7f: {  	_ =	shalt  }
0x80: {  	_ =	shalt  }
0x81: {  	_ =	shalt  }
0x82: {  	_ =	shalt  }
0x83: {  	_ =	shalt  }
0x84: {  	_ =	shalt  }
0x85: {  	_ =	shalt  }
0x86: {  	_ =	shalt  }
0x87: {  	_ =	shalt  }
.Lfunc_end0:
.L_simem_size_0:
called_computation.3_lowered:
.L_overlay_start_0:
0x88: {  	s2 =	sld [smem:$0x3FD9]  }
0x89: {  	s3 =	sld [smem:$0x3FFE];
	_ =	sdelay $0x1  }
0x8a: {  	s1 =	srdreg.scid  }
0x8b: {  	s0 =	sand.u32 $0x1, s1  }
0x8c: {  	s16 =	sshll.u32 s0, $0xA;
	s2 =	sadd.s32 s3, s2  }
0x8d: {  	s2 =	sadd.s32 s2, s16  }
0x8e: {  	[smem:$0x3FC2] =	sst s2  }
0x8f: {  	_ = 	snop  }
0x90: {  	(tm) =	ssettm $0x1  }
0x91: {  	s17 =	sld [smem:$0x3FFB];
	_ =	sdelay $0x3  }
0x92: {  	_ =	strace s17  }
0x93: {  	s2 =	sld [smem:$0x3FFC];
	_ =	sdelay $0x3  }
0x94: {  	_ =	strace s2  }
0x95: {  	s2 =	sld [smem:$0x3FFD];
	_ =	sdelay $0x3  }
0x96: {  	_ =	strace s2  }
0x97: {  	_ =	strace $0x8FFFFFFF  }
0x98: {  	s18 =	sld [smem:$0x3FDB];
	_ =	sdelay $0x1  }
0x99: {  	s19 =	simm.s32 $_scs_section_size  }
0x9a: {  	s4 =	simm.s32 $_size__tile_overlayer_lowered;
	s5 =	simm.s32 $_tile_overlayer_lowered  }
0x9b: {  	s22 =	simm.s32 $0x1BFF;
	s21 =	sshll.u32 s5, $0x1;
	s2 =	sadd.s32 s19, s18  }
0x9c: {  	s6 =	simm.s32 $0x0;
	s20 =	sshll.u32 s4, $0x1;
	s4 =	sadd.s32 s21, s2  }
0x9d: {  	[timem:s6], [sflag:s22] =	dma.local [hbm:s4], s20  }
0x9e: {  	_ =	swait.ge [sflag:s22], s20  }
0x9f: {  	s3 =	ssub.s32 $0x0, s20;
	[sflag:s22] =	ssyncset.done $0x0  }
0xa0: {  	[sflag:s22] =	ssyncadd.s32 s3;
	_ =	sdelay $0x1  }
0xa1: {  	s23 =	simm.s32 $0x1B8B  }
0xa2: {  	_ =	swait.ge [sflag:s23], $0x1  }
0xa3: {  	[sflag:s23] =	ssyncset.done $0x0  }
0xa4: {  	s25 =	simm.s32 $0x1B8E;
	s24 =	sld [smem:$0x3FFE];
	[sflag:s23] =	ssyncadd.s32 $0xFFFFFFFF  }
0xa5: {  	s26 =	simm.s32 $execute0_lowered;
	[smem:$0x3FD2] =	sst s25  }
0xa6: {  	s4 =	sshll.u32 s26, $0x1;
	_ =	strace $0x80000046;
	[dreg:$0x1] =	wrdreg $0xFFFFFFFF  }
0xa7: {  	s28 =	simm.s32 $_size_execute0_lowered;
	s2 =	sadd.s32 s2, s4;
	[dreg:$0x0] =	wrdreg $0x0  }
0xa8: {  	s4 =	sshll.u32 s28, $0x1;
	[dreg:$0x2] =	wrdreg s2  }
0xa9: {  	[dreg:$0x3] =	wrdreg s4  }
0xaa: {  	[dreg:$0x4] =	wrdreg $0xC0  }
0xab: {  	_ =	task [dreg:s6], $0x5FFFF  }
0xac: {  	[dreg:$0x1] =	wrdreg $0xFFFFFFFF  }
0xad: {  	[dreg:$0x0] =	wrdreg $0x60  }
0xae: {  	[dreg:$0x2] =	wrdreg s24  }
0xaf: {  	[dreg:$0x3] =	wrdreg $0xC  }
0xb0: {  	_ =	task.clear_ibuf [dreg:s6], $0x4FFFF;
	_ =	strace $0x90000046  }
0xb1: {  	s29 =	simm.s32 $0xC;
	_ =	strace $0x80000048  }
0xb2: {  	_ =	swait.ge [sflag:s29], $0x1  }
0xb3: {  	[sflag:s29] =	ssyncadd.s32 $0xFFFFFFFF  }
0xb4: {  	_ =	strace $0x90000048  }
0xb5: {  	_ =	sfence  }
0xb6: {  	s30 =	sld [smem:$0x0];
	_ =	sdelay $0x2  }
0xb7: {  	s31 =	sshll.u32 s1, $0xD;
	s1 =	sshrl.u32 s1, $0x2  }
0xb8: {  	s3 =	sand.u32 $0x4000, s31;
	s1 =	sadd.s32 s1, s30  }
0xb9: {  	s0 =	sor.u32 s3, s0;
	s1 =	sshll.u32 s1, $0x11  }
0xba: {  	s0 =	sor.u32 s1, s0  }
0xbb: {  	s0 =	sadd.s32 $0x8F2B, s0  }
0xbc: {  	[sflag:s0] =	ssyncadd.remote.s32 $0x1  }
0xbd: {  	_ =	sfence.sel $0xFFFF  }
0xbe: {  	[dreg:$0x0] =	wrdreg $0xFFFFFFFF;
	(pc) =	sbr.abs _section_cstart, $3  }
0xbf: {  	[dreg:$0x1] =	wrdreg $0xFFFFFFFF  }
0xc0: {  	_ =	task.clear_ibuf [dreg:s6], $0x2FFFF;
	_ =	strace $0x9FFFFFFF  }
0xc1: {  	(tm) =	ssettm $0x7FFFFFFF  }
tec
execute0_lowered:
.L_overlay_start_1:
0x0: {  	(tag) =	ssettag $0x1  }
0x1: {  	s1 =	srdreg.scid;
	s4 =	rddreg [dreg:$0x0]  }
0x2: {  	s2 =	simm.s32 $0x0;
	s5 =	sand.u32 $0x1, s1;
	s1 =	rddreg [dreg:$0x1]  }
0x3: {  	s0 =	stileid.u32;
	s24 =	simm.s32 $0x2400;
	[smem:$0x7FF] =	sst s2  }
0x4: {  	s25 =	simm.s32 $0x3600;
	_ =	strace $0x80000047;
	[dreg:$0x2] =	wrdreg s24  }
0x5: {  	s26 =	simm.s32 $0x4800;
	s28 =	simm.s32 $0x5A00;
	[dreg:$0x3] =	wrdreg s25  }
0x6: {  	s29 =	simm.s32 $0x6C00;
	s30 =	simm.s32 $0x7E00;
	[dreg:$0x4] =	wrdreg s26  }
0x7: {  	s10 =	simm.s32 $0x9000;
	s11 =	simm.s32 $0xB400;
	[dreg:$0x5] =	wrdreg s28  }
0x8: {  	s12 =	simm.s32 $0xC600;
	s13 =	simm.s32 $0xD800;
	[dreg:$0x6] =	wrdreg s29  }
0x9: {  	s14 =	simm.s32 $0xEA00;
	s15 =	simm.s32 $0xFC00;
	[dreg:$0x7] =	wrdreg s30  }
0xa: {  	s16 =	simm.s32 $0x10E00;
	s31 =	simm.s32 $0x12000;
	[dreg:$0x8] =	wrdreg s10  }
0xb: {  	s17 =	simm.s32 $0x0;
	s22 =	sshll.u32 s0, $0x1;
	[dreg:$0x9] =	wrdreg s11  }
0xc: {  	s7 =	smul.u32 $0x24000, s0;
	s3 =	sor.u32 s5, s22;
	[dreg:$0xa] =	wrdreg s12  }
0xd: {  	s8 =	ssub.s32 $0x2, s5;
	s9 =	smul.u32 $0x12000, s5;
	[dreg:$0xb] =	wrdreg s13  }
0xe: {  	s10 =	simm.s32 $0x1;
	s11 =	simm.s32 $0xA200;
	[dreg:$0xc] =	wrdreg s14  }
0xf: {  	s12 =	simm.s32 $0x80;
	s13 =	simm.s32 $0x400;
	[dreg:$0xd] =	wrdreg s15  }
0x10: {  	s14 =	simm.s32 $0x2;
	s15 =	simm.s32 $0x3;
	[dreg:$0xe] =	wrdreg s16  }
0x11: {  	[dreg:$0xf] =	wrdreg s31;
	s16 =	simm.s32 $0x4;
	s6 =	smul.u32 $0x240, s3  }
0x12: {  	s3 =	sadd.s32 $0x50000, s4;
	s7 =	sadd.s32 s7, s4;
	s23 =	sshrl.u32 s8, $0x1  }
0x13: {  	s8 =	ssub.s32 s8, s23;
	s7 =	sadd.s32 s9, s7;
	s9 =	simm.s32 $0x1200  }
0x14: {  	s6 =	sadd.s32 s6, s4;
	s5 =	smax.u32 s8, $0x1;
	s8 =	simm.s32 $0x120  }
0x15: {  	s4 =	sadd.s32 $0x42800, s6;
	s6 =	sadd.s32 $0x810000, s7;
	s7 =	simm.s32 $0x5  }
.LBB2_1:
0x16: {  	[tilespmem:s2], [sflag:$0x5] =	stream.linear.gather [hbm4b:s4+s2], $0x1200, $0x38;
	[tilespmem:$0x13200] =	vst v63  }
0x17: {  	_ =	swait.ge [sflag:s7], $0x1200  }
0x18: {  	[sflag:s7] =	ssyncset.done $0x0  }
0x19: {  	s18 =	simm.s32 $0x0;
	s19 =	simm.s32 $0x40;
	[sflag:s7] =	ssyncadd.s32 $0xFFFFEE00  }
.LBB2_2:
0x1a: {  	p0 =	sne.s32 s19, $0x47C0;
	v0 =	vld [tilespmem:s18+$0x0];
	_ =	sdelay $0x3  }
.Ltmp0:
0x1b: {  	(pc) =	sbr.rel @p0 .LBB2_2-.Ltmp0, $4  }
0x1c: {  	v1 =	vshra.s32 v0, $0x1  }
0x1d: {  	v0 =	vand.u32 $0x3FFF, v0;
	v1 =	vand.u32 $0xFFFFC000, v1  }
0x1e: {  	v0 =	vor.u32 v0, v1  }
0x1f: {  	[tilespmem:s18+$0x0] =	vst v0;
	s18 =	sshra.s32 s19, $0x2;
	s19 =	sadd.s32 $0x40, s19  }
0x20: {  	v0 =	vld [tilespmem:s18+$0x0];
	_ =	sdelay $0x4  }
0x21: {  	v1 =	vshra.s32 v0, $0x1  }
0x22: {  	p0 =	por $0x1, $0x1;
	v0 =	vand.u32 $0x3FFF, v0;
	v1 =	vand.u32 $0xFFFFC000, v1  }
0x23: {  	p0 =	por p0, p0;
	v0 =	vor.u32 v0, v1  }
0x24: {  	s26 =	simm.s32 $0x0;
	[tilespmem:s18+$0x0] =	vst v0;
	s18 =	simm.s32 @!p0 $0x4  }
0x25: {  	[tilespmem:s9], [sflag:$0x1] =	stream.indirect.gather [hbm4b:s3+s8], $0x80, s26, s8, $0xb8;
	[tilespmem:$0x13200] =	vst v63  }
0x26: {  	_ =	swait.ge @!p0 [sflag:s18], $0x9000  }
0x27: {  	[sflag:s18] =	ssyncset.done @!p0 $0x0  }
0x28: {  	[sflag:s18] =	ssyncadd.s32 @!p0 $0xFFFF7000  }
0x29: {  	_ =	swait.ge [sflag:s10], $0x9000  }
0x2a: {  	[sflag:s10] =	ssyncset.done $0x0  }
0x2b: {  	s28 =	simm.s32 $0x120;
	[sflag:s10] =	ssyncadd.s32 $0xFFFF7000  }
0x2c: {  	[tilespmem:s11], [sflag:$0x2] =	stream.indirect.gather [hbm4b:s3+s8], $0x80, s28, s8, $0xb8;
	[tilespmem:$0x13200] =	vst v63  }
0x2d: {  	_ = 	snop  }
0x2e: {  	[hbm4b:s6+s12] =	stream.strided.scatter [tilespmem:s9], [sflag:$0x3], $0x1200, s13, s12, $0x38;
	[tilespmem:$0x13200] =	vst v63  }
0x2f: {  	s19 =	sadd.s32 $0x10, s6;
	s29 =	rddreg [dreg:$0x2]  }
0x30: {  	[hbm4b:s19+s12] =	stream.strided.scatter [tilespmem:s29], [sflag:$0x3], $0x1200, s13, s12, $0x38;
	[tilespmem:$0x13200] =	vst v63  }
0x31: {  	s30 =	sadd.s32 $0x20, s6;
	s20 =	rddreg [dreg:$0x3]  }
0x32: {  	[hbm4b:s30+s12] =	stream.strided.scatter [tilespmem:s20], [sflag:$0x3], $0x1200, s13, s12, $0x38;
	[tilespmem:$0x13200] =	vst v63  }
0x33: {  	s31 =	rddreg [dreg:$0x4];
	s20 =	sadd.s32 $0x30, s6  }
0x34: {  	[hbm4b:s20+s12] =	stream.strided.scatter [tilespmem:s31], [sflag:$0x3], $0x1200, s13, s12, $0x38;
	[tilespmem:$0x13200] =	vst v63  }
0x35: {  	s22 =	sadd.s32 $0x40, s6;
	s21 =	rddreg [dreg:$0x5]  }
0x36: {  	[hbm4b:s22+s12] =	stream.strided.scatter [tilespmem:s21], [sflag:$0x3], $0x1200, s13, s12, $0x38;
	[tilespmem:$0x13200] =	vst v63  }
0x37: {  	s24 =	sadd.s32 $0x50, s6;
	s23 =	rddreg [dreg:$0x6]  }
0x38: {  	[hbm4b:s24+s12] =	stream.strided.scatter [tilespmem:s23], [sflag:$0x3], $0x1200, s13, s12, $0x38;
	[tilespmem:$0x13200] =	vst v63  }
0x39: {  	s26 =	sadd.s32 $0x60, s6;
	s25 =	rddreg [dreg:$0x7]  }
0x3a: {  	[hbm4b:s26+s12] =	stream.strided.scatter [tilespmem:s25], [sflag:$0x3], $0x1200, s13, s12, $0x38;
	[tilespmem:$0x13200] =	vst v63  }
0x3b: {  	s28 =	rddreg [dreg:$0x8];
	s29 =	sadd.s32 $0x70, s6  }
0x3c: {  	[hbm4b:s29+s12] =	stream.strided.scatter [tilespmem:s28], [sflag:$0x3], $0x1200, s13, s12, $0x38;
	[tilespmem:$0x13200] =	vst v63  }
0x3d: {  	_ =	swait.ge [sflag:s14], $0x9000  }
0x3e: {  	[sflag:s14] =	ssyncset.done $0x0  }
0x3f: {  	[sflag:s14] =	ssyncadd.s32 $0xFFFF7000  }
0x40: {  	p0 =	por $0x0, $0x0;
	_ =	swait.ge [sflag:s15], $0x9000  }
0x41: {  	s18 =	simm.s32 @!p0 $0x1200;
	[sflag:s15] =	ssyncset.done $0x0  }
0x42: {  	s19 =	simm.s32 @!p0 $0x240;
	s20 =	simm.s32 @!p0 $0x120;
	[sflag:s15] =	ssyncadd.s32 $0xFFFF7000  }
0x43: {  	[tilespmem:s18], [sflag:$0x1] =	stream.indirect.gather @!p0 [hbm4b:s3+s20], $0x80, s19, s20, $0xb8;
	[tilespmem:$0x13200] =	vst v63  }
0x44: {  	s30 =	sadd.s32 $0x1200, s6;
	s31 =	rddreg [dreg:$0x9]  }
0x45: {  	[hbm4b:s30+s12] =	stream.strided.scatter [tilespmem:s11], [sflag:$0x4], $0x1200, s13, s12, $0x38;
	[tilespmem:$0x13200] =	vst v63  }
0x46: {  	p6 =	por $0x0, $0x0;
	s21 =	rddreg [dreg:$0xa];
	s20 =	sadd.s32 $0x1210, s6  }
0x47: {  	[hbm4b:s20+s12] =	stream.strided.scatter [tilespmem:s31], [sflag:$0x4], $0x1200, s13, s12, $0x38;
	[tilespmem:$0x13200] =	vst v63  }
0x48: {  	s22 =	sadd.s32 $0x1220, s6;
	s24 =	sadd.s32 $0x1230, s6;
	s23 =	rddreg [dreg:$0xb]  }
0x49: {  	[hbm4b:s22+s12] =	stream.strided.scatter [tilespmem:s21], [sflag:$0x4], $0x1200, s13, s12, $0x38;
	[tilespmem:$0x13200] =	vst v63  }
0x4a: {  	s26 =	sadd.s32 $0x1240, s6;
	s29 =	sadd.s32 $0x1250, s6;
	s25 =	rddreg [dreg:$0xc]  }
0x4b: {  	[hbm4b:s24+s12] =	stream.strided.scatter [tilespmem:s23], [sflag:$0x4], $0x1200, s13, s12, $0x38;
	[tilespmem:$0x13200] =	vst v63  }
0x4c: {  	s28 =	rddreg [dreg:$0xd];
	s19 =	simm.s32 $0x900;
	p0 =	por p6, p6  }
0x4d: {  	[hbm4b:s26+s12] =	stream.strided.scatter [tilespmem:s25], [sflag:$0x4], $0x1200, s13, s12, $0x38;
	[tilespmem:$0x13200] =	vst v63  }
0x4e: {  	s18 =	sadd.s32 $0x2400, s6;
	s30 =	rddreg [dreg:$0xe];
	s31 =	sadd.s32 $0x1260, s6  }
0x4f: {  	[hbm4b:s29+s12] =	stream.strided.scatter [tilespmem:s28], [sflag:$0x4], $0x1200, s13, s12, $0x38;
	[tilespmem:$0x13200] =	vst v63  }
0x50: {  	s20 =	simm.s32 $0x1200;
	s21 =	rddreg [dreg:$0xf];
	s22 =	sadd.s32 $0x1270, s6  }
0x51: {  	[hbm4b:s31+s12] =	stream.strided.scatter [tilespmem:s30], [sflag:$0x4], $0x1200, s13, s12, $0x38;
	[tilespmem:$0x13200] =	vst v63  }
.LBB2_4:
0x52: {  	[hbm4b:s22+s12] =	stream.strided.scatter [tilespmem:s21], [sflag:$0x4], $0x1200, s13, s12, $0x38;
	[tilespmem:$0x13200] =	vst v63  }
0x53: {  	s22 =	simm.s32 @!p0 $0x4  }
0x54: {  	_ =	swait.ge @!p0 [sflag:s22], $0x9000  }
0x55: {  	[sflag:s22] =	ssyncset.done @!p0 $0x0  }
0x56: {  	[sflag:s22] =	ssyncadd.s32 @!p0 $0xFFFF7000  }
0x57: {  	_ =	swait.ge [sflag:s10], $0x9000  }
0x58: {  	s25 =	sshra.s32 s19, $0x2;
	[sflag:s10] =	ssyncset.done $0x0  }
0x59: {  	s22 =	sadd.s32 $0x120, s25;
	[sflag:s10] =	ssyncadd.s32 $0xFFFF7000  }
0x5a: {  	[tilespmem:s11], [sflag:$0x2] =	stream.indirect.gather [hbm4b:s3+s8], $0x80, s22, s8, $0xb8;
	[tilespmem:$0x13200] =	vst v63  }
0x5b: {  	_ = 	snop  }
0x5c: {  	[hbm4b:s18+s12] =	stream.strided.scatter [tilespmem:s9], [sflag:$0x3], $0x1200, s13, s12, $0x38;
	[tilespmem:$0x13200] =	vst v63  }
0x5d: {  	s23 =	sadd.s32 $0x10, s18;
	s26 =	rddreg [dreg:$0x2]  }
0x5e: {  	[hbm4b:s23+s12] =	stream.strided.scatter [tilespmem:s26], [sflag:$0x3], $0x1200, s13, s12, $0x38;
	[tilespmem:$0x13200] =	vst v63  }
0x5f: {  	s28 =	sadd.s32 $0x20, s18;
	s24 =	rddreg [dreg:$0x3]  }
0x60: {  	[hbm4b:s28+s12] =	stream.strided.scatter [tilespmem:s24], [sflag:$0x3], $0x1200, s13, s12, $0x38;
	[tilespmem:$0x13200] =	vst v63  }
0x61: {  	s30 =	sadd.s32 $0x30, s18;
	s29 =	rddreg [dreg:$0x4]  }
0x62: {  	[hbm4b:s30+s12] =	stream.strided.scatter [tilespmem:s29], [sflag:$0x3], $0x1200, s13, s12, $0x38;
	[tilespmem:$0x13200] =	vst v63  }
0x63: {  	s25 =	sadd.s32 $0x40, s18;
	s31 =	rddreg [dreg:$0x5]  }
0x64: {  	[hbm4b:s25+s12] =	stream.strided.scatter [tilespmem:s31], [sflag:$0x3], $0x1200, s13, s12, $0x38;
	[tilespmem:$0x13200] =	vst v63  }
0x65: {  	s26 =	rddreg [dreg:$0x6];
	s28 =	sadd.s32 $0x50, s18  }
0x66: {  	[hbm4b:s28+s12] =	stream.strided.scatter [tilespmem:s26], [sflag:$0x3], $0x1200, s13, s12, $0x38;
	[tilespmem:$0x13200] =	vst v63  }
0x67: {  	s29 =	rddreg [dreg:$0x7];
	s30 =	sadd.s32 $0x60, s18  }
0x68: {  	[hbm4b:s30+s12] =	stream.strided.scatter [tilespmem:s29], [sflag:$0x3], $0x1200, s13, s12, $0x38;
	[tilespmem:$0x13200] =	vst v63  }
0x69: {  	s24 =	sadd.s32 $0x70, s18;
	s31 =	rddreg [dreg:$0x8]  }
0x6a: {  	[hbm4b:s24+s12] =	stream.strided.scatter [tilespmem:s31], [sflag:$0x3], $0x1200, s13, s12, $0x38;
	[tilespmem:$0x13200] =	vst v63  }
0x6b: {  	s21 =	smov.u32 s20;
	_ =	swait.ge [sflag:s14], $0x9000  }
0x6c: {  	p2 =	seq.s32 s21, $0x0;
	[sflag:s14] =	ssyncset.done $0x0  }
0x6d: {  	p0 =	por p2, p2;
	p2 =	seq.s32 s19, $0x3F00;
	[sflag:s14] =	ssyncadd.s32 $0xFFFF7000  }
0x6e: {  	s19 =	sshra.s32 @!p2 s19, $0x2;
	_ =	swait.ge [sflag:s15], $0x9000  }
0x6f: {  	s19 =	sadd.s32 @!p2 $0x240, s19;
	[sflag:s15] =	ssyncset.done $0x0  }
0x70: {  	s22 =	simm.s32 @!p2 $0x1200;
	s23 =	simm.s32 @!p2 $0x120;
	[sflag:s15] =	ssyncadd.s32 $0xFFFF7000  }
0x71: {  	[tilespmem:s22], [sflag:$0x1] =	stream.indirect.gather @!p2 [hbm4b:s3+s23], $0x80, s19, s23, $0xb8;
	[tilespmem:$0x13200] =	vst v63  }
0x72: {  	s25 =	sadd.s32 $0x1200, s18  }
0x73: {  	[hbm4b:s25+s12] =	stream.strided.scatter [tilespmem:s11], [sflag:$0x4], $0x1200, s13, s12, $0x38;
	[tilespmem:$0x13200] =	vst v63  }
0x74: {  	s28 =	sadd.s32 $0x1210, s18;
	s26 =	rddreg [dreg:$0x9]  }
0x75: {  	[hbm4b:s28+s12] =	stream.strided.scatter [tilespmem:s26], [sflag:$0x4], $0x1200, s13, s12, $0x38;
	[tilespmem:$0x13200] =	vst v63  }
0x76: {  	s30 =	sadd.s32 $0x1220, s18;
	s29 =	rddreg [dreg:$0xa]  }
0x77: {  	[hbm4b:s30+s12] =	stream.strided.scatter [tilespmem:s29], [sflag:$0x4], $0x1200, s13, s12, $0x38;
	[tilespmem:$0x13200] =	vst v63  }
0x78: {  	s20 =	sadd.s32 $0x900, s20;
	s24 =	sadd.s32 $0x1230, s18;
	s31 =	rddreg [dreg:$0xb]  }
0x79: {  	[hbm4b:s24+s12] =	stream.strided.scatter [tilespmem:s31], [sflag:$0x4], $0x1200, s13, s12, $0x38;
	[tilespmem:$0x13200] =	vst v63  }
0x7a: {  	p1 =	sne.s32 s20, $0x4800;
	s25 =	rddreg [dreg:$0xc];
	s26 =	sadd.s32 $0x1240, s18  }
0x7b: {  	[hbm4b:s26+s12] =	stream.strided.scatter [tilespmem:s25], [sflag:$0x4], $0x1200, s13, s12, $0x38;
	[tilespmem:$0x13200] =	vst v63  }
.Ltmp1:
0x7c: {  	s19 =	smov.u32 s21;
	s21 =	rddreg [dreg:$0xf];
	(pc) =	sbr.rel @p1 .LBB2_4-.Ltmp1, $4  }
0x7d: {  	s22 =	sadd.s32 $0x1270, s18;
	s28 =	rddreg [dreg:$0xd];
	s29 =	sadd.s32 $0x1250, s18  }
0x7e: {  	[hbm4b:s29+s12] =	stream.strided.scatter [tilespmem:s28], [sflag:$0x4], $0x1200, s13, s12, $0x38;
	[tilespmem:$0x13200] =	vst v63  }
0x7f: {  	s30 =	rddreg [dreg:$0xe];
	s31 =	sadd.s32 $0x1260, s18;
	s18 =	sadd.s32 $0x2400, s18  }
0x80: {  	[hbm4b:s31+s12] =	stream.strided.scatter [tilespmem:s30], [sflag:$0x4], $0x1200, s13, s12, $0x38;
	[tilespmem:$0x13200] =	vst v63  }
0x81: {  	[hbm4b:s22+s12] =	stream.strided.scatter [tilespmem:s21], [sflag:$0x4], $0x1200, s13, s12, $0x38;
	[tilespmem:$0x13200] =	vst v63  }
0x82: {  	s20 =	simm.s32 @!p0 $0x4  }
0x83: {  	_ =	swait.ge @!p0 [sflag:s20], $0x9000  }
0x84: {  	[sflag:s20] =	ssyncset.done @!p0 $0x0  }
0x85: {  	[sflag:s20] =	ssyncadd.s32 @!p0 $0xFFFF7000  }
0x86: {  	_ =	swait.ge [sflag:s10], $0x9000  }
0x87: {  	s28 =	sshra.s32 s19, $0x2;
	[sflag:s10] =	ssyncset.done $0x0  }
0x88: {  	s20 =	sadd.s32 $0x120, s28;
	[sflag:s10] =	ssyncadd.s32 $0xFFFF7000  }
0x89: {  	[tilespmem:s11], [sflag:$0x2] =	stream.indirect.gather [hbm4b:s3+s8], $0x80, s20, s8, $0xb8;
	[tilespmem:$0x13200] =	vst v63  }
0x8a: {  	_ = 	snop  }
0x8b: {  	[hbm4b:s18+s12] =	stream.strided.scatter [tilespmem:s9], [sflag:$0x3], $0x1200, s13, s12, $0x38;
	[tilespmem:$0x13200] =	vst v63  }
0x8c: {  	s30 =	sadd.s32 $0x10, s18;
	s29 =	rddreg [dreg:$0x2]  }
0x8d: {  	[hbm4b:s30+s12] =	stream.strided.scatter [tilespmem:s29], [sflag:$0x3], $0x1200, s13, s12, $0x38;
	[tilespmem:$0x13200] =	vst v63  }
0x8e: {  	s23 =	sadd.s32 $0x20, s18;
	s31 =	rddreg [dreg:$0x3]  }
0x8f: {  	[hbm4b:s23+s12] =	stream.strided.scatter [tilespmem:s31], [sflag:$0x3], $0x1200, s13, s12, $0x38;
	[tilespmem:$0x13200] =	vst v63  }
0x90: {  	s25 =	sadd.s32 $0x30, s18;
	s24 =	rddreg [dreg:$0x4]  }
0x91: {  	[hbm4b:s25+s12] =	stream.strided.scatter [tilespmem:s24], [sflag:$0x3], $0x1200, s13, s12, $0x38;
	[tilespmem:$0x13200] =	vst v63  }
0x92: {  	s28 =	sadd.s32 $0x40, s18;
	s26 =	rddreg [dreg:$0x5]  }
0x93: {  	[hbm4b:s28+s12] =	stream.strided.scatter [tilespmem:s26], [sflag:$0x3], $0x1200, s13, s12, $0x38;
	[tilespmem:$0x13200] =	vst v63  }
0x94: {  	s29 =	rddreg [dreg:$0x6];
	s30 =	sadd.s32 $0x50, s18  }
0x95: {  	[hbm4b:s30+s12] =	stream.strided.scatter [tilespmem:s29], [sflag:$0x3], $0x1200, s13, s12, $0x38;
	[tilespmem:$0x13200] =	vst v63  }
0x96: {  	s21 =	sadd.s32 $0x60, s18;
	s31 =	rddreg [dreg:$0x7]  }
0x97: {  	[hbm4b:s21+s12] =	stream.strided.scatter [tilespmem:s31], [sflag:$0x3], $0x1200, s13, s12, $0x38;
	[tilespmem:$0x13200] =	vst v63  }
0x98: {  	s23 =	rddreg [dreg:$0x8];
	s24 =	sadd.s32 $0x70, s18  }
0x99: {  	[hbm4b:s24+s12] =	stream.strided.scatter [tilespmem:s23], [sflag:$0x3], $0x1200, s13, s12, $0x38;
	[tilespmem:$0x13200] =	vst v63  }
0x9a: {  	_ =	swait.ge [sflag:s14], $0x9000  }
0x9b: {  	[sflag:s14] =	ssyncset.done $0x0  }
0x9c: {  	p0 =	seq.s32 s19, $0x3F00;
	[sflag:s14] =	ssyncadd.s32 $0xFFFF7000  }
0x9d: {  	s19 =	sshra.s32 @!p0 s19, $0x2;
	_ =	swait.ge [sflag:s15], $0x9000  }
0x9e: {  	s19 =	sadd.s32 @!p0 $0x240, s19;
	[sflag:s15] =	ssyncset.done $0x0  }
0x9f: {  	s20 =	simm.s32 @!p0 $0x1200;
	s21 =	simm.s32 @!p0 $0x120;
	[sflag:s15] =	ssyncadd.s32 $0xFFFF7000  }
0xa0: {  	[tilespmem:s20], [sflag:$0x1] =	stream.indirect.gather @!p0 [hbm4b:s3+s21], $0x80, s19, s21, $0xb8;
	[tilespmem:$0x13200] =	vst v63  }
0xa1: {  	s25 =	sadd.s32 $0x1200, s18  }
0xa2: {  	[hbm4b:s25+s12] =	stream.strided.scatter [tilespmem:s11], [sflag:$0x4], $0x1200, s13, s12, $0x38;
	[tilespmem:$0x13200] =	vst v63  }
0xa3: {  	s28 =	sadd.s32 $0x1210, s18;
	s26 =	rddreg [dreg:$0x9]  }
0xa4: {  	[hbm4b:s28+s12] =	stream.strided.scatter [tilespmem:s26], [sflag:$0x4], $0x1200, s13, s12, $0x38;
	[tilespmem:$0x13200] =	vst v63  }
0xa5: {  	s30 =	sadd.s32 $0x1220, s18;
	s29 =	rddreg [dreg:$0xa]  }
0xa6: {  	[hbm4b:s30+s12] =	stream.strided.scatter [tilespmem:s29], [sflag:$0x4], $0x1200, s13, s12, $0x38;
	[tilespmem:$0x13200] =	vst v63  }
0xa7: {  	s22 =	sadd.s32 $0x1230, s18;
	s31 =	rddreg [dreg:$0xb]  }
0xa8: {  	[hbm4b:s22+s12] =	stream.strided.scatter [tilespmem:s31], [sflag:$0x4], $0x1200, s13, s12, $0x38;
	[tilespmem:$0x13200] =	vst v63  }
0xa9: {  	s24 =	sadd.s32 $0x1240, s18;
	s23 =	rddreg [dreg:$0xc]  }
0xaa: {  	[hbm4b:s24+s12] =	stream.strided.scatter [tilespmem:s23], [sflag:$0x4], $0x1200, s13, s12, $0x38;
	[tilespmem:$0x13200] =	vst v63  }
0xab: {  	s17 =	sadd.s32 $0x1, s17;
	s25 =	rddreg [dreg:$0xd];
	s26 =	sadd.s32 $0x1250, s18  }
0xac: {  	[hbm4b:s26+s12] =	stream.strided.scatter [tilespmem:s25], [sflag:$0x4], $0x1200, s13, s12, $0x38;
	[tilespmem:$0x13200] =	vst v63  }
0xad: {  	p0 =	sne.s32 s17, s5;
	s28 =	rddreg [dreg:$0xe];
	s29 =	sadd.s32 $0x1260, s18  }
0xae: {  	[hbm4b:s29+s12] =	stream.strided.scatter [tilespmem:s28], [sflag:$0x4], $0x1200, s13, s12, $0x38;
	[tilespmem:$0x13200] =	vst v63  }
.Ltmp2:
0xaf: {  	s30 =	rddreg [dreg:$0xf];
	s31 =	sadd.s32 $0x1270, s18;
	(pc) =	sbr.rel @p0 .LBB2_1-.Ltmp2, $4  }
0xb0: {  	[hbm4b:s31+s12] =	stream.strided.scatter [tilespmem:s30], [sflag:$0x4], $0x1200, s13, s12, $0x38;
	[tilespmem:$0x13200] =	vst v63  }
0xb1: {  	_ =	swait.ge [sflag:s16], $0x9000  }
0xb2: {  	[sflag:s16] =	ssyncset.done $0x0  }
0xb3: {  	[sflag:s16] =	ssyncadd.s32 $0xFFFF7000  }
0xb4: {  	_ =	sfence.sel $0x180000  }
0xb5: {  	[bflag:$0x0] =	sbarrier.arrive $0xFFFF  }
0xb6: {  	p0 =	sne.s32 s0, $0x0;
	_ =	strace $0x90000047  }
0xb7: {  	s0 =	sadd.s32 @!p0 $0x100000, s1;
	[bflag:$0x2] =	sbarrier.arrive $0xFFFF  }
0xb8: {  	[sflag:s0] =	ssyncadd.tile.s32 @!p0 $0x1;
	_ =	shalt  }
.Lfunc_end2:
_tile_overlayer_lowered:
.L_overlay_start_2:
0xb9: {  	(tag) =	ssettag $0x2  }
0xba: {  	s0 =	rddreg [dreg:$0x0];
	s2 =	stileid.u32  }
0xbb: {  	s1 =	rddreg [dreg:$0x1];
	p0 =	sne.s32 s2, $0x0  }
0xbc: {  	s3 =	rddreg [dreg:$0x2];
	[bflag:$0x3] =	sbarrier.arrive $0xFFFF;
	s2 =	simm.s32 @!p0 $0x1C05  }
0xbd: {  	[timem:s3], [sflag:s2] =	dma.local @!p0 [hbm:s0], s1  }
0xbe: {  	s0 =	simm.s32 @!p0 $0x5  }
0xbf: {  	_ =	swait.ge @!p0 [sflag:s0], s1  }
0xc0: {  	s1 =	ssub.s32 @!p0 $0x0, s1;
	[sflag:s0] =	ssyncset.done @!p0 $0x0  }
0xc1: {  	[sflag:s0] =	ssyncadd.s32 @!p0 s1  }
0xc2: {  	[bflag:$0x3] =	sbarrier.arrive $0xFFFF  }
0xc3: {  	_ =	shalt  }

</sc_bundles>
